<compile_context>
chip_gen: v7x
topology: tpu7x:2x2x1
jax: 0.10.2.dev20260603
libtpu: 0.0.44.dev20260713+nightly
codegen_flags: <defaults>
</compile_context>

<pallas_src>
import functools

import jax
import jax.numpy as jnp
from jax import lax
from jax.experimental import pallas as pl
from jax.experimental.pallas import tpu as pltpu
from jax.experimental.pallas import tpu_sc as plsc

N = 10000
E = 320000
D_IN = 128
D_H = 256
D_OUT = 128
EPS = 1e-5

NC = 2
NS = 16
NW = NC * NS
EPT = E // NW
CHUNK = 125
NCHUNK = EPT // CHUNK
NPAIR = NCHUNK // 2
HCH = NCHUNK // 2
RPT = 624
RPT_LAST = N - (NS - 1) * RPT
_MESH = plsc.VectorSubcoreMesh(core_axis_name="c", subcore_axis_name="s")


def _per_tile_rows(s, copy_fn):
    @pl.when(s < NS - 1)
    def _():
        copy_fn(pl.multiple_of(s * RPT, 8), RPT)

    @pl.when(s == NS - 1)
    def _():
        copy_fn((NS - 1) * RPT, RPT_LAST)


DW = 128


def _deg_body(dst2_hbm, zeros_hbm, ones_hbm, out_hbm, shared, ones_v, idx_d2):
    c = lax.axis_index("c")
    s = lax.axis_index("s")
    wid = c * NS + s

    _per_tile_rows(s, lambda r0, nr: pltpu.sync_copy(
        zeros_hbm.at[pl.ds(r0, nr)], shared.at[pl.ds(r0, nr)]))
    pltpu.sync_copy(ones_hbm, ones_v)
    pltpu.sync_copy(dst2_hbm.at[wid], idx_d2)
    plsc.subcore_barrier()

    def body(j, carry):
        pltpu.sync_copy(ones_v, shared.at[idx_d2.at[j]], add=True)
        return carry

    lax.fori_loop(0, NCHUNK, body, 0)
    plsc.subcore_barrier()
    _per_tile_rows(s, lambda r0, nr: pltpu.sync_copy(
        shared.at[pl.ds(r0, nr)], out_hbm.at[c, pl.ds(r0, nr)]))


_deg_kernel = functools.partial(
    pl.kernel,
    out_type=jax.ShapeDtypeStruct((NC, N, DW), jnp.float32),
    mesh=_MESH,
    scratch_types=[
        pltpu.VMEM_SHARED((N, DW), jnp.float32),
        pltpu.VMEM((CHUNK, DW), jnp.float32),
        pltpu.VMEM((NCHUNK, CHUNK), jnp.int32),
    ],
)(_deg_body)


def _agg_body(u_hbm, src2_hbm, dst2_hbm, zeros_hbm, out_hbm,
              shared, idx_s2, idx_d2, rows0, rows1, gsem0, gsem1):
    c = lax.axis_index("c")
    s = lax.axis_index("s")
    wid = c * NS + s

    @pl.when(c == 0)
    def _():
        _per_tile_rows(s, lambda r0, nr: pltpu.sync_copy(
            u_hbm.at[pl.ds(r0, nr)], shared.at[pl.ds(r0, nr)]))

    @pl.when(c != 0)
    def _():
        _per_tile_rows(s, lambda r0, nr: pltpu.sync_copy(
            zeros_hbm.at[pl.ds(r0, nr)], shared.at[pl.ds(r0, nr)]))

    plsc.subcore_barrier()

    for h in range(2):
        pltpu.sync_copy(src2_hbm.at[wid, pl.ds(h * HCH, HCH)], idx_s2)
        pltpu.sync_copy(dst2_hbm.at[wid, pl.ds(h * HCH, HCH)], idx_d2)
        pltpu.async_copy(u_hbm.at[idx_s2.at[0]], rows0, gsem0)
        pltpu.async_copy(u_hbm.at[idx_s2.at[1]], rows1, gsem1)

        def pair(k, carry):
            j0 = k * 2
            j1 = j0 + 1
            pltpu.make_async_copy(u_hbm.at[idx_s2.at[j0]], rows0, gsem0).wait()
            pltpu.sync_copy(rows0, shared.at[idx_d2.at[j0]], add=True)

            @pl.when(j0 + 2 < HCH)
            def _():
                pltpu.async_copy(u_hbm.at[idx_s2.at[j0 + 2]], rows0, gsem0)

            pltpu.make_async_copy(u_hbm.at[idx_s2.at[j1]], rows1, gsem1).wait()
            pltpu.sync_copy(rows1, shared.at[idx_d2.at[j1]], add=True)

            @pl.when(j1 + 2 < HCH)
            def _():
                pltpu.async_copy(u_hbm.at[idx_s2.at[j1 + 2]], rows1, gsem1)

            return carry

        lax.fori_loop(0, HCH // 2, pair, 0)

    plsc.subcore_barrier()
    _per_tile_rows(s, lambda r0, nr: pltpu.sync_copy(
        shared.at[pl.ds(r0, nr)], out_hbm.at[c, pl.ds(r0, nr)]))


_agg_kernel = functools.partial(
    pl.kernel,
    out_type=jax.ShapeDtypeStruct((NC, N, D_IN), jnp.float32),
    mesh=_MESH,
    scratch_types=[
        pltpu.VMEM_SHARED((N, D_IN), jnp.float32),
        pltpu.VMEM((HCH, CHUNK), jnp.int32),
        pltpu.VMEM((HCH, CHUNK), jnp.int32),
        pltpu.VMEM((CHUNK, D_IN), jnp.float32),
        pltpu.VMEM((CHUNK, D_IN), jnp.float32),
        pltpu.SemaphoreType.DMA,
        pltpu.SemaphoreType.DMA,
    ],
)(_agg_body)


BM = 1000
GRID = N // BM


def _dinv_of(p):
    return lax.rsqrt(1.0 + jnp.sum(p, axis=(0, 2)) * (1.0 / DW))[:, None]


def _tc_scale_body(degp_ref, x_ref, u_ref, dinv_ref):
    dinv = _dinv_of(degp_ref[...])
    u_ref[...] = x_ref[...] * dinv
    dinv_ref[...] = dinv


def _tc_l1_body(dinv_ref, vp_ref, w1_ref, h_ref, stats_ref):
    i = pl.program_id(0)
    dinv = dinv_ref[...]
    vp = vp_ref[...]
    w = (vp[0] + vp[1]) * dinv
    h = jnp.dot(w, w1_ref[...], preferred_element_type=jnp.float32)
    h_ref[...] = h
    st = jnp.concatenate(
        [jnp.sum(h, axis=0, keepdims=True), jnp.sum(h * h, axis=0, keepdims=True)],
        axis=0,
    )

    @pl.when(i == 0)
    def _():
        stats_ref[...] = st

    @pl.when(i != 0)
    def _():
        stats_ref[...] += st


def _tc_l2_body(dinv_ref, h_ref, stats_ref, gamma_ref, beta_ref, w2_ref, u2_ref):
    dinv = dinv_ref[...]
    st = stats_ref[...]
    mean = st[0:1] * (1.0 / N)
    var = st[1:2] * (1.0 / N) - mean * mean
    scale = gamma_ref[...] * lax.rsqrt(var + EPS)
    x2 = jnp.maximum((h_ref[...] - mean) * scale + beta_ref[...], 0.0)
    u2_ref[...] = jnp.dot(x2, w2_ref[...], preferred_element_type=jnp.float32) * dinv


def _tc_out_body(dinv_ref, vp_ref, b2_ref, out_ref):
    dinv = dinv_ref[...]
    vp = vp_ref[...]
    out_ref[...] = (vp[0] + vp[1]) * dinv + b2_ref[...]


_degp_spec = pl.BlockSpec((NC, BM, DW), lambda i: (0, i, 0))
_dinv_spec = pl.BlockSpec((BM, 1), lambda i: (i, 0))
_vp_spec = pl.BlockSpec((NC, BM, D_IN), lambda i: (0, i, 0))
_row128_spec = pl.BlockSpec((BM, D_IN), lambda i: (i, 0))
_row256_spec = pl.BlockSpec((BM, D_H), lambda i: (i, 0))
_full = lambda shape: pl.BlockSpec(shape, lambda i: tuple(0 for _ in shape))

_tc_scale = pl.pallas_call(
    _tc_scale_body,
    grid=(GRID,),
    in_specs=[_degp_spec, _row128_spec],
    out_specs=[_row128_spec, _dinv_spec],
    out_shape=[
        jax.ShapeDtypeStruct((N, D_IN), jnp.float32),
        jax.ShapeDtypeStruct((N, 1), jnp.float32),
    ],
)

_tc_l1 = pl.pallas_call(
    _tc_l1_body,
    grid=(GRID,),
    in_specs=[_dinv_spec, _vp_spec, _full((D_IN, D_H))],
    out_specs=[_row256_spec, _full((2, D_H))],
    out_shape=[
        jax.ShapeDtypeStruct((N, D_H), jnp.float32),
        jax.ShapeDtypeStruct((2, D_H), jnp.float32),
    ],
)

_tc_l2 = pl.pallas_call(
    _tc_l2_body,
    grid=(GRID,),
    in_specs=[_dinv_spec, _row256_spec, _full((2, D_H)), _full((1, D_H)),
              _full((1, D_H)), _full((D_H, D_OUT))],
    out_specs=_row128_spec,
    out_shape=jax.ShapeDtypeStruct((N, D_OUT), jnp.float32),
)

_tc_out = pl.pallas_call(
    _tc_out_body,
    grid=(GRID,),
    in_specs=[_dinv_spec, _vp_spec, _full((1, D_OUT))],
    out_specs=_row128_spec,
    out_shape=jax.ShapeDtypeStruct((N, D_OUT), jnp.float32),
)


def kernel(node_feat, edge_index, W1, b1, gamma, beta, W2, b2):
    del b1
    src2 = edge_index[0].reshape(NW, NCHUNK, CHUNK)
    dst2 = edge_index[1].reshape(NW, NCHUNK, CHUNK)
    zeros128 = jnp.zeros((N, D_IN), jnp.float32)

    degp = _deg_kernel(dst2, zeros128, jnp.ones((CHUNK, DW), jnp.float32))

    u1, dinv = _tc_scale(degp, node_feat)
    v1p = _agg_kernel(u1, src2, dst2, zeros128)
    h, stats = _tc_l1(dinv, v1p, W1)
    u2 = _tc_l2(dinv, h, stats, gamma.reshape(1, D_H), beta.reshape(1, D_H), W2)
    v2p = _agg_kernel(u2, src2, dst2, zeros128)
    return _tc_out(dinv, v2p, b2.reshape(1, D_OUT))

# --- scband reference (transcript-rebuilt; emitter-appended) ---
"""Pipeline reference for scband-gcn-429496729744 (READ-ONLY COPY).

The authoritative reference and input builder live on the scoring server;
editing this copy changes nothing except your own understanding.
"""

import jax, jax.numpy as jnp
import numpy as np

N = 10000
E = 320000
D_IN = 128
D_H = 256
D_OUT = 128
EPS = 1e-5


def setup_inputs(seed: int = 0) -> dict:
    key = jax.random.key(seed)
    ks = jax.random.split(key, 8)
    node_feat = jax.random.normal(ks[0], (N, D_IN), dtype=jnp.float32)
    edge_index = jax.random.randint(ks[1], (2, E), 0, N, dtype=jnp.int32)
    W1 = jax.random.normal(ks[2], (D_IN, D_H), dtype=jnp.float32) * (1.0 / np.sqrt(D_IN))
    b1 = jnp.zeros((D_H,), dtype=jnp.float32)
    gamma = jnp.ones((D_H,), dtype=jnp.float32)
    beta = jnp.zeros((D_H,), dtype=jnp.float32)
    W2 = jax.random.normal(ks[3], (D_H, D_OUT), dtype=jnp.float32) * (1.0 / np.sqrt(D_H))
    b2 = jnp.zeros((D_OUT,), dtype=jnp.float32)
    return {"node_feat": node_feat, "edge_index": edge_index, "W1": W1, "b1": b1,
            "gamma": gamma, "beta": beta, "W2": W2, "b2": b2}


def gcn_conv(x, edge_index, W, b, n_nodes):
    # x' = D^{-1/2} (A + I) D^{-1/2} (x @ W) + b   (PyG GCNConv default)
    h = x @ W
    src = edge_index[0]
    dst = edge_index[1]
    loop = jnp.arange(n_nodes, dtype=src.dtype)
    src = jnp.concatenate([src, loop])
    dst = jnp.concatenate([dst, loop])
    ones = jnp.ones(src.shape[0], dtype=h.dtype)
    deg = jax.ops.segment_sum(ones, dst, num_segments=n_nodes)
    dinv = jnp.where(deg > 0, jax.lax.rsqrt(deg), 0.0)
    norm = dinv[src] * dinv[dst]
    msg = h[src] * norm[:, None]
    out = jax.ops.segment_sum(msg, dst, num_segments=n_nodes)
    return out + b


def batch_norm(x, gamma, beta):
    mean = jnp.mean(x, axis=0, keepdims=True)
    var = jnp.var(x, axis=0, keepdims=True)
    xn = (x - mean) * jax.lax.rsqrt(var + EPS)
    return xn * gamma + beta


def reference(node_feat, edge_index, W1, b1, gamma, beta, W2, b2):
    x = gcn_conv(node_feat, edge_index, W1, b1, N)
    x = batch_norm(x, gamma, beta)
    x = jax.nn.relu(x)
    # dropout is identity in eval / deterministic reference
    x = gcn_conv(x, edge_index, W2, b2, N)
    return x

if __name__ == "__main__":
    import jax
    _d = setup_inputs()
    print(jax.jit(kernel)(*tuple(_d.values())))

</pallas_src>

<mosaic_0001>
#map = affine_map<(d0, d1) -> (0, 0)>
#map1 = affine_map<(d0, d1) -> (0, 0, 0)>
module attributes {stable_mosaic.version = 14 : i64} {
  func.func @_agg_body(%arg0: i32, %arg1: i32, %arg2: memref<10000x128xf32, #tpu.memory_space<hbm>>, %arg3: memref<32x80x125xi32, #tpu.memory_space<hbm>>, %arg4: memref<32x80x125xi32, #tpu.memory_space<hbm>>, %arg5: memref<10000x128xf32, #tpu.memory_space<hbm>>, %arg6: memref<2x10000x128xf32, #tpu.memory_space<hbm>>, %arg7: memref<10000x128xf32, #tpu.memory_space<vmem_shared>>, %arg8: memref<40x125xi32, #tpu.memory_space<vmem>>, %arg9: memref<40x125xi32, #tpu.memory_space<vmem>>, %arg10: memref<125x128xf32, #tpu.memory_space<vmem>>, %arg11: memref<125x128xf32, #tpu.memory_space<vmem>>, %arg12: memref<!tpu.dma_semaphore, #tpu.memory_space<semaphore_mem>>, %arg13: memref<!tpu.dma_semaphore, #tpu.memory_space<semaphore_mem>>) attributes {dimension_semantics = [#tpu.dimension_semantics<core_parallel>, #tpu.dimension_semantics<subcore_parallel>], iteration_bounds = array<i64: 2, 16>, scalar_prefetch = 0 : i64, scratch_operands = 7 : i64, tpu.core_type = #tpu.core_type<sc_vector_subcore>, window_params = [{transform_indices = #map}, {transform_indices = #map1}, {transform_indices = #map1}, {transform_indices = #map}, {transform_indices = #map1}]} {
    %mul3A = arith.constant 16 : i32
    %mul3A_0 = arith.muli %arg0, %mul3A : i32
    %add3A = arith.addi %mul3A_0, %arg1 : i32
    %eq3A = arith.constant 0 : i32
    %eq3A_1 = arith.cmpi eq, %arg0, %eq3A : i32
    %convert_element_type3A = arith.extui %eq3A_1 : i1 to i32
    %cond3A = arith.constant 0 : i32
    %cond3A_2 = arith.cmpi ne, %convert_element_type3A, %cond3A : i32
    scf.if %cond3A_2 {
      %lt3A_55 = arith.constant 15 : i32
      %lt3A_56 = arith.cmpi slt, %arg1, %lt3A_55 : i32
      %convert_element_type3A_57 = arith.extui %lt3A_56 : i1 to i32
      %cond3A_58 = arith.constant 0 : i32
      %cond3A_59 = arith.cmpi ne, %convert_element_type3A_57, %cond3A_58 : i32
      scf.if %cond3A_59 {
        %mul3A_65 = arith.constant 624 : i32
        %mul3A_66 = arith.muli %arg1, %mul3A_65 : i32
        %multiple_of3A = tpu.assume_multiple %mul3A_66, 8 : i32
        "tpu.region"() ({
          %run_scoped3A = tpu.sem_alloc : memref<!tpu.dma_semaphore, #tpu.memory_space<semaphore_mem>>
          %dma_start3A_67 = arith.constant 0 : i32
          %dma_start3A_68 = tpu.memref_slice %arg7[%multiple_of3A, %dma_start3A_67] : memref<10000x128xf32, #tpu.memory_space<vmem_shared>> -> memref<624x128xf32, #tpu.memory_space<vmem_shared>>
          %dma_start3A_69 = arith.constant 0 : i32
          %dma_start3A_70 = tpu.memref_slice %arg2[%multiple_of3A, %dma_start3A_69] : memref<10000x128xf32, #tpu.memory_space<hbm>> -> memref<624x128xf32, #tpu.memory_space<hbm>>
          tpu.enqueue_dma source(%dma_start3A_70 : memref<624x128xf32, #tpu.memory_space<hbm>>) target(%dma_start3A_68 : memref<624x128xf32, #tpu.memory_space<vmem_shared>>) target_semaphore(%run_scoped3A : memref<!tpu.dma_semaphore, #tpu.memory_space<semaphore_mem>>)
          %dma_wait3A = arith.constant 0 : i32
          %dma_wait3A_71 = tpu.memref_slice %arg7[%multiple_of3A, %dma_wait3A] : memref<10000x128xf32, #tpu.memory_space<vmem_shared>> -> memref<624x128xf32, #tpu.memory_space<vmem_shared>>
          %dma_wait3A_72 = arith.constant 0 : i32
          %dma_wait3A_73 = tpu.memref_slice %arg2[%multiple_of3A, %dma_wait3A_72] : memref<10000x128xf32, #tpu.memory_space<hbm>> -> memref<624x128xf32, #tpu.memory_space<hbm>>
          tpu.wait_dma2 semaphore(%run_scoped3A : memref<!tpu.dma_semaphore, #tpu.memory_space<semaphore_mem>>) src(%dma_wait3A_73 : memref<624x128xf32, #tpu.memory_space<hbm>>) dst(%dma_wait3A_71 : memref<624x128xf32, #tpu.memory_space<vmem_shared>>)
          tpu.yield
        }) : () -> ()
      } else {
      }
      %eq3A_60 = arith.constant 15 : i32
      %eq3A_61 = arith.cmpi eq, %arg1, %eq3A_60 : i32
      %convert_element_type3A_62 = arith.extui %eq3A_61 : i1 to i32
      %cond3A_63 = arith.constant 0 : i32
      %cond3A_64 = arith.cmpi ne, %convert_element_type3A_62, %cond3A_63 : i32
      scf.if %cond3A_64 {
        "tpu.region"() ({
          %run_scoped3A = tpu.sem_alloc : memref<!tpu.dma_semaphore, #tpu.memory_space<semaphore_mem>>
          %dma_start3A_65 = arith.constant 9360 : i32
          %dma_start3A_66 = arith.constant 0 : i32
          %dma_start3A_67 = tpu.memref_slice %arg7[%dma_start3A_65, %dma_start3A_66] : memref<10000x128xf32, #tpu.memory_space<vmem_shared>> -> memref<640x128xf32, #tpu.memory_space<vmem_shared>>
          %dma_start3A_68 = arith.constant 9360 : i32
          %dma_start3A_69 = arith.constant 0 : i32
          %dma_start3A_70 = tpu.memref_slice %arg2[%dma_start3A_68, %dma_start3A_69] : memref<10000x128xf32, #tpu.memory_space<hbm>> -> memref<640x128xf32, #tpu.memory_space<hbm>>
          tpu.enqueue_dma source(%dma_start3A_70 : memref<640x128xf32, #tpu.memory_space<hbm>>) target(%dma_start3A_67 : memref<640x128xf32, #tpu.memory_space<vmem_shared>>) target_semaphore(%run_scoped3A : memref<!tpu.dma_semaphore, #tpu.memory_space<semaphore_mem>>)
          %dma_wait3A = arith.constant 9360 : i32
          %dma_wait3A_71 = arith.constant 0 : i32
          %dma_wait3A_72 = tpu.memref_slice %arg7[%dma_wait3A, %dma_wait3A_71] : memref<10000x128xf32, #tpu.memory_space<vmem_shared>> -> memref<640x128xf32, #tpu.memory_space<vmem_shared>>
          %dma_wait3A_73 = arith.constant 9360 : i32
          %dma_wait3A_74 = arith.constant 0 : i32
          %dma_wait3A_75 = tpu.memref_slice %arg2[%dma_wait3A_73, %dma_wait3A_74] : memref<10000x128xf32, #tpu.memory_space<hbm>> -> memref<640x128xf32, #tpu.memory_space<hbm>>
          tpu.wait_dma2 semaphore(%run_scoped3A : memref<!tpu.dma_semaphore, #tpu.memory_space<semaphore_mem>>) src(%dma_wait3A_75 : memref<640x128xf32, #tpu.memory_space<hbm>>) dst(%dma_wait3A_72 : memref<640x128xf32, #tpu.memory_space<vmem_shared>>)
          tpu.yield
        }) : () -> ()
      } else {
      }
    } else {
    }
    %ne3A = arith.constant 0 : i32
    %ne3A_3 = arith.cmpi ne, %arg0, %ne3A : i32
    %convert_element_type3A_4 = arith.extui %ne3A_3 : i1 to i32
    %cond3A_5 = arith.constant 0 : i32
    %cond3A_6 = arith.cmpi ne, %convert_element_type3A_4, %cond3A_5 : i32
    scf.if %cond3A_6 {
      %lt3A_55 = arith.constant 15 : i32
      %lt3A_56 = arith.cmpi slt, %arg1, %lt3A_55 : i32
      %convert_element_type3A_57 = arith.extui %lt3A_56 : i1 to i32
      %cond3A_58 = arith.constant 0 : i32
      %cond3A_59 = arith.cmpi ne, %convert_element_type3A_57, %cond3A_58 : i32
      scf.if %cond3A_59 {
        %mul3A_65 = arith.constant 624 : i32
        %mul3A_66 = arith.muli %arg1, %mul3A_65 : i32
        %multiple_of3A = tpu.assume_multiple %mul3A_66, 8 : i32
        "tpu.region"() ({
          %run_scoped3A = tpu.sem_alloc : memref<!tpu.dma_semaphore, #tpu.memory_space<semaphore_mem>>
          %dma_start3A_67 = arith.constant 0 : i32
          %dma_start3A_68 = tpu.memref_slice %arg7[%multiple_of3A, %dma_start3A_67] : memref<10000x128xf32, #tpu.memory_space<vmem_shared>> -> memref<624x128xf32, #tpu.memory_space<vmem_shared>>
          %dma_start3A_69 = arith.constant 0 : i32
          %dma_start3A_70 = tpu.memref_slice %arg5[%multiple_of3A, %dma_start3A_69] : memref<10000x128xf32, #tpu.memory_space<hbm>> -> memref<624x128xf32, #tpu.memory_space<hbm>>
          tpu.enqueue_dma source(%dma_start3A_70 : memref<624x128xf32, #tpu.memory_space<hbm>>) target(%dma_start3A_68 : memref<624x128xf32, #tpu.memory_space<vmem_shared>>) target_semaphore(%run_scoped3A : memref<!tpu.dma_semaphore, #tpu.memory_space<semaphore_mem>>)
          %dma_wait3A = arith.constant 0 : i32
          %dma_wait3A_71 = tpu.memref_slice %arg7[%multiple_of3A, %dma_wait3A] : memref<10000x128xf32, #tpu.memory_space<vmem_shared>> -> memref<624x128xf32, #tpu.memory_space<vmem_shared>>
          %dma_wait3A_72 = arith.constant 0 : i32
          %dma_wait3A_73 = tpu.memref_slice %arg5[%multiple_of3A, %dma_wait3A_72] : memref<10000x128xf32, #tpu.memory_space<hbm>> -> memref<624x128xf32, #tpu.memory_space<hbm>>
          tpu.wait_dma2 semaphore(%run_scoped3A : memref<!tpu.dma_semaphore, #tpu.memory_space<semaphore_mem>>) src(%dma_wait3A_73 : memref<624x128xf32, #tpu.memory_space<hbm>>) dst(%dma_wait3A_71 : memref<624x128xf32, #tpu.memory_space<vmem_shared>>)
          tpu.yield
        }) : () -> ()
      } else {
      }
      %eq3A_60 = arith.constant 15 : i32
      %eq3A_61 = arith.cmpi eq, %arg1, %eq3A_60 : i32
      %convert_element_type3A_62 = arith.extui %eq3A_61 : i1 to i32
      %cond3A_63 = arith.constant 0 : i32
      %cond3A_64 = arith.cmpi ne, %convert_element_type3A_62, %cond3A_63 : i32
      scf.if %cond3A_64 {
        "tpu.region"() ({
          %run_scoped3A = tpu.sem_alloc : memref<!tpu.dma_semaphore, #tpu.memory_space<semaphore_mem>>
          %dma_start3A_65 = arith.constant 9360 : i32
          %dma_start3A_66 = arith.constant 0 : i32
          %dma_start3A_67 = tpu.memref_slice %arg7[%dma_start3A_65, %dma_start3A_66] : memref<10000x128xf32, #tpu.memory_space<vmem_shared>> -> memref<640x128xf32, #tpu.memory_space<vmem_shared>>
          %dma_start3A_68 = arith.constant 9360 : i32
          %dma_start3A_69 = arith.constant 0 : i32
          %dma_start3A_70 = tpu.memref_slice %arg5[%dma_start3A_68, %dma_start3A_69] : memref<10000x128xf32, #tpu.memory_space<hbm>> -> memref<640x128xf32, #tpu.memory_space<hbm>>
          tpu.enqueue_dma source(%dma_start3A_70 : memref<640x128xf32, #tpu.memory_space<hbm>>) target(%dma_start3A_67 : memref<640x128xf32, #tpu.memory_space<vmem_shared>>) target_semaphore(%run_scoped3A : memref<!tpu.dma_semaphore, #tpu.memory_space<semaphore_mem>>)
          %dma_wait3A = arith.constant 9360 : i32
          %dma_wait3A_71 = arith.constant 0 : i32
          %dma_wait3A_72 = tpu.memref_slice %arg7[%dma_wait3A, %dma_wait3A_71] : memref<10000x128xf32, #tpu.memory_space<vmem_shared>> -> memref<640x128xf32, #tpu.memory_space<vmem_shared>>
          %dma_wait3A_73 = arith.constant 9360 : i32
          %dma_wait3A_74 = arith.constant 0 : i32
          %dma_wait3A_75 = tpu.memref_slice %arg5[%dma_wait3A_73, %dma_wait3A_74] : memref<10000x128xf32, #tpu.memory_space<hbm>> -> memref<640x128xf32, #tpu.memory_space<hbm>>
          tpu.wait_dma2 semaphore(%run_scoped3A : memref<!tpu.dma_semaphore, #tpu.memory_space<semaphore_mem>>) src(%dma_wait3A_75 : memref<640x128xf32, #tpu.memory_space<hbm>>) dst(%dma_wait3A_72 : memref<640x128xf32, #tpu.memory_space<vmem_shared>>)
          tpu.yield
        }) : () -> ()
      } else {
      }
    } else {
    }
    %barrier3A = arith.constant 0 : index
    tpu.barrier barrier_id(%barrier3A)
    "tpu.region"() ({
      %run_scoped3A = tpu.sem_alloc : memref<!tpu.dma_semaphore, #tpu.memory_space<semaphore_mem>>
      %dma_start3A_55 = arith.constant 0 : i32
      %dma_start3A_56 = arith.constant 0 : i32
      %dma_start3A_57 = tpu.memref_slice %arg3[%add3A, %dma_start3A_55, %dma_start3A_56] : memref<32x80x125xi32, #tpu.memory_space<hbm>> -> memref<1x40x125xi32, #tpu.memory_space<hbm>>
      %dma_start3A_58 = tpu.memref_squeeze %dma_start3A_57 : memref<1x40x125xi32, #tpu.memory_space<hbm>> -> memref<40x125xi32, #tpu.memory_space<hbm>>
      %dma_start3A_59 = arith.constant 0 : i32
      %dma_start3A_60 = arith.constant 0 : i32
      %dma_start3A_61 = tpu.memref_slice %arg3[%add3A, %dma_start3A_59, %dma_start3A_60] : memref<32x80x125xi32, #tpu.memory_space<hbm>> -> memref<1x40x125xi32, #tpu.memory_space<hbm>>
      %dma_start3A_62 = tpu.memref_squeeze %dma_start3A_61 : memref<1x40x125xi32, #tpu.memory_space<hbm>> -> memref<40x125xi32, #tpu.memory_space<hbm>>
      tpu.enqueue_dma source(%dma_start3A_62 : memref<40x125xi32, #tpu.memory_space<hbm>>) target(%arg8 : memref<40x125xi32, #tpu.memory_space<vmem>>) target_semaphore(%run_scoped3A : memref<!tpu.dma_semaphore, #tpu.memory_space<semaphore_mem>>)
      %dma_wait3A = arith.constant 0 : i32
      %dma_wait3A_63 = arith.constant 0 : i32
      %dma_wait3A_64 = tpu.memref_slice %arg3[%add3A, %dma_wait3A, %dma_wait3A_63] : memref<32x80x125xi32, #tpu.memory_space<hbm>> -> memref<1x40x125xi32, #tpu.memory_space<hbm>>
      %dma_wait3A_65 = tpu.memref_squeeze %dma_wait3A_64 : memref<1x40x125xi32, #tpu.memory_space<hbm>> -> memref<40x125xi32, #tpu.memory_space<hbm>>
      %dma_wait3A_66 = arith.constant 0 : i32
      %dma_wait3A_67 = arith.constant 0 : i32
      %dma_wait3A_68 = tpu.memref_slice %arg3[%add3A, %dma_wait3A_66, %dma_wait3A_67] : memref<32x80x125xi32, #tpu.memory_space<hbm>> -> memref<1x40x125xi32, #tpu.memory_space<hbm>>
      %dma_wait3A_69 = tpu.memref_squeeze %dma_wait3A_68 : memref<1x40x125xi32, #tpu.memory_space<hbm>> -> memref<40x125xi32, #tpu.memory_space<hbm>>
      tpu.wait_dma2 semaphore(%run_scoped3A : memref<!tpu.dma_semaphore, #tpu.memory_space<semaphore_mem>>) src(%dma_wait3A_69 : memref<40x125xi32, #tpu.memory_space<hbm>>) dst(%arg8 : memref<40x125xi32, #tpu.memory_space<vmem>>)
      tpu.yield
    }) : () -> ()
    "tpu.region"() ({
      %run_scoped3A = tpu.sem_alloc : memref<!tpu.dma_semaphore, #tpu.memory_space<semaphore_mem>>
      %dma_start3A_55 = arith.constant 0 : i32
      %dma_start3A_56 = arith.constant 0 : i32
      %dma_start3A_57 = tpu.memref_slice %arg4[%add3A, %dma_start3A_55, %dma_start3A_56] : memref<32x80x125xi32, #tpu.memory_space<hbm>> -> memref<1x40x125xi32, #tpu.memory_space<hbm>>
      %dma_start3A_58 = tpu.memref_squeeze %dma_start3A_57 : memref<1x40x125xi32, #tpu.memory_space<hbm>> -> memref<40x125xi32, #tpu.memory_space<hbm>>
      %dma_start3A_59 = arith.constant 0 : i32
      %dma_start3A_60 = arith.constant 0 : i32
      %dma_start3A_61 = tpu.memref_slice %arg4[%add3A, %dma_start3A_59, %dma_start3A_60] : memref<32x80x125xi32, #tpu.memory_space<hbm>> -> memref<1x40x125xi32, #tpu.memory_space<hbm>>
      %dma_start3A_62 = tpu.memref_squeeze %dma_start3A_61 : memref<1x40x125xi32, #tpu.memory_space<hbm>> -> memref<40x125xi32, #tpu.memory_space<hbm>>
      tpu.enqueue_dma source(%dma_start3A_62 : memref<40x125xi32, #tpu.memory_space<hbm>>) target(%arg9 : memref<40x125xi32, #tpu.memory_space<vmem>>) target_semaphore(%run_scoped3A : memref<!tpu.dma_semaphore, #tpu.memory_space<semaphore_mem>>)
      %dma_wait3A = arith.constant 0 : i32
      %dma_wait3A_63 = arith.constant 0 : i32
      %dma_wait3A_64 = tpu.memref_slice %arg4[%add3A, %dma_wait3A, %dma_wait3A_63] : memref<32x80x125xi32, #tpu.memory_space<hbm>> -> memref<1x40x125xi32, #tpu.memory_space<hbm>>
      %dma_wait3A_65 = tpu.memref_squeeze %dma_wait3A_64 : memref<1x40x125xi32, #tpu.memory_space<hbm>> -> memref<40x125xi32, #tpu.memory_space<hbm>>
      %dma_wait3A_66 = arith.constant 0 : i32
      %dma_wait3A_67 = arith.constant 0 : i32
      %dma_wait3A_68 = tpu.memref_slice %arg4[%add3A, %dma_wait3A_66, %dma_wait3A_67] : memref<32x80x125xi32, #tpu.memory_space<hbm>> -> memref<1x40x125xi32, #tpu.memory_space<hbm>>
      %dma_wait3A_69 = tpu.memref_squeeze %dma_wait3A_68 : memref<1x40x125xi32, #tpu.memory_space<hbm>> -> memref<40x125xi32, #tpu.memory_space<hbm>>
      tpu.wait_dma2 semaphore(%run_scoped3A : memref<!tpu.dma_semaphore, #tpu.memory_space<semaphore_mem>>) src(%dma_wait3A_69 : memref<40x125xi32, #tpu.memory_space<hbm>>) dst(%arg9 : memref<40x125xi32, #tpu.memory_space<vmem>>)
      tpu.yield
    }) : () -> ()
    %dma_start3A = arith.constant 0 : i32
    %dma_start3A_7 = arith.constant 0 : i32
    %dma_start3A_8 = tpu.memref_slice %arg8[%dma_start3A, %dma_start3A_7] : memref<40x125xi32, #tpu.memory_space<vmem>> -> memref<1x125xi32, #tpu.memory_space<vmem>>
    %dma_start3A_9 = tpu.memref_squeeze %dma_start3A_8 : memref<1x125xi32, #tpu.memory_space<vmem>> -> memref<125xi32, #tpu.memory_space<vmem>>
    %dma_start3A_10 = arith.constant 0 : i32
    %dma_start3A_11 = arith.constant 0 : i32
    %dma_start3A_12 = tpu.memref_slice %arg2[%dma_start3A_10, %dma_start3A_11] : memref<10000x128xf32, #tpu.memory_space<hbm>> -> memref<10000x128xf32, #tpu.memory_space<hbm>>
    tpu.enqueue_indirect_dma source(%dma_start3A_12 : memref<10000x128xf32, #tpu.memory_space<hbm>>) target(%arg10 : memref<125x128xf32, #tpu.memory_space<vmem>>) offsets(%dma_start3A_9 : memref<125xi32, #tpu.memory_space<vmem>>) semaphore(%arg12 : memref<!tpu.dma_semaphore, #tpu.memory_space<semaphore_mem>>)
    %dma_start3A_13 = arith.constant 1 : i32
    %dma_start3A_14 = arith.constant 0 : i32
    %dma_start3A_15 = tpu.memref_slice %arg8[%dma_start3A_13, %dma_start3A_14] : memref<40x125xi32, #tpu.memory_space<vmem>> -> memref<1x125xi32, #tpu.memory_space<vmem>>
    %dma_start3A_16 = tpu.memref_squeeze %dma_start3A_15 : memref<1x125xi32, #tpu.memory_space<vmem>> -> memref<125xi32, #tpu.memory_space<vmem>>
    %dma_start3A_17 = arith.constant 0 : i32
    %dma_start3A_18 = arith.constant 0 : i32
    %dma_start3A_19 = tpu.memref_slice %arg2[%dma_start3A_17, %dma_start3A_18] : memref<10000x128xf32, #tpu.memory_space<hbm>> -> memref<10000x128xf32, #tpu.memory_space<hbm>>
    tpu.enqueue_indirect_dma source(%dma_start3A_19 : memref<10000x128xf32, #tpu.memory_space<hbm>>) target(%arg11 : memref<125x128xf32, #tpu.memory_space<vmem>>) offsets(%dma_start3A_16 : memref<125xi32, #tpu.memory_space<vmem>>) semaphore(%arg13 : memref<!tpu.dma_semaphore, #tpu.memory_space<semaphore_mem>>)
    %scan3A = arith.constant 0 : i32
    %scan3A_20 = arith.constant 0 : i32
    %scan3A_21 = arith.constant 20 : i32
    %scan3A_22 = arith.addi %scan3A_20, %scan3A_21 : i32
    %scan3A_23 = arith.constant 1 : i32
    scf.for %scan3A_55 = %scan3A_20 to %scan3A_22 step %scan3A_23  : i32 {
      %mul3A_56 = arith.constant 2 : i32
      %mul3A_57 = arith.muli %scan3A_55, %mul3A_56 : i32
      %add3A_58 = arith.constant 1 : i32
      %add3A_59 = arith.addi %mul3A_57, %add3A_58 : i32
      %dma_wait3A = arith.constant 0 : i32
      %dma_wait3A_60 = tpu.memref_slice %arg8[%mul3A_57, %dma_wait3A] : memref<40x125xi32, #tpu.memory_space<vmem>> -> memref<1x125xi32, #tpu.memory_space<vmem>>
      %dma_wait3A_61 = tpu.memref_squeeze %dma_wait3A_60 : memref<1x125xi32, #tpu.memory_space<vmem>> -> memref<125xi32, #tpu.memory_space<vmem>>
      %dma_wait3A_62 = arith.constant 0 : i32
      %dma_wait3A_63 = arith.constant 0 : i32
      %dma_wait3A_64 = tpu.memref_slice %arg2[%dma_wait3A_62, %dma_wait3A_63] : memref<10000x128xf32, #tpu.memory_space<hbm>> -> memref<10000x128xf32, #tpu.memory_space<hbm>>
      tpu.wait_indirect_dma semaphore(%arg12 : memref<!tpu.dma_semaphore, #tpu.memory_space<semaphore_mem>>) src(%dma_wait3A_64 : memref<10000x128xf32, #tpu.memory_space<hbm>>) dst(%arg10 : memref<125x128xf32, #tpu.memory_space<vmem>>)
      "tpu.region"() ({
        %run_scoped3A = tpu.sem_alloc : memref<!tpu.dma_semaphore, #tpu.memory_space<semaphore_mem>>
        %dma_start3A_85 = arith.constant 0 : i32
        %dma_start3A_86 = tpu.memref_slice %arg9[%mul3A_57, %dma_start3A_85] : memref<40x125xi32, #tpu.memory_space<vmem>> -> memref<1x125xi32, #tpu.memory_space<vmem>>
        %dma_start3A_87 = tpu.memref_squeeze %dma_start3A_86 : memref<1x125xi32, #tpu.memory_space<vmem>> -> memref<125xi32, #tpu.memory_space<vmem>>
        %dma_start3A_88 = arith.constant 0 : i32
        %dma_start3A_89 = arith.constant 0 : i32
        %dma_start3A_90 = tpu.memref_slice %arg7[%dma_start3A_88, %dma_start3A_89] : memref<10000x128xf32, #tpu.memory_space<vmem_shared>> -> memref<10000x128xf32, #tpu.memory_space<vmem_shared>>
        tpu.enqueue_indirect_dma source(%arg10 : memref<125x128xf32, #tpu.memory_space<vmem>>) target(%dma_start3A_90 : memref<10000x128xf32, #tpu.memory_space<vmem_shared>>) offsets(%dma_start3A_87 : memref<125xi32, #tpu.memory_space<vmem>>) semaphore(%run_scoped3A : memref<!tpu.dma_semaphore, #tpu.memory_space<semaphore_mem>>) {add = true}
        %dma_wait3A_91 = arith.constant 0 : i32
        %dma_wait3A_92 = tpu.memref_slice %arg9[%mul3A_57, %dma_wait3A_91] : memref<40x125xi32, #tpu.memory_space<vmem>> -> memref<1x125xi32, #tpu.memory_space<vmem>>
        %dma_wait3A_93 = tpu.memref_squeeze %dma_wait3A_92 : memref<1x125xi32, #tpu.memory_space<vmem>> -> memref<125xi32, #tpu.memory_space<vmem>>
        %dma_wait3A_94 = arith.constant 0 : i32
        %dma_wait3A_95 = arith.constant 0 : i32
        %dma_wait3A_96 = tpu.memref_slice %arg7[%dma_wait3A_94, %dma_wait3A_95] : memref<10000x128xf32, #tpu.memory_space<vmem_shared>> -> memref<10000x128xf32, #tpu.memory_space<vmem_shared>>
        tpu.wait_indirect_dma semaphore(%run_scoped3A : memref<!tpu.dma_semaphore, #tpu.memory_space<semaphore_mem>>) src(%arg10 : memref<125x128xf32, #tpu.memory_space<vmem>>) dst(%dma_wait3A_96 : memref<10000x128xf32, #tpu.memory_space<vmem_shared>>)
        tpu.yield
      }) : () -> ()
      %add3A_65 = arith.constant 2 : i32
      %add3A_66 = arith.addi %mul3A_57, %add3A_65 : i32
      %lt3A_67 = arith.constant 40 : i32
      %lt3A_68 = arith.cmpi slt, %add3A_66, %lt3A_67 : i32
      %convert_element_type3A_69 = arith.extui %lt3A_68 : i1 to i32
      %cond3A_70 = arith.constant 0 : i32
      %cond3A_71 = arith.cmpi ne, %convert_element_type3A_69, %cond3A_70 : i32
      scf.if %cond3A_71 {
        %add3A_85 = arith.constant 2 : i32
        %add3A_86 = arith.addi %mul3A_57, %add3A_85 : i32
        %dma_start3A_87 = arith.constant 0 : i32
        %dma_start3A_88 = tpu.memref_slice %arg8[%add3A_86, %dma_start3A_87] : memref<40x125xi32, #tpu.memory_space<vmem>> -> memref<1x125xi32, #tpu.memory_space<vmem>>
        %dma_start3A_89 = tpu.memref_squeeze %dma_start3A_88 : memref<1x125xi32, #tpu.memory_space<vmem>> -> memref<125xi32, #tpu.memory_space<vmem>>
        %dma_start3A_90 = arith.constant 0 : i32
        %dma_start3A_91 = arith.constant 0 : i32
        %dma_start3A_92 = tpu.memref_slice %arg2[%dma_start3A_90, %dma_start3A_91] : memref<10000x128xf32, #tpu.memory_space<hbm>> -> memref<10000x128xf32, #tpu.memory_space<hbm>>
        tpu.enqueue_indirect_dma source(%dma_start3A_92 : memref<10000x128xf32, #tpu.memory_space<hbm>>) target(%arg10 : memref<125x128xf32, #tpu.memory_space<vmem>>) offsets(%dma_start3A_89 : memref<125xi32, #tpu.memory_space<vmem>>) semaphore(%arg12 : memref<!tpu.dma_semaphore, #tpu.memory_space<semaphore_mem>>)
      } else {
      }
      %dma_wait3A_72 = arith.constant 0 : i32
      %dma_wait3A_73 = tpu.memref_slice %arg8[%add3A_59, %dma_wait3A_72] : memref<40x125xi32, #tpu.memory_space<vmem>> -> memref<1x125xi32, #tpu.memory_space<vmem>>
      %dma_wait3A_74 = tpu.memref_squeeze %dma_wait3A_73 : memref<1x125xi32, #tpu.memory_space<vmem>> -> memref<125xi32, #tpu.memory_space<vmem>>
      %dma_wait3A_75 = arith.constant 0 : i32
      %dma_wait3A_76 = arith.constant 0 : i32
      %dma_wait3A_77 = tpu.memref_slice %arg2[%dma_wait3A_75, %dma_wait3A_76] : memref<10000x128xf32, #tpu.memory_space<hbm>> -> memref<10000x128xf32, #tpu.memory_space<hbm>>
      tpu.wait_indirect_dma semaphore(%arg13 : memref<!tpu.dma_semaphore, #tpu.memory_space<semaphore_mem>>) src(%dma_wait3A_77 : memref<10000x128xf32, #tpu.memory_space<hbm>>) dst(%arg11 : memref<125x128xf32, #tpu.memory_space<vmem>>)
      "tpu.region"() ({
        %run_scoped3A = tpu.sem_alloc : memref<!tpu.dma_semaphore, #tpu.memory_space<semaphore_mem>>
        %dma_start3A_85 = arith.constant 0 : i32
        %dma_start3A_86 = tpu.memref_slice %arg9[%add3A_59, %dma_start3A_85] : memref<40x125xi32, #tpu.memory_space<vmem>> -> memref<1x125xi32, #tpu.memory_space<vmem>>
        %dma_start3A_87 = tpu.memref_squeeze %dma_start3A_86 : memref<1x125xi32, #tpu.memory_space<vmem>> -> memref<125xi32, #tpu.memory_space<vmem>>
        %dma_start3A_88 = arith.constant 0 : i32
        %dma_start3A_89 = arith.constant 0 : i32
        %dma_start3A_90 = tpu.memref_slice %arg7[%dma_start3A_88, %dma_start3A_89] : memref<10000x128xf32, #tpu.memory_space<vmem_shared>> -> memref<10000x128xf32, #tpu.memory_space<vmem_shared>>
        tpu.enqueue_indirect_dma source(%arg11 : memref<125x128xf32, #tpu.memory_space<vmem>>) target(%dma_start3A_90 : memref<10000x128xf32, #tpu.memory_space<vmem_shared>>) offsets(%dma_start3A_87 : memref<125xi32, #tpu.memory_space<vmem>>) semaphore(%run_scoped3A : memref<!tpu.dma_semaphore, #tpu.memory_space<semaphore_mem>>) {add = true}
        %dma_wait3A_91 = arith.constant 0 : i32
        %dma_wait3A_92 = tpu.memref_slice %arg9[%add3A_59, %dma_wait3A_91] : memref<40x125xi32, #tpu.memory_space<vmem>> -> memref<1x125xi32, #tpu.memory_space<vmem>>
        %dma_wait3A_93 = tpu.memref_squeeze %dma_wait3A_92 : memref<1x125xi32, #tpu.memory_space<vmem>> -> memref<125xi32, #tpu.memory_space<vmem>>
        %dma_wait3A_94 = arith.constant 0 : i32
        %dma_wait3A_95 = arith.constant 0 : i32
        %dma_wait3A_96 = tpu.memref_slice %arg7[%dma_wait3A_94, %dma_wait3A_95] : memref<10000x128xf32, #tpu.memory_space<vmem_shared>> -> memref<10000x128xf32, #tpu.memory_space<vmem_shared>>
        tpu.wait_indirect_dma semaphore(%run_scoped3A : memref<!tpu.dma_semaphore, #tpu.memory_space<semaphore_mem>>) src(%arg11 : memref<125x128xf32, #tpu.memory_space<vmem>>) dst(%dma_wait3A_96 : memref<10000x128xf32, #tpu.memory_space<vmem_shared>>)
        tpu.yield
      }) : () -> ()
      %add3A_78 = arith.constant 2 : i32
      %add3A_79 = arith.addi %add3A_59, %add3A_78 : i32
      %lt3A_80 = arith.constant 40 : i32
      %lt3A_81 = arith.cmpi slt, %add3A_79, %lt3A_80 : i32
      %convert_element_type3A_82 = arith.extui %lt3A_81 : i1 to i32
      %cond3A_83 = arith.constant 0 : i32
      %cond3A_84 = arith.cmpi ne, %convert_element_type3A_82, %cond3A_83 : i32
      scf.if %cond3A_84 {
        %add3A_85 = arith.constant 2 : i32
        %add3A_86 = arith.addi %add3A_59, %add3A_85 : i32
        %dma_start3A_87 = arith.constant 0 : i32
        %dma_start3A_88 = tpu.memref_slice %arg8[%add3A_86, %dma_start3A_87] : memref<40x125xi32, #tpu.memory_space<vmem>> -> memref<1x125xi32, #tpu.memory_space<vmem>>
        %dma_start3A_89 = tpu.memref_squeeze %dma_start3A_88 : memref<1x125xi32, #tpu.memory_space<vmem>> -> memref<125xi32, #tpu.memory_space<vmem>>
        %dma_start3A_90 = arith.constant 0 : i32
        %dma_start3A_91 = arith.constant 0 : i32
        %dma_start3A_92 = tpu.memref_slice %arg2[%dma_start3A_90, %dma_start3A_91] : memref<10000x128xf32, #tpu.memory_space<hbm>> -> memref<10000x128xf32, #tpu.memory_space<hbm>>
        tpu.enqueue_indirect_dma source(%dma_start3A_92 : memref<10000x128xf32, #tpu.memory_space<hbm>>) target(%arg11 : memref<125x128xf32, #tpu.memory_space<vmem>>) offsets(%dma_start3A_89 : memref<125xi32, #tpu.memory_space<vmem>>) semaphore(%arg13 : memref<!tpu.dma_semaphore, #tpu.memory_space<semaphore_mem>>)
      } else {
      }
    }
    %scan3A_24 = arith.constant 20 : i32
    "tpu.region"() ({
      %run_scoped3A = tpu.sem_alloc : memref<!tpu.dma_semaphore, #tpu.memory_space<semaphore_mem>>
      %dma_start3A_55 = arith.constant 40 : i32
      %dma_start3A_56 = arith.constant 0 : i32
      %dma_start3A_57 = tpu.memref_slice %arg3[%add3A, %dma_start3A_55, %dma_start3A_56] : memref<32x80x125xi32, #tpu.memory_space<hbm>> -> memref<1x40x125xi32, #tpu.memory_space<hbm>>
      %dma_start3A_58 = tpu.memref_squeeze %dma_start3A_57 : memref<1x40x125xi32, #tpu.memory_space<hbm>> -> memref<40x125xi32, #tpu.memory_space<hbm>>
      %dma_start3A_59 = arith.constant 40 : i32
      %dma_start3A_60 = arith.constant 0 : i32
      %dma_start3A_61 = tpu.memref_slice %arg3[%add3A, %dma_start3A_59, %dma_start3A_60] : memref<32x80x125xi32, #tpu.memory_space<hbm>> -> memref<1x40x125xi32, #tpu.memory_space<hbm>>
      %dma_start3A_62 = tpu.memref_squeeze %dma_start3A_61 : memref<1x40x125xi32, #tpu.memory_space<hbm>> -> memref<40x125xi32, #tpu.memory_space<hbm>>
      tpu.enqueue_dma source(%dma_start3A_62 : memref<40x125xi32, #tpu.memory_space<hbm>>) target(%arg8 : memref<40x125xi32, #tpu.memory_space<vmem>>) target_semaphore(%run_scoped3A : memref<!tpu.dma_semaphore, #tpu.memory_space<semaphore_mem>>)
      %dma_wait3A = arith.constant 40 : i32
      %dma_wait3A_63 = arith.constant 0 : i32
      %dma_wait3A_64 = tpu.memref_slice %arg3[%add3A, %dma_wait3A, %dma_wait3A_63] : memref<32x80x125xi32, #tpu.memory_space<hbm>> -> memref<1x40x125xi32, #tpu.memory_space<hbm>>
      %dma_wait3A_65 = tpu.memref_squeeze %dma_wait3A_64 : memref<1x40x125xi32, #tpu.memory_space<hbm>> -> memref<40x125xi32, #tpu.memory_space<hbm>>
      %dma_wait3A_66 = arith.constant 40 : i32
      %dma_wait3A_67 = arith.constant 0 : i32
      %dma_wait3A_68 = tpu.memref_slice %arg3[%add3A, %dma_wait3A_66, %dma_wait3A_67] : memref<32x80x125xi32, #tpu.memory_space<hbm>> -> memref<1x40x125xi32, #tpu.memory_space<hbm>>
      %dma_wait3A_69 = tpu.memref_squeeze %dma_wait3A_68 : memref<1x40x125xi32, #tpu.memory_space<hbm>> -> memref<40x125xi32, #tpu.memory_space<hbm>>
      tpu.wait_dma2 semaphore(%run_scoped3A : memref<!tpu.dma_semaphore, #tpu.memory_space<semaphore_mem>>) src(%dma_wait3A_69 : memref<40x125xi32, #tpu.memory_space<hbm>>) dst(%arg8 : memref<40x125xi32, #tpu.memory_space<vmem>>)
      tpu.yield
    }) : () -> ()
    "tpu.region"() ({
      %run_scoped3A = tpu.sem_alloc : memref<!tpu.dma_semaphore, #tpu.memory_space<semaphore_mem>>
      %dma_start3A_55 = arith.constant 40 : i32
      %dma_start3A_56 = arith.constant 0 : i32
      %dma_start3A_57 = tpu.memref_slice %arg4[%add3A, %dma_start3A_55, %dma_start3A_56] : memref<32x80x125xi32, #tpu.memory_space<hbm>> -> memref<1x40x125xi32, #tpu.memory_space<hbm>>
      %dma_start3A_58 = tpu.memref_squeeze %dma_start3A_57 : memref<1x40x125xi32, #tpu.memory_space<hbm>> -> memref<40x125xi32, #tpu.memory_space<hbm>>
      %dma_start3A_59 = arith.constant 40 : i32
      %dma_start3A_60 = arith.constant 0 : i32
      %dma_start3A_61 = tpu.memref_slice %arg4[%add3A, %dma_start3A_59, %dma_start3A_60] : memref<32x80x125xi32, #tpu.memory_space<hbm>> -> memref<1x40x125xi32, #tpu.memory_space<hbm>>
      %dma_start3A_62 = tpu.memref_squeeze %dma_start3A_61 : memref<1x40x125xi32, #tpu.memory_space<hbm>> -> memref<40x125xi32, #tpu.memory_space<hbm>>
      tpu.enqueue_dma source(%dma_start3A_62 : memref<40x125xi32, #tpu.memory_space<hbm>>) target(%arg9 : memref<40x125xi32, #tpu.memory_space<vmem>>) target_semaphore(%run_scoped3A : memref<!tpu.dma_semaphore, #tpu.memory_space<semaphore_mem>>)
      %dma_wait3A = arith.constant 40 : i32
      %dma_wait3A_63 = arith.constant 0 : i32
      %dma_wait3A_64 = tpu.memref_slice %arg4[%add3A, %dma_wait3A, %dma_wait3A_63] : memref<32x80x125xi32, #tpu.memory_space<hbm>> -> memref<1x40x125xi32, #tpu.memory_space<hbm>>
      %dma_wait3A_65 = tpu.memref_squeeze %dma_wait3A_64 : memref<1x40x125xi32, #tpu.memory_space<hbm>> -> memref<40x125xi32, #tpu.memory_space<hbm>>
      %dma_wait3A_66 = arith.constant 40 : i32
      %dma_wait3A_67 = arith.constant 0 : i32
      %dma_wait3A_68 = tpu.memref_slice %arg4[%add3A, %dma_wait3A_66, %dma_wait3A_67] : memref<32x80x125xi32, #tpu.memory_space<hbm>> -> memref<1x40x125xi32, #tpu.memory_space<hbm>>
      %dma_wait3A_69 = tpu.memref_squeeze %dma_wait3A_68 : memref<1x40x125xi32, #tpu.memory_space<hbm>> -> memref<40x125xi32, #tpu.memory_space<hbm>>
      tpu.wait_dma2 semaphore(%run_scoped3A : memref<!tpu.dma_semaphore, #tpu.memory_space<semaphore_mem>>) src(%dma_wait3A_69 : memref<40x125xi32, #tpu.memory_space<hbm>>) dst(%arg9 : memref<40x125xi32, #tpu.memory_space<vmem>>)
      tpu.yield
    }) : () -> ()
    %dma_start3A_25 = arith.constant 0 : i32
    %dma_start3A_26 = arith.constant 0 : i32
    %dma_start3A_27 = tpu.memref_slice %arg8[%dma_start3A_25, %dma_start3A_26] : memref<40x125xi32, #tpu.memory_space<vmem>> -> memref<1x125xi32, #tpu.memory_space<vmem>>
    %dma_start3A_28 = tpu.memref_squeeze %dma_start3A_27 : memref<1x125xi32, #tpu.memory_space<vmem>> -> memref<125xi32, #tpu.memory_space<vmem>>
    %dma_start3A_29 = arith.constant 0 : i32
    %dma_start3A_30 = arith.constant 0 : i32
    %dma_start3A_31 = tpu.memref_slice %arg2[%dma_start3A_29, %dma_start3A_30] : memref<10000x128xf32, #tpu.memory_space<hbm>> -> memref<10000x128xf32, #tpu.memory_space<hbm>>
    tpu.enqueue_indirect_dma source(%dma_start3A_31 : memref<10000x128xf32, #tpu.memory_space<hbm>>) target(%arg10 : memref<125x128xf32, #tpu.memory_space<vmem>>) offsets(%dma_start3A_28 : memref<125xi32, #tpu.memory_space<vmem>>) semaphore(%arg12 : memref<!tpu.dma_semaphore, #tpu.memory_space<semaphore_mem>>)
    %dma_start3A_32 = arith.constant 1 : i32
    %dma_start3A_33 = arith.constant 0 : i32
    %dma_start3A_34 = tpu.memref_slice %arg8[%dma_start3A_32, %dma_start3A_33] : memref<40x125xi32, #tpu.memory_space<vmem>> -> memref<1x125xi32, #tpu.memory_space<vmem>>
    %dma_start3A_35 = tpu.memref_squeeze %dma_start3A_34 : memref<1x125xi32, #tpu.memory_space<vmem>> -> memref<125xi32, #tpu.memory_space<vmem>>
    %dma_start3A_36 = arith.constant 0 : i32
    %dma_start3A_37 = arith.constant 0 : i32
    %dma_start3A_38 = tpu.memref_slice %arg2[%dma_start3A_36, %dma_start3A_37] : memref<10000x128xf32, #tpu.memory_space<hbm>> -> memref<10000x128xf32, #tpu.memory_space<hbm>>
    tpu.enqueue_indirect_dma source(%dma_start3A_38 : memref<10000x128xf32, #tpu.memory_space<hbm>>) target(%arg11 : memref<125x128xf32, #tpu.memory_space<vmem>>) offsets(%dma_start3A_35 : memref<125xi32, #tpu.memory_space<vmem>>) semaphore(%arg13 : memref<!tpu.dma_semaphore, #tpu.memory_space<semaphore_mem>>)
    %scan3A_39 = arith.constant 0 : i32
    %scan3A_40 = arith.constant 0 : i32
    %scan3A_41 = arith.constant 20 : i32
    %scan3A_42 = arith.addi %scan3A_40, %scan3A_41 : i32
    %scan3A_43 = arith.constant 1 : i32
    scf.for %scan3A_55 = %scan3A_40 to %scan3A_42 step %scan3A_43  : i32 {
      %mul3A_56 = arith.constant 2 : i32
      %mul3A_57 = arith.muli %scan3A_55, %mul3A_56 : i32
      %add3A_58 = arith.constant 1 : i32
      %add3A_59 = arith.addi %mul3A_57, %add3A_58 : i32
      %dma_wait3A = arith.constant 0 : i32
      %dma_wait3A_60 = tpu.memref_slice %arg8[%mul3A_57, %dma_wait3A] : memref<40x125xi32, #tpu.memory_space<vmem>> -> memref<1x125xi32, #tpu.memory_space<vmem>>
      %dma_wait3A_61 = tpu.memref_squeeze %dma_wait3A_60 : memref<1x125xi32, #tpu.memory_space<vmem>> -> memref<125xi32, #tpu.memory_space<vmem>>
      %dma_wait3A_62 = arith.constant 0 : i32
      %dma_wait3A_63 = arith.constant 0 : i32
      %dma_wait3A_64 = tpu.memref_slice %arg2[%dma_wait3A_62, %dma_wait3A_63] : memref<10000x128xf32, #tpu.memory_space<hbm>> -> memref<10000x128xf32, #tpu.memory_space<hbm>>
      tpu.wait_indirect_dma semaphore(%arg12 : memref<!tpu.dma_semaphore, #tpu.memory_space<semaphore_mem>>) src(%dma_wait3A_64 : memref<10000x128xf32, #tpu.memory_space<hbm>>) dst(%arg10 : memref<125x128xf32, #tpu.memory_space<vmem>>)
      "tpu.region"() ({
        %run_scoped3A = tpu.sem_alloc : memref<!tpu.dma_semaphore, #tpu.memory_space<semaphore_mem>>
        %dma_start3A_85 = arith.constant 0 : i32
        %dma_start3A_86 = tpu.memref_slice %arg9[%mul3A_57, %dma_start3A_85] : memref<40x125xi32, #tpu.memory_space<vmem>> -> memref<1x125xi32, #tpu.memory_space<vmem>>
        %dma_start3A_87 = tpu.memref_squeeze %dma_start3A_86 : memref<1x125xi32, #tpu.memory_space<vmem>> -> memref<125xi32, #tpu.memory_space<vmem>>
        %dma_start3A_88 = arith.constant 0 : i32
        %dma_start3A_89 = arith.constant 0 : i32
        %dma_start3A_90 = tpu.memref_slice %arg7[%dma_start3A_88, %dma_start3A_89] : memref<10000x128xf32, #tpu.memory_space<vmem_shared>> -> memref<10000x128xf32, #tpu.memory_space<vmem_shared>>
        tpu.enqueue_indirect_dma source(%arg10 : memref<125x128xf32, #tpu.memory_space<vmem>>) target(%dma_start3A_90 : memref<10000x128xf32, #tpu.memory_space<vmem_shared>>) offsets(%dma_start3A_87 : memref<125xi32, #tpu.memory_space<vmem>>) semaphore(%run_scoped3A : memref<!tpu.dma_semaphore, #tpu.memory_space<semaphore_mem>>) {add = true}
        %dma_wait3A_91 = arith.constant 0 : i32
        %dma_wait3A_92 = tpu.memref_slice %arg9[%mul3A_57, %dma_wait3A_91] : memref<40x125xi32, #tpu.memory_space<vmem>> -> memref<1x125xi32, #tpu.memory_space<vmem>>
        %dma_wait3A_93 = tpu.memref_squeeze %dma_wait3A_92 : memref<1x125xi32, #tpu.memory_space<vmem>> -> memref<125xi32, #tpu.memory_space<vmem>>
        %dma_wait3A_94 = arith.constant 0 : i32
        %dma_wait3A_95 = arith.constant 0 : i32
        %dma_wait3A_96 = tpu.memref_slice %arg7[%dma_wait3A_94, %dma_wait3A_95] : memref<10000x128xf32, #tpu.memory_space<vmem_shared>> -> memref<10000x128xf32, #tpu.memory_space<vmem_shared>>
        tpu.wait_indirect_dma semaphore(%run_scoped3A : memref<!tpu.dma_semaphore, #tpu.memory_space<semaphore_mem>>) src(%arg10 : memref<125x128xf32, #tpu.memory_space<vmem>>) dst(%dma_wait3A_96 : memref<10000x128xf32, #tpu.memory_space<vmem_shared>>)
        tpu.yield
      }) : () -> ()
      %add3A_65 = arith.constant 2 : i32
      %add3A_66 = arith.addi %mul3A_57, %add3A_65 : i32
      %lt3A_67 = arith.constant 40 : i32
      %lt3A_68 = arith.cmpi slt, %add3A_66, %lt3A_67 : i32
      %convert_element_type3A_69 = arith.extui %lt3A_68 : i1 to i32
      %cond3A_70 = arith.constant 0 : i32
      %cond3A_71 = arith.cmpi ne, %convert_element_type3A_69, %cond3A_70 : i32
      scf.if %cond3A_71 {
        %add3A_85 = arith.constant 2 : i32
        %add3A_86 = arith.addi %mul3A_57, %add3A_85 : i32
        %dma_start3A_87 = arith.constant 0 : i32
        %dma_start3A_88 = tpu.memref_slice %arg8[%add3A_86, %dma_start3A_87] : memref<40x125xi32, #tpu.memory_space<vmem>> -> memref<1x125xi32, #tpu.memory_space<vmem>>
        %dma_start3A_89 = tpu.memref_squeeze %dma_start3A_88 : memref<1x125xi32, #tpu.memory_space<vmem>> -> memref<125xi32, #tpu.memory_space<vmem>>
        %dma_start3A_90 = arith.constant 0 : i32
        %dma_start3A_91 = arith.constant 0 : i32
        %dma_start3A_92 = tpu.memref_slice %arg2[%dma_start3A_90, %dma_start3A_91] : memref<10000x128xf32, #tpu.memory_space<hbm>> -> memref<10000x128xf32, #tpu.memory_space<hbm>>
        tpu.enqueue_indirect_dma source(%dma_start3A_92 : memref<10000x128xf32, #tpu.memory_space<hbm>>) target(%arg10 : memref<125x128xf32, #tpu.memory_space<vmem>>) offsets(%dma_start3A_89 : memref<125xi32, #tpu.memory_space<vmem>>) semaphore(%arg12 : memref<!tpu.dma_semaphore, #tpu.memory_space<semaphore_mem>>)
      } else {
      }
      %dma_wait3A_72 = arith.constant 0 : i32
      %dma_wait3A_73 = tpu.memref_slice %arg8[%add3A_59, %dma_wait3A_72] : memref<40x125xi32, #tpu.memory_space<vmem>> -> memref<1x125xi32, #tpu.memory_space<vmem>>
      %dma_wait3A_74 = tpu.memref_squeeze %dma_wait3A_73 : memref<1x125xi32, #tpu.memory_space<vmem>> -> memref<125xi32, #tpu.memory_space<vmem>>
      %dma_wait3A_75 = arith.constant 0 : i32
      %dma_wait3A_76 = arith.constant 0 : i32
      %dma_wait3A_77 = tpu.memref_slice %arg2[%dma_wait3A_75, %dma_wait3A_76] : memref<10000x128xf32, #tpu.memory_space<hbm>> -> memref<10000x128xf32, #tpu.memory_space<hbm>>
      tpu.wait_indirect_dma semaphore(%arg13 : memref<!tpu.dma_semaphore, #tpu.memory_space<semaphore_mem>>) src(%dma_wait3A_77 : memref<10000x128xf32, #tpu.memory_space<hbm>>) dst(%arg11 : memref<125x128xf32, #tpu.memory_space<vmem>>)
      "tpu.region"() ({
        %run_scoped3A = tpu.sem_alloc : memref<!tpu.dma_semaphore, #tpu.memory_space<semaphore_mem>>
        %dma_start3A_85 = arith.constant 0 : i32
        %dma_start3A_86 = tpu.memref_slice %arg9[%add3A_59, %dma_start3A_85] : memref<40x125xi32, #tpu.memory_space<vmem>> -> memref<1x125xi32, #tpu.memory_space<vmem>>
        %dma_start3A_87 = tpu.memref_squeeze %dma_start3A_86 : memref<1x125xi32, #tpu.memory_space<vmem>> -> memref<125xi32, #tpu.memory_space<vmem>>
        %dma_start3A_88 = arith.constant 0 : i32
        %dma_start3A_89 = arith.constant 0 : i32
        %dma_start3A_90 = tpu.memref_slice %arg7[%dma_start3A_88, %dma_start3A_89] : memref<10000x128xf32, #tpu.memory_space<vmem_shared>> -> memref<10000x128xf32, #tpu.memory_space<vmem_shared>>
        tpu.enqueue_indirect_dma source(%arg11 : memref<125x128xf32, #tpu.memory_space<vmem>>) target(%dma_start3A_90 : memref<10000x128xf32, #tpu.memory_space<vmem_shared>>) offsets(%dma_start3A_87 : memref<125xi32, #tpu.memory_space<vmem>>) semaphore(%run_scoped3A : memref<!tpu.dma_semaphore, #tpu.memory_space<semaphore_mem>>) {add = true}
        %dma_wait3A_91 = arith.constant 0 : i32
        %dma_wait3A_92 = tpu.memref_slice %arg9[%add3A_59, %dma_wait3A_91] : memref<40x125xi32, #tpu.memory_space<vmem>> -> memref<1x125xi32, #tpu.memory_space<vmem>>
        %dma_wait3A_93 = tpu.memref_squeeze %dma_wait3A_92 : memref<1x125xi32, #tpu.memory_space<vmem>> -> memref<125xi32, #tpu.memory_space<vmem>>
        %dma_wait3A_94 = arith.constant 0 : i32
        %dma_wait3A_95 = arith.constant 0 : i32
        %dma_wait3A_96 = tpu.memref_slice %arg7[%dma_wait3A_94, %dma_wait3A_95] : memref<10000x128xf32, #tpu.memory_space<vmem_shared>> -> memref<10000x128xf32, #tpu.memory_space<vmem_shared>>
        tpu.wait_indirect_dma semaphore(%run_scoped3A : memref<!tpu.dma_semaphore, #tpu.memory_space<semaphore_mem>>) src(%arg11 : memref<125x128xf32, #tpu.memory_space<vmem>>) dst(%dma_wait3A_96 : memref<10000x128xf32, #tpu.memory_space<vmem_shared>>)
        tpu.yield
      }) : () -> ()
      %add3A_78 = arith.constant 2 : i32
      %add3A_79 = arith.addi %add3A_59, %add3A_78 : i32
      %lt3A_80 = arith.constant 40 : i32
      %lt3A_81 = arith.cmpi slt, %add3A_79, %lt3A_80 : i32
      %convert_element_type3A_82 = arith.extui %lt3A_81 : i1 to i32
      %cond3A_83 = arith.constant 0 : i32
      %cond3A_84 = arith.cmpi ne, %convert_element_type3A_82, %cond3A_83 : i32
      scf.if %cond3A_84 {
        %add3A_85 = arith.constant 2 : i32
        %add3A_86 = arith.addi %add3A_59, %add3A_85 : i32
        %dma_start3A_87 = arith.constant 0 : i32
        %dma_start3A_88 = tpu.memref_slice %arg8[%add3A_86, %dma_start3A_87] : memref<40x125xi32, #tpu.memory_space<vmem>> -> memref<1x125xi32, #tpu.memory_space<vmem>>
        %dma_start3A_89 = tpu.memref_squeeze %dma_start3A_88 : memref<1x125xi32, #tpu.memory_space<vmem>> -> memref<125xi32, #tpu.memory_space<vmem>>
        %dma_start3A_90 = arith.constant 0 : i32
        %dma_start3A_91 = arith.constant 0 : i32
        %dma_start3A_92 = tpu.memref_slice %arg2[%dma_start3A_90, %dma_start3A_91] : memref<10000x128xf32, #tpu.memory_space<hbm>> -> memref<10000x128xf32, #tpu.memory_space<hbm>>
        tpu.enqueue_indirect_dma source(%dma_start3A_92 : memref<10000x128xf32, #tpu.memory_space<hbm>>) target(%arg11 : memref<125x128xf32, #tpu.memory_space<vmem>>) offsets(%dma_start3A_89 : memref<125xi32, #tpu.memory_space<vmem>>) semaphore(%arg13 : memref<!tpu.dma_semaphore, #tpu.memory_space<semaphore_mem>>)
      } else {
      }
    }
    %scan3A_44 = arith.constant 20 : i32
    %barrier3A_45 = arith.constant 0 : index
    tpu.barrier barrier_id(%barrier3A_45)
    %lt3A = arith.constant 15 : i32
    %lt3A_46 = arith.cmpi slt, %arg1, %lt3A : i32
    %convert_element_type3A_47 = arith.extui %lt3A_46 : i1 to i32
    %cond3A_48 = arith.constant 0 : i32
    %cond3A_49 = arith.cmpi ne, %convert_element_type3A_47, %cond3A_48 : i32
    scf.if %cond3A_49 {
      %mul3A_55 = arith.constant 624 : i32
      %mul3A_56 = arith.muli %arg1, %mul3A_55 : i32
      %multiple_of3A = tpu.assume_multiple %mul3A_56, 8 : i32
      "tpu.region"() ({
        %run_scoped3A = tpu.sem_alloc : memref<!tpu.dma_semaphore, #tpu.memory_space<semaphore_mem>>
        %dma_start3A_57 = arith.constant 0 : i32
        %dma_start3A_58 = tpu.memref_slice %arg6[%arg0, %multiple_of3A, %dma_start3A_57] : memref<2x10000x128xf32, #tpu.memory_space<hbm>> -> memref<1x624x128xf32, #tpu.memory_space<hbm>>
        %dma_start3A_59 = tpu.memref_squeeze %dma_start3A_58 : memref<1x624x128xf32, #tpu.memory_space<hbm>> -> memref<624x128xf32, #tpu.memory_space<hbm>>
        %dma_start3A_60 = arith.constant 0 : i32
        %dma_start3A_61 = tpu.memref_slice %arg7[%multiple_of3A, %dma_start3A_60] : memref<10000x128xf32, #tpu.memory_space<vmem_shared>> -> memref<624x128xf32, #tpu.memory_space<vmem_shared>>
        tpu.enqueue_dma source(%dma_start3A_61 : memref<624x128xf32, #tpu.memory_space<vmem_shared>>) target(%dma_start3A_59 : memref<624x128xf32, #tpu.memory_space<hbm>>) target_semaphore(%run_scoped3A : memref<!tpu.dma_semaphore, #tpu.memory_space<semaphore_mem>>)
        %dma_wait3A = arith.constant 0 : i32
        %dma_wait3A_62 = tpu.memref_slice %arg6[%arg0, %multiple_of3A, %dma_wait3A] : memref<2x10000x128xf32, #tpu.memory_space<hbm>> -> memref<1x624x128xf32, #tpu.memory_space<hbm>>
        %dma_wait3A_63 = tpu.memref_squeeze %dma_wait3A_62 : memref<1x624x128xf32, #tpu.memory_space<hbm>> -> memref<624x128xf32, #tpu.memory_space<hbm>>
        %dma_wait3A_64 = arith.constant 0 : i32
        %dma_wait3A_65 = tpu.memref_slice %arg7[%multiple_of3A, %dma_wait3A_64] : memref<10000x128xf32, #tpu.memory_space<vmem_shared>> -> memref<624x128xf32, #tpu.memory_space<vmem_shared>>
        tpu.wait_dma2 semaphore(%run_scoped3A : memref<!tpu.dma_semaphore, #tpu.memory_space<semaphore_mem>>) src(%dma_wait3A_65 : memref<624x128xf32, #tpu.memory_space<vmem_shared>>) dst(%dma_wait3A_63 : memref<624x128xf32, #tpu.memory_space<hbm>>)
        tpu.yield
      }) : () -> ()
    } else {
    }
    %eq3A_50 = arith.constant 15 : i32
    %eq3A_51 = arith.cmpi eq, %arg1, %eq3A_50 : i32
    %convert_element_type3A_52 = arith.extui %eq3A_51 : i1 to i32
    %cond3A_53 = arith.constant 0 : i32
    %cond3A_54 = arith.cmpi ne, %convert_element_type3A_52, %cond3A_53 : i32
    scf.if %cond3A_54 {
      "tpu.region"() ({
        %run_scoped3A = tpu.sem_alloc : memref<!tpu.dma_semaphore, #tpu.memory_space<semaphore_mem>>
        %dma_start3A_55 = arith.constant 9360 : i32
        %dma_start3A_56 = arith.constant 0 : i32
        %dma_start3A_57 = tpu.memref_slice %arg6[%arg0, %dma_start3A_55, %dma_start3A_56] : memref<2x10000x128xf32, #tpu.memory_space<hbm>> -> memref<1x640x128xf32, #tpu.memory_space<hbm>>
        %dma_start3A_58 = tpu.memref_squeeze %dma_start3A_57 : memref<1x640x128xf32, #tpu.memory_space<hbm>> -> memref<640x128xf32, #tpu.memory_space<hbm>>
        %dma_start3A_59 = arith.constant 9360 : i32
        %dma_start3A_60 = arith.constant 0 : i32
        %dma_start3A_61 = tpu.memref_slice %arg7[%dma_start3A_59, %dma_start3A_60] : memref<10000x128xf32, #tpu.memory_space<vmem_shared>> -> memref<640x128xf32, #tpu.memory_space<vmem_shared>>
        tpu.enqueue_dma source(%dma_start3A_61 : memref<640x128xf32, #tpu.memory_space<vmem_shared>>) target(%dma_start3A_58 : memref<640x128xf32, #tpu.memory_space<hbm>>) target_semaphore(%run_scoped3A : memref<!tpu.dma_semaphore, #tpu.memory_space<semaphore_mem>>)
        %dma_wait3A = arith.constant 9360 : i32
        %dma_wait3A_62 = arith.constant 0 : i32
        %dma_wait3A_63 = tpu.memref_slice %arg6[%arg0, %dma_wait3A, %dma_wait3A_62] : memref<2x10000x128xf32, #tpu.memory_space<hbm>> -> memref<1x640x128xf32, #tpu.memory_space<hbm>>
        %dma_wait3A_64 = tpu.memref_squeeze %dma_wait3A_63 : memref<1x640x128xf32, #tpu.memory_space<hbm>> -> memref<640x128xf32, #tpu.memory_space<hbm>>
        %dma_wait3A_65 = arith.constant 9360 : i32
        %dma_wait3A_66 = arith.constant 0 : i32
        %dma_wait3A_67 = tpu.memref_slice %arg7[%dma_wait3A_65, %dma_wait3A_66] : memref<10000x128xf32, #tpu.memory_space<vmem_shared>> -> memref<640x128xf32, #tpu.memory_space<vmem_shared>>
        tpu.wait_dma2 semaphore(%run_scoped3A : memref<!tpu.dma_semaphore, #tpu.memory_space<semaphore_mem>>) src(%dma_wait3A_67 : memref<640x128xf32, #tpu.memory_space<vmem_shared>>) dst(%dma_wait3A_64 : memref<640x128xf32, #tpu.memory_space<hbm>>)
        tpu.yield
      }) : () -> ()
    } else {
    }
    return
  }
}

#map = affine_map<(d0, d1) -> (0, 0)>
#map1 = affine_map<(d0, d1) -> (0, 0, 0)>
module attributes {stable_mosaic.version = 14 : i64} {
  func.func @_agg_body(%arg0: i32, %arg1: i32, %arg2: memref<10000x128xf32, #tpu.memory_space<hbm>>, %arg3: memref<32x80x125xi32, #tpu.memory_space<hbm>>, %arg4: memref<32x80x125xi32, #tpu.memory_space<hbm>>, %arg5: memref<10000x128xf32, #tpu.memory_space<hbm>>, %arg6: memref<2x10000x128xf32, #tpu.memory_space<hbm>>, %arg7: memref<10000x128xf32, #tpu.memory_space<vmem_shared>>, %arg8: memref<40x125xi32, #tpu.memory_space<vmem>>, %arg9: memref<40x125xi32, #tpu.memory_space<vmem>>, %arg10: memref<125x128xf32, #tpu.memory_space<vmem>>, %arg11: memref<125x128xf32, #tpu.memory_space<vmem>>, %arg12: memref<!tpu.dma_semaphore, #tpu.memory_space<semaphore_mem>>, %arg13: memref<!tpu.dma_semaphore, #tpu.memory_space<semaphore_mem>>) attributes {dimension_semantics = [#tpu.dimension_semantics<core_parallel>, #tpu.dimension_semantics<subcore_parallel>], iteration_bounds = array<i64: 2, 16>, scalar_prefetch = 0 : i64, scratch_operands = 7 : i64, tpu.core_type = #tpu.core_type<sc_vector_subcore>, window_params = [{transform_indices = #map}, {transform_indices = #map1}, {transform_indices = #map1}, {transform_indices = #map}, {transform_indices = #map1}]} {
    %mul3A = arith.constant 16 : i32
    %mul3A_0 = arith.muli %arg0, %mul3A : i32
    %add3A = arith.addi %mul3A_0, %arg1 : i32
    %eq3A = arith.constant 0 : i32
    %eq3A_1 = arith.cmpi eq, %arg0, %eq3A : i32
    %convert_element_type3A = arith.extui %eq3A_1 : i1 to i32
    %cond3A = arith.constant 0 : i32
    %cond3A_2 = arith.cmpi ne, %convert_element_type3A, %cond3A : i32
    scf.if %cond3A_2 {
      %lt3A_55 = arith.constant 15 : i32
      %lt3A_56 = arith.cmpi slt, %arg1, %lt3A_55 : i32
      %convert_element_type3A_57 = arith.extui %lt3A_56 : i1 to i32
      %cond3A_58 = arith.constant 0 : i32
      %cond3A_59 = arith.cmpi ne, %convert_element_type3A_57, %cond3A_58 : i32
      scf.if %cond3A_59 {
        %mul3A_65 = arith.constant 624 : i32
        %mul3A_66 = arith.muli %arg1, %mul3A_65 : i32
        %multiple_of3A = tpu.assume_multiple %mul3A_66, 8 : i32
        "tpu.region"() ({
          %run_scoped3A = tpu.sem_alloc : memref<!tpu.dma_semaphore, #tpu.memory_space<semaphore_mem>>
          %dma_start3A_67 = arith.constant 0 : i32
          %dma_start3A_68 = tpu.memref_slice %arg7[%multiple_of3A, %dma_start3A_67] : memref<10000x128xf32, #tpu.memory_space<vmem_shared>> -> memref<624x128xf32, #tpu.memory_space<vmem_shared>>
          %dma_start3A_69 = arith.constant 0 : i32
          %dma_start3A_70 = tpu.memref_slice %arg2[%multiple_of3A, %dma_start3A_69] : memref<10000x128xf32, #tpu.memory_space<hbm>> -> memref<624x128xf32, #tpu.memory_space<hbm>>
          tpu.enqueue_dma source(%dma_start3A_70 : memref<624x128xf32, #tpu.memory_space<hbm>>) target(%dma_start3A_68 : memref<624x128xf32, #tpu.memory_space<vmem_shared>>) target_semaphore(%run_scoped3A : memref<!tpu.dma_semaphore, #tpu.memory_space<semaphore_mem>>)
          %dma_wait3A = arith.constant 0 : i32
          %dma_wait3A_71 = tpu.memref_slice %arg7[%multiple_of3A, %dma_wait3A] : memref<10000x128xf32, #tpu.memory_space<vmem_shared>> -> memref<624x128xf32, #tpu.memory_space<vmem_shared>>
          %dma_wait3A_72 = arith.constant 0 : i32
          %dma_wait3A_73 = tpu.memref_slice %arg2[%multiple_of3A, %dma_wait3A_72] : memref<10000x128xf32, #tpu.memory_space<hbm>> -> memref<624x128xf32, #tpu.memory_space<hbm>>
          tpu.wait_dma2 semaphore(%run_scoped3A : memref<!tpu.dma_semaphore, #tpu.memory_space<semaphore_mem>>) src(%dma_wait3A_73 : memref<624x128xf32, #tpu.memory_space<hbm>>) dst(%dma_wait3A_71 : memref<624x128xf32, #tpu.memory_space<vmem_shared>>)
          tpu.yield
        }) : () -> ()
      } else {
      }
      %eq3A_60 = arith.constant 15 : i32
      %eq3A_61 = arith.cmpi eq, %arg1, %eq3A_60 : i32
      %convert_element_type3A_62 = arith.extui %eq3A_61 : i1 to i32
      %cond3A_63 = arith.constant 0 : i32
      %cond3A_64 = arith.cmpi ne, %convert_element_type3A_62, %cond3A_63 : i32
      scf.if %cond3A_64 {
        "tpu.region"() ({
          %run_scoped3A = tpu.sem_alloc : memref<!tpu.dma_semaphore, #tpu.memory_space<semaphore_mem>>
          %dma_start3A_65 = arith.constant 9360 : i32
          %dma_start3A_66 = arith.constant 0 : i32
          %dma_start3A_67 = tpu.memref_slice %arg7[%dma_start3A_65, %dma_start3A_66] : memref<10000x128xf32, #tpu.memory_space<vmem_shared>> -> memref<640x128xf32, #tpu.memory_space<vmem_shared>>
          %dma_start3A_68 = arith.constant 9360 : i32
          %dma_start3A_69 = arith.constant 0 : i32
          %dma_start3A_70 = tpu.memref_slice %arg2[%dma_start3A_68, %dma_start3A_69] : memref<10000x128xf32, #tpu.memory_space<hbm>> -> memref<640x128xf32, #tpu.memory_space<hbm>>
          tpu.enqueue_dma source(%dma_start3A_70 : memref<640x128xf32, #tpu.memory_space<hbm>>) target(%dma_start3A_67 : memref<640x128xf32, #tpu.memory_space<vmem_shared>>) target_semaphore(%run_scoped3A : memref<!tpu.dma_semaphore, #tpu.memory_space<semaphore_mem>>)
          %dma_wait3A = arith.constant 9360 : i32
          %dma_wait3A_71 = arith.constant 0 : i32
          %dma_wait3A_72 = tpu.memref_slice %arg7[%dma_wait3A, %dma_wait3A_71] : memref<10000x128xf32, #tpu.memory_space<vmem_shared>> -> memref<640x128xf32, #tpu.memory_space<vmem_shared>>
          %dma_wait3A_73 = arith.constant 9360 : i32
          %dma_wait3A_74 = arith.constant 0 : i32
          %dma_wait3A_75 = tpu.memref_slice %arg2[%dma_wait3A_73, %dma_wait3A_74] : memref<10000x128xf32, #tpu.memory_space<hbm>> -> memref<640x128xf32, #tpu.memory_space<hbm>>
          tpu.wait_dma2 semaphore(%run_scoped3A : memref<!tpu.dma_semaphore, #tpu.memory_space<semaphore_mem>>) src(%dma_wait3A_75 : memref<640x128xf32, #tpu.memory_space<hbm>>) dst(%dma_wait3A_72 : memref<640x128xf32, #tpu.memory_space<vmem_shared>>)
          tpu.yield
        }) : () -> ()
      } else {
      }
    } else {
    }
    %ne3A = arith.constant 0 : i32
    %ne3A_3 = arith.cmpi ne, %arg0, %ne3A : i32
    %convert_element_type3A_4 = arith.extui %ne3A_3 : i1 to i32
    %cond3A_5 = arith.constant 0 : i32
    %cond3A_6 = arith.cmpi ne, %convert_element_type3A_4, %cond3A_5 : i32
    scf.if %cond3A_6 {
      %lt3A_55 = arith.constant 15 : i32
      %lt3A_56 = arith.cmpi slt, %arg1, %lt3A_55 : i32
      %convert_element_type3A_57 = arith.extui %lt3A_56 : i1 to i32
      %cond3A_58 = arith.constant 0 : i32
      %cond3A_59 = arith.cmpi ne, %convert_element_type3A_57, %cond3A_58 : i32
      scf.if %cond3A_59 {
        %mul3A_65 = arith.constant 624 : i32
        %mul3A_66 = arith.muli %arg1, %mul3A_65 : i32
        %multiple_of3A = tpu.assume_multiple %mul3A_66, 8 : i32
        "tpu.region"() ({
          %run_scoped3A = tpu.sem_alloc : memref<!tpu.dma_semaphore, #tpu.memory_space<semaphore_mem>>
          %dma_start3A_67 = arith.constant 0 : i32
          %dma_start3A_68 = tpu.memref_slice %arg7[%multiple_of3A, %dma_start3A_67] : memref<10000x128xf32, #tpu.memory_space<vmem_shared>> -> memref<624x128xf32, #tpu.memory_space<vmem_shared>>
          %dma_start3A_69 = arith.constant 0 : i32
          %dma_start3A_70 = tpu.memref_slice %arg5[%multiple_of3A, %dma_start3A_69] : memref<10000x128xf32, #tpu.memory_space<hbm>> -> memref<624x128xf32, #tpu.memory_space<hbm>>
          tpu.enqueue_dma source(%dma_start3A_70 : memref<624x128xf32, #tpu.memory_space<hbm>>) target(%dma_start3A_68 : memref<624x128xf32, #tpu.memory_space<vmem_shared>>) target_semaphore(%run_scoped3A : memref<!tpu.dma_semaphore, #tpu.memory_space<semaphore_mem>>)
          %dma_wait3A = arith.constant 0 : i32
          %dma_wait3A_71 = tpu.memref_slice %arg7[%multiple_of3A, %dma_wait3A] : memref<10000x128xf32, #tpu.memory_space<vmem_shared>> -> memref<624x128xf32, #tpu.memory_space<vmem_shared>>
          %dma_wait3A_72 = arith.constant 0 : i32
          %dma_wait3A_73 = tpu.memref_slice %arg5[%multiple_of3A, %dma_wait3A_72] : memref<10000x128xf32, #tpu.memory_space<hbm>> -> memref<624x128xf32, #tpu.memory_space<hbm>>
          tpu.wait_dma2 semaphore(%run_scoped3A : memref<!tpu.dma_semaphore, #tpu.memory_space<semaphore_mem>>) src(%dma_wait3A_73 : memref<624x128xf32, #tpu.memory_space<hbm>>) dst(%dma_wait3A_71 : memref<624x128xf32, #tpu.memory_space<vmem_shared>>)
          tpu.yield
        }) : () -> ()
      } else {
      }
      %eq3A_60 = arith.constant 15 : i32
      %eq3A_61 = arith.cmpi eq, %arg1, %eq3A_60 : i32
      %convert_element_type3A_62 = arith.extui %eq3A_61 : i1 to i32
      %cond3A_63 = arith.constant 0 : i32
      %cond3A_64 = arith.cmpi ne, %convert_element_type3A_62, %cond3A_63 : i32
      scf.if %cond3A_64 {
        "tpu.region"() ({
          %run_scoped3A = tpu.sem_alloc : memref<!tpu.dma_semaphore, #tpu.memory_space<semaphore_mem>>
          %dma_start3A_65 = arith.constant 9360 : i32
          %dma_start3A_66 = arith.constant 0 : i32
          %dma_start3A_67 = tpu.memref_slice %arg7[%dma_start3A_65, %dma_start3A_66] : memref<10000x128xf32, #tpu.memory_space<vmem_shared>> -> memref<640x128xf32, #tpu.memory_space<vmem_shared>>
          %dma_start3A_68 = arith.constant 9360 : i32
          %dma_start3A_69 = arith.constant 0 : i32
          %dma_start3A_70 = tpu.memref_slice %arg5[%dma_start3A_68, %dma_start3A_69] : memref<10000x128xf32, #tpu.memory_space<hbm>> -> memref<640x128xf32, #tpu.memory_space<hbm>>
          tpu.enqueue_dma source(%dma_start3A_70 : memref<640x128xf32, #tpu.memory_space<hbm>>) target(%dma_start3A_67 : memref<640x128xf32, #tpu.memory_space<vmem_shared>>) target_semaphore(%run_scoped3A : memref<!tpu.dma_semaphore, #tpu.memory_space<semaphore_mem>>)
          %dma_wait3A = arith.constant 9360 : i32
          %dma_wait3A_71 = arith.constant 0 : i32
          %dma_wait3A_72 = tpu.memref_slice %arg7[%dma_wait3A, %dma_wait3A_71] : memref<10000x128xf32, #tpu.memory_space<vmem_shared>> -> memref<640x128xf32, #tpu.memory_space<vmem_shared>>
          %dma_wait3A_73 = arith.constant 9360 : i32
          %dma_wait3A_74 = arith.constant 0 : i32
          %dma_wait3A_75 = tpu.memref_slice %arg5[%dma_wait3A_73, %dma_wait3A_74] : memref<10000x128xf32, #tpu.memory_space<hbm>> -> memref<640x128xf32, #tpu.memory_space<hbm>>
          tpu.wait_dma2 semaphore(%run_scoped3A : memref<!tpu.dma_semaphore, #tpu.memory_space<semaphore_mem>>) src(%dma_wait3A_75 : memref<640x128xf32, #tpu.memory_space<hbm>>) dst(%dma_wait3A_72 : memref<640x128xf32, #tpu.memory_space<vmem_shared>>)
          tpu.yield
        }) : () -> ()
      } else {
      }
    } else {
    }
    %barrier3A = arith.constant 0 : index
    tpu.barrier barrier_id(%barrier3A)
    "tpu.region"() ({
      %run_scoped3A = tpu.sem_alloc : memref<!tpu.dma_semaphore, #tpu.memory_space<semaphore_mem>>
      %dma_start3A_55 = arith.constant 0 : i32
      %dma_start3A_56 = arith.constant 0 : i32
      %dma_start3A_57 = tpu.memref_slice %arg3[%add3A, %dma_start3A_55, %dma_start3A_56] : memref<32x80x125xi32, #tpu.memory_space<hbm>> -> memref<1x40x125xi32, #tpu.memory_space<hbm>>
      %dma_start3A_58 = tpu.memref_squeeze %dma_start3A_57 : memref<1x40x125xi32, #tpu.memory_space<hbm>> -> memref<40x125xi32, #tpu.memory_space<hbm>>
      %dma_start3A_59 = arith.constant 0 : i32
      %dma_start3A_60 = arith.constant 0 : i32
      %dma_start3A_61 = tpu.memref_slice %arg3[%add3A, %dma_start3A_59, %dma_start3A_60] : memref<32x80x125xi32, #tpu.memory_space<hbm>> -> memref<1x40x125xi32, #tpu.memory_space<hbm>>
      %dma_start3A_62 = tpu.memref_squeeze %dma_start3A_61 : memref<1x40x125xi32, #tpu.memory_space<hbm>> -> memref<40x125xi32, #tpu.memory_space<hbm>>
      tpu.enqueue_dma source(%dma_start3A_62 : memref<40x125xi32, #tpu.memory_space<hbm>>) target(%arg8 : memref<40x125xi32, #tpu.memory_space<vmem>>) target_semaphore(%run_scoped3A : memref<!tpu.dma_semaphore, #tpu.memory_space<semaphore_mem>>)
      %dma_wait3A = arith.constant 0 : i32
      %dma_wait3A_63 = arith.constant 0 : i32
      %dma_wait3A_64 = tpu.memref_slice %arg3[%add3A, %dma_wait3A, %dma_wait3A_63] : memref<32x80x125xi32, #tpu.memory_space<hbm>> -> memref<1x40x125xi32, #tpu.memory_space<hbm>>
      %dma_wait3A_65 = tpu.memref_squeeze %dma_wait3A_64 : memref<1x40x125xi32, #tpu.memory_space<hbm>> -> memref<40x125xi32, #tpu.memory_space<hbm>>
      %dma_wait3A_66 = arith.constant 0 : i32
      %dma_wait3A_67 = arith.constant 0 : i32
      %dma_wait3A_68 = tpu.memref_slice %arg3[%add3A, %dma_wait3A_66, %dma_wait3A_67] : memref<32x80x125xi32, #tpu.memory_space<hbm>> -> memref<1x40x125xi32, #tpu.memory_space<hbm>>
      %dma_wait3A_69 = tpu.memref_squeeze %dma_wait3A_68 : memref<1x40x125xi32, #tpu.memory_space<hbm>> -> memref<40x125xi32, #tpu.memory_space<hbm>>
      tpu.wait_dma2 semaphore(%run_scoped3A : memref<!tpu.dma_semaphore, #tpu.memory_space<semaphore_mem>>) src(%dma_wait3A_69 : memref<40x125xi32, #tpu.memory_space<hbm>>) dst(%arg8 : memref<40x125xi32, #tpu.memory_space<vmem>>)
      tpu.yield
    }) : () -> ()
    "tpu.region"() ({
      %run_scoped3A = tpu.sem_alloc : memref<!tpu.dma_semaphore, #tpu.memory_space<semaphore_mem>>
      %dma_start3A_55 = arith.constant 0 : i32
      %dma_start3A_56 = arith.constant 0 : i32
      %dma_start3A_57 = tpu.memref_slice %arg4[%add3A, %dma_start3A_55, %dma_start3A_56] : memref<32x80x125xi32, #tpu.memory_space<hbm>> -> memref<1x40x125xi32, #tpu.memory_space<hbm>>
      %dma_start3A_58 = tpu.memref_squeeze %dma_start3A_57 : memref<1x40x125xi32, #tpu.memory_space<hbm>> -> memref<40x125xi32, #tpu.memory_space<hbm>>
      %dma_start3A_59 = arith.constant 0 : i32
      %dma_start3A_60 = arith.constant 0 : i32
      %dma_start3A_61 = tpu.memref_slice %arg4[%add3A, %dma_start3A_59, %dma_start3A_60] : memref<32x80x125xi32, #tpu.memory_space<hbm>> -> memref<1x40x125xi32, #tpu.memory_space<hbm>>
      %dma_start3A_62 = tpu.memref_squeeze %dma_start3A_61 : memref<1x40x125xi32, #tpu.memory_space<hbm>> -> memref<40x125xi32, #tpu.memory_space<hbm>>
      tpu.enqueue_dma source(%dma_start3A_62 : memref<40x125xi32, #tpu.memory_space<hbm>>) target(%arg9 : memref<40x125xi32, #tpu.memory_space<vmem>>) target_semaphore(%run_scoped3A : memref<!tpu.dma_semaphore, #tpu.memory_space<semaphore_mem>>)
      %dma_wait3A = arith.constant 0 : i32
      %dma_wait3A_63 = arith.constant 0 : i32
      %dma_wait3A_64 = tpu.memref_slice %arg4[%add3A, %dma_wait3A, %dma_wait3A_63] : memref<32x80x125xi32, #tpu.memory_space<hbm>> -> memref<1x40x125xi32, #tpu.memory_space<hbm>>
      %dma_wait3A_65 = tpu.memref_squeeze %dma_wait3A_64 : memref<1x40x125xi32, #tpu.memory_space<hbm>> -> memref<40x125xi32, #tpu.memory_space<hbm>>
      %dma_wait3A_66 = arith.constant 0 : i32
      %dma_wait3A_67 = arith.constant 0 : i32
      %dma_wait3A_68 = tpu.memref_slice %arg4[%add3A, %dma_wait3A_66, %dma_wait3A_67] : memref<32x80x125xi32, #tpu.memory_space<hbm>> -> memref<1x40x125xi32, #tpu.memory_space<hbm>>
      %dma_wait3A_69 = tpu.memref_squeeze %dma_wait3A_68 : memref<1x40x125xi32, #tpu.memory_space<hbm>> -> memref<40x125xi32, #tpu.memory_space<hbm>>
      tpu.wait_dma2 semaphore(%run_scoped3A : memref<!tpu.dma_semaphore, #tpu.memory_space<semaphore_mem>>) src(%dma_wait3A_69 : memref<40x125xi32, #tpu.memory_space<hbm>>) dst(%arg9 : memref<40x125xi32, #tpu.memory_space<vmem>>)
      tpu.yield
    }) : () -> ()
    %dma_start3A = arith.constant 0 : i32
    %dma_start3A_7 = arith.constant 0 : i32
    %dma_start3A_8 = tpu.memref_slice %arg8[%dma_start3A, %dma_start3A_7] : memref<40x125xi32, #tpu.memory_space<vmem>> -> memref<1x125xi32, #tpu.memory_space<vmem>>
    %dma_start3A_9 = tpu.memref_squeeze %dma_start3A_8 : memref<1x125xi32, #tpu.memory_space<vmem>> -> memref<125xi32, #tpu.memory_space<vmem>>
    %dma_start3A_10 = arith.constant 0 : i32
    %dma_start3A_11 = arith.constant 0 : i32
    %dma_start3A_12 = tpu.memref_slice %arg2[%dma_start3A_10, %dma_start3A_11] : memref<10000x128xf32, #tpu.memory_space<hbm>> -> memref<10000x128xf32, #tpu.memory_space<hbm>>
    tpu.enqueue_indirect_dma source(%dma_start3A_12 : memref<10000x128xf32, #tpu.memory_space<hbm>>) target(%arg10 : memref<125x128xf32, #tpu.memory_space<vmem>>) offsets(%dma_start3A_9 : memref<125xi32, #tpu.memory_space<vmem>>) semaphore(%arg12 : memref<!tpu.dma_semaphore, #tpu.memory_space<semaphore_mem>>)
    %dma_start3A_13 = arith.constant 1 : i32
    %dma_start3A_14 = arith.constant 0 : i32
    %dma_start3A_15 = tpu.memref_slice %arg8[%dma_start3A_13, %dma_start3A_14] : memref<40x125xi32, #tpu.memory_space<vmem>> -> memref<1x125xi32, #tpu.memory_space<vmem>>
    %dma_start3A_16 = tpu.memref_squeeze %dma_start3A_15 : memref<1x125xi32, #tpu.memory_space<vmem>> -> memref<125xi32, #tpu.memory_space<vmem>>
    %dma_start3A_17 = arith.constant 0 : i32
    %dma_start3A_18 = arith.constant 0 : i32
    %dma_start3A_19 = tpu.memref_slice %arg2[%dma_start3A_17, %dma_start3A_18] : memref<10000x128xf32, #tpu.memory_space<hbm>> -> memref<10000x128xf32, #tpu.memory_space<hbm>>
    tpu.enqueue_indirect_dma source(%dma_start3A_19 : memref<10000x128xf32, #tpu.memory_space<hbm>>) target(%arg11 : memref<125x128xf32, #tpu.memory_space<vmem>>) offsets(%dma_start3A_16 : memref<125xi32, #tpu.memory_space<vmem>>) semaphore(%arg13 : memref<!tpu.dma_semaphore, #tpu.memory_space<semaphore_mem>>)
    %scan3A = arith.constant 0 : i32
    %scan3A_20 = arith.constant 0 : i32
    %scan3A_21 = arith.constant 20 : i32
    %scan3A_22 = arith.addi %scan3A_20, %scan3A_21 : i32
    %scan3A_23 = arith.constant 1 : i32
    scf.for %scan3A_55 = %scan3A_20 to %scan3A_22 step %scan3A_23  : i32 {
      %mul3A_56 = arith.constant 2 : i32
      %mul3A_57 = arith.muli %scan3A_55, %mul3A_56 : i32
      %add3A_58 = arith.constant 1 : i32
      %add3A_59 = arith.addi %mul3A_57, %add3A_58 : i32
      %dma_wait3A = arith.constant 0 : i32
      %dma_wait3A_60 = tpu.memref_slice %arg8[%mul3A_57, %dma_wait3A] : memref<40x125xi32, #tpu.memory_space<vmem>> -> memref<1x125xi32, #tpu.memory_space<vmem>>
      %dma_wait3A_61 = tpu.memref_squeeze %dma_wait3A_60 : memref<1x125xi32, #tpu.memory_space<vmem>> -> memref<125xi32, #tpu.memory_space<vmem>>
      %dma_wait3A_62 = arith.constant 0 : i32
      %dma_wait3A_63 = arith.constant 0 : i32
      %dma_wait3A_64 = tpu.memref_slice %arg2[%dma_wait3A_62, %dma_wait3A_63] : memref<10000x128xf32, #tpu.memory_space<hbm>> -> memref<10000x128xf32, #tpu.memory_space<hbm>>
      tpu.wait_indirect_dma semaphore(%arg12 : memref<!tpu.dma_semaphore, #tpu.memory_space<semaphore_mem>>) src(%dma_wait3A_64 : memref<10000x128xf32, #tpu.memory_space<hbm>>) dst(%arg10 : memref<125x128xf32, #tpu.memory_space<vmem>>)
      "tpu.region"() ({
        %run_scoped3A = tpu.sem_alloc : memref<!tpu.dma_semaphore, #tpu.memory_space<semaphore_mem>>
        %dma_start3A_85 = arith.constant 0 : i32
        %dma_start3A_86 = tpu.memref_slice %arg9[%mul3A_57, %dma_start3A_85] : memref<40x125xi32, #tpu.memory_space<vmem>> -> memref<1x125xi32, #tpu.memory_space<vmem>>
        %dma_start3A_87 = tpu.memref_squeeze %dma_start3A_86 : memref<1x125xi32, #tpu.memory_space<vmem>> -> memref<125xi32, #tpu.memory_space<vmem>>
        %dma_start3A_88 = arith.constant 0 : i32
        %dma_start3A_89 = arith.constant 0 : i32
        %dma_start3A_90 = tpu.memref_slice %arg7[%dma_start3A_88, %dma_start3A_89] : memref<10000x128xf32, #tpu.memory_space<vmem_shared>> -> memref<10000x128xf32, #tpu.memory_space<vmem_shared>>
        tpu.enqueue_indirect_dma source(%arg10 : memref<125x128xf32, #tpu.memory_space<vmem>>) target(%dma_start3A_90 : memref<10000x128xf32, #tpu.memory_space<vmem_shared>>) offsets(%dma_start3A_87 : memref<125xi32, #tpu.memory_space<vmem>>) semaphore(%run_scoped3A : memref<!tpu.dma_semaphore, #tpu.memory_space<semaphore_mem>>) {add = true}
        %dma_wait3A_91 = arith.constant 0 : i32
        %dma_wait3A_92 = tpu.memref_slice %arg9[%mul3A_57, %dma_wait3A_91] : memref<40x125xi32, #tpu.memory_space<vmem>> -> memref<1x125xi32, #tpu.memory_space<vmem>>
        %dma_wait3A_93 = tpu.memref_squeeze %dma_wait3A_92 : memref<1x125xi32, #tpu.memory_space<vmem>> -> memref<125xi32, #tpu.memory_space<vmem>>
        %dma_wait3A_94 = arith.constant 0 : i32
        %dma_wait3A_95 = arith.constant 0 : i32
        %dma_wait3A_96 = tpu.memref_slice %arg7[%dma_wait3A_94, %dma_wait3A_95] : memref<10000x128xf32, #tpu.memory_space<vmem_shared>> -> memref<10000x128xf32, #tpu.memory_space<vmem_shared>>
        tpu.wait_indirect_dma semaphore(%run_scoped3A : memref<!tpu.dma_semaphore, #tpu.memory_space<semaphore_mem>>) src(%arg10 : memref<125x128xf32, #tpu.memory_space<vmem>>) dst(%dma_wait3A_96 : memref<10000x128xf32, #tpu.memory_space<vmem_shared>>)
        tpu.yield
      }) : () -> ()
      %add3A_65 = arith.constant 2 : i32
      %add3A_66 = arith.addi %mul3A_57, %add3A_65 : i32
      %lt3A_67 = arith.constant 40 : i32
      %lt3A_68 = arith.cmpi slt, %add3A_66, %lt3A_67 : i32
      %convert_element_type3A_69 = arith.extui %lt3A_68 : i1 to i32
      %cond3A_70 = arith.constant 0 : i32
      %cond3A_71 = arith.cmpi ne, %convert_element_type3A_69, %cond3A_70 : i32
      scf.if %cond3A_71 {
        %add3A_85 = arith.constant 2 : i32
        %add3A_86 = arith.addi %mul3A_57, %add3A_85 : i32
        %dma_start3A_87 = arith.constant 0 : i32
        %dma_start3A_88 = tpu.memref_slice %arg8[%add3A_86, %dma_start3A_87] : memref<40x125xi32, #tpu.memory_space<vmem>> -> memref<1x125xi32, #tpu.memory_space<vmem>>
        %dma_start3A_89 = tpu.memref_squeeze %dma_start3A_88 : memref<1x125xi32, #tpu.memory_space<vmem>> -> memref<125xi32, #tpu.memory_space<vmem>>
        %dma_start3A_90 = arith.constant 0 : i32
        %dma_start3A_91 = arith.constant 0 : i32
        %dma_start3A_92 = tpu.memref_slice %arg2[%dma_start3A_90, %dma_start3A_91] : memref<10000x128xf32, #tpu.memory_space<hbm>> -> memref<10000x128xf32, #tpu.memory_space<hbm>>
        tpu.enqueue_indirect_dma source(%dma_start3A_92 : memref<10000x128xf32, #tpu.memory_space<hbm>>) target(%arg10 : memref<125x128xf32, #tpu.memory_space<vmem>>) offsets(%dma_start3A_89 : memref<125xi32, #tpu.memory_space<vmem>>) semaphore(%arg12 : memref<!tpu.dma_semaphore, #tpu.memory_space<semaphore_mem>>)
      } else {
      }
      %dma_wait3A_72 = arith.constant 0 : i32
      %dma_wait3A_73 = tpu.memref_slice %arg8[%add3A_59, %dma_wait3A_72] : memref<40x125xi32, #tpu.memory_space<vmem>> -> memref<1x125xi32, #tpu.memory_space<vmem>>
      %dma_wait3A_74 = tpu.memref_squeeze %dma_wait3A_73 : memref<1x125xi32, #tpu.memory_space<vmem>> -> memref<125xi32, #tpu.memory_space<vmem>>
      %dma_wait3A_75 = arith.constant 0 : i32
      %dma_wait3A_76 = arith.constant 0 : i32
      %dma_wait3A_77 = tpu.memref_slice %arg2[%dma_wait3A_75, %dma_wait3A_76] : memref<10000x128xf32, #tpu.memory_space<hbm>> -> memref<10000x128xf32, #tpu.memory_space<hbm>>
      tpu.wait_indirect_dma semaphore(%arg13 : memref<!tpu.dma_semaphore, #tpu.memory_space<semaphore_mem>>) src(%dma_wait3A_77 : memref<10000x128xf32, #tpu.memory_space<hbm>>) dst(%arg11 : memref<125x128xf32, #tpu.memory_space<vmem>>)
      "tpu.region"() ({
        %run_scoped3A = tpu.sem_alloc : memref<!tpu.dma_semaphore, #tpu.memory_space<semaphore_mem>>
        %dma_start3A_85 = arith.constant 0 : i32
        %dma_start3A_86 = tpu.memref_slice %arg9[%add3A_59, %dma_start3A_85] : memref<40x125xi32, #tpu.memory_space<vmem>> -> memref<1x125xi32, #tpu.memory_space<vmem>>
        %dma_start3A_87 = tpu.memref_squeeze %dma_start3A_86 : memref<1x125xi32, #tpu.memory_space<vmem>> -> memref<125xi32, #tpu.memory_space<vmem>>
        %dma_start3A_88 = arith.constant 0 : i32
        %dma_start3A_89 = arith.constant 0 : i32
        %dma_start3A_90 = tpu.memref_slice %arg7[%dma_start3A_88, %dma_start3A_89] : memref<10000x128xf32, #tpu.memory_space<vmem_shared>> -> memref<10000x128xf32, #tpu.memory_space<vmem_shared>>
        tpu.enqueue_indirect_dma source(%arg11 : memref<125x128xf32, #tpu.memory_space<vmem>>) target(%dma_start3A_90 : memref<10000x128xf32, #tpu.memory_space<vmem_shared>>) offsets(%dma_start3A_87 : memref<125xi32, #tpu.memory_space<vmem>>) semaphore(%run_scoped3A : memref<!tpu.dma_semaphore, #tpu.memory_space<semaphore_mem>>) {add = true}
        %dma_wait3A_91 = arith.constant 0 : i32
        %dma_wait3A_92 = tpu.memref_slice %arg9[%add3A_59, %dma_wait3A_91] : memref<40x125xi32, #tpu.memory_space<vmem>> -> memref<1x125xi32, #tpu.memory_space<vmem>>
        %dma_wait3A_93 = tpu.memref_squeeze %dma_wait3A_92 : memref<1x125xi32, #tpu.memory_space<vmem>> -> memref<125xi32, #tpu.memory_space<vmem>>
        %dma_wait3A_94 = arith.constant 0 : i32
        %dma_wait3A_95 = arith.constant 0 : i32
        %dma_wait3A_96 = tpu.memref_slice %arg7[%dma_wait3A_94, %dma_wait3A_95] : memref<10000x128xf32, #tpu.memory_space<vmem_shared>> -> memref<10000x128xf32, #tpu.memory_space<vmem_shared>>
        tpu.wait_indirect_dma semaphore(%run_scoped3A : memref<!tpu.dma_semaphore, #tpu.memory_space<semaphore_mem>>) src(%arg11 : memref<125x128xf32, #tpu.memory_space<vmem>>) dst(%dma_wait3A_96 : memref<10000x128xf32, #tpu.memory_space<vmem_shared>>)
        tpu.yield
      }) : () -> ()
      %add3A_78 = arith.constant 2 : i32
      %add3A_79 = arith.addi %add3A_59, %add3A_78 : i32
      %lt3A_80 = arith.constant 40 : i32
      %lt3A_81 = arith.cmpi slt, %add3A_79, %lt3A_80 : i32
      %convert_element_type3A_82 = arith.extui %lt3A_81 : i1 to i32
      %cond3A_83 = arith.constant 0 : i32
      %cond3A_84 = arith.cmpi ne, %convert_element_type3A_82, %cond3A_83 : i32
      scf.if %cond3A_84 {
        %add3A_85 = arith.constant 2 : i32
        %add3A_86 = arith.addi %add3A_59, %add3A_85 : i32
        %dma_start3A_87 = arith.constant 0 : i32
        %dma_start3A_88 = tpu.memref_slice %arg8[%add3A_86, %dma_start3A_87] : memref<40x125xi32, #tpu.memory_space<vmem>> -> memref<1x125xi32, #tpu.memory_space<vmem>>
        %dma_start3A_89 = tpu.memref_squeeze %dma_start3A_88 : memref<1x125xi32, #tpu.memory_space<vmem>> -> memref<125xi32, #tpu.memory_space<vmem>>
        %dma_start3A_90 = arith.constant 0 : i32
        %dma_start3A_91 = arith.constant 0 : i32
        %dma_start3A_92 = tpu.memref_slice %arg2[%dma_start3A_90, %dma_start3A_91] : memref<10000x128xf32, #tpu.memory_space<hbm>> -> memref<10000x128xf32, #tpu.memory_space<hbm>>
        tpu.enqueue_indirect_dma source(%dma_start3A_92 : memref<10000x128xf32, #tpu.memory_space<hbm>>) target(%arg11 : memref<125x128xf32, #tpu.memory_space<vmem>>) offsets(%dma_start3A_89 : memref<125xi32, #tpu.memory_space<vmem>>) semaphore(%arg13 : memref<!tpu.dma_semaphore, #tpu.memory_space<semaphore_mem>>)
      } else {
      }
    }
    %scan3A_24 = arith.constant 20 : i32
    "tpu.region"() ({
      %run_scoped3A = tpu.sem_alloc : memref<!tpu.dma_semaphore, #tpu.memory_space<semaphore_mem>>
      %dma_start3A_55 = arith.constant 40 : i32
      %dma_start3A_56 = arith.constant 0 : i32
      %dma_start3A_57 = tpu.memref_slice %arg3[%add3A, %dma_start3A_55, %dma_start3A_56] : memref<32x80x125xi32, #tpu.memory_space<hbm>> -> memref<1x40x125xi32, #tpu.memory_space<hbm>>
      %dma_start3A_58 = tpu.memref_squeeze %dma_start3A_57 : memref<1x40x125xi32, #tpu.memory_space<hbm>> -> memref<40x125xi32, #tpu.memory_space<hbm>>
      %dma_start3A_59 = arith.constant 40 : i32
      %dma_start3A_60 = arith.constant 0 : i32
      %dma_start3A_61 = tpu.memref_slice %arg3[%add3A, %dma_start3A_59, %dma_start3A_60] : memref<32x80x125xi32, #tpu.memory_space<hbm>> -> memref<1x40x125xi32, #tpu.memory_space<hbm>>
      %dma_start3A_62 = tpu.memref_squeeze %dma_start3A_61 : memref<1x40x125xi32, #tpu.memory_space<hbm>> -> memref<40x125xi32, #tpu.memory_space<hbm>>
      tpu.enqueue_dma source(%dma_start3A_62 : memref<40x125xi32, #tpu.memory_space<hbm>>) target(%arg8 : memref<40x125xi32, #tpu.memory_space<vmem>>) target_semaphore(%run_scoped3A : memref<!tpu.dma_semaphore, #tpu.memory_space<semaphore_mem>>)
      %dma_wait3A = arith.constant 40 : i32
      %dma_wait3A_63 = arith.constant 0 : i32
      %dma_wait3A_64 = tpu.memref_slice %arg3[%add3A, %dma_wait3A, %dma_wait3A_63] : memref<32x80x125xi32, #tpu.memory_space<hbm>> -> memref<1x40x125xi32, #tpu.memory_space<hbm>>
      %dma_wait3A_65 = tpu.memref_squeeze %dma_wait3A_64 : memref<1x40x125xi32, #tpu.memory_space<hbm>> -> memref<40x125xi32, #tpu.memory_space<hbm>>
      %dma_wait3A_66 = arith.constant 40 : i32
      %dma_wait3A_67 = arith.constant 0 : i32
      %dma_wait3A_68 = tpu.memref_slice %arg3[%add3A, %dma_wait3A_66, %dma_wait3A_67] : memref<32x80x125xi32, #tpu.memory_space<hbm>> -> memref<1x40x125xi32, #tpu.memory_space<hbm>>
      %dma_wait3A_69 = tpu.memref_squeeze %dma_wait3A_68 : memref<1x40x125xi32, #tpu.memory_space<hbm>> -> memref<40x125xi32, #tpu.memory_space<hbm>>
      tpu.wait_dma2 semaphore(%run_scoped3A : memref<!tpu.dma_semaphore, #tpu.memory_space<semaphore_mem>>) src(%dma_wait3A_69 : memref<40x125xi32, #tpu.memory_space<hbm>>) dst(%arg8 : memref<40x125xi32, #tpu.memory_space<vmem>>)
      tpu.yield
    }) : () -> ()
    "tpu.region"() ({
      %run_scoped3A = tpu.sem_alloc : memref<!tpu.dma_semaphore, #tpu.memory_space<semaphore_mem>>
      %dma_start3A_55 = arith.constant 40 : i32
      %dma_start3A_56 = arith.constant 0 : i32
      %dma_start3A_57 = tpu.memref_slice %arg4[%add3A, %dma_start3A_55, %dma_start3A_56] : memref<32x80x125xi32, #tpu.memory_space<hbm>> -> memref<1x40x125xi32, #tpu.memory_space<hbm>>
      %dma_start3A_58 = tpu.memref_squeeze %dma_start3A_57 : memref<1x40x125xi32, #tpu.memory_space<hbm>> -> memref<40x125xi32, #tpu.memory_space<hbm>>
      %dma_start3A_59 = arith.constant 40 : i32
      %dma_start3A_60 = arith.constant 0 : i32
      %dma_start3A_61 = tpu.memref_slice %arg4[%add3A, %dma_start3A_59, %dma_start3A_60] : memref<32x80x125xi32, #tpu.memory_space<hbm>> -> memref<1x40x125xi32, #tpu.memory_space<hbm>>
      %dma_start3A_62 = tpu.memref_squeeze %dma_start3A_61 : memref<1x40x125xi32, #tpu.memory_space<hbm>> -> memref<40x125xi32, #tpu.memory_space<hbm>>
      tpu.enqueue_dma source(%dma_start3A_62 : memref<40x125xi32, #tpu.memory_space<hbm>>) target(%arg9 : memref<40x125xi32, #tpu.memory_space<vmem>>) target_semaphore(%run_scoped3A : memref<!tpu.dma_semaphore, #tpu.memory_space<semaphore_mem>>)
      %dma_wait3A = arith.constant 40 : i32
      %dma_wait3A_63 = arith.constant 0 : i32
      %dma_wait3A_64 = tpu.memref_slice %arg4[%add3A, %dma_wait3A, %dma_wait3A_63] : memref<32x80x125xi32, #tpu.memory_space<hbm>> -> memref<1x40x125xi32, #tpu.memory_space<hbm>>
      %dma_wait3A_65 = tpu.memref_squeeze %dma_wait3A_64 : memref<1x40x125xi32, #tpu.memory_space<hbm>> -> memref<40x125xi32, #tpu.memory_space<hbm>>
      %dma_wait3A_66 = arith.constant 40 : i32
      %dma_wait3A_67 = arith.constant 0 : i32
      %dma_wait3A_68 = tpu.memref_slice %arg4[%add3A, %dma_wait3A_66, %dma_wait3A_67] : memref<32x80x125xi32, #tpu.memory_space<hbm>> -> memref<1x40x125xi32, #tpu.memory_space<hbm>>
      %dma_wait3A_69 = tpu.memref_squeeze %dma_wait3A_68 : memref<1x40x125xi32, #tpu.memory_space<hbm>> -> memref<40x125xi32, #tpu.memory_space<hbm>>
      tpu.wait_dma2 semaphore(%run_scoped3A : memref<!tpu.dma_semaphore, #tpu.memory_space<semaphore_mem>>) src(%dma_wait3A_69 : memref<40x125xi32, #tpu.memory_space<hbm>>) dst(%arg9 : memref<40x125xi32, #tpu.memory_space<vmem>>)
      tpu.yield
    }) : () -> ()
    %dma_start3A_25 = arith.constant 0 : i32
    %dma_start3A_26 = arith.constant 0 : i32
    %dma_start3A_27 = tpu.memref_slice %arg8[%dma_start3A_25, %dma_start3A_26] : memref<40x125xi32, #tpu.memory_space<vmem>> -> memref<1x125xi32, #tpu.memory_space<vmem>>
    %dma_start3A_28 = tpu.memref_squeeze %dma_start3A_27 : memref<1x125xi32, #tpu.memory_space<vmem>> -> memref<125xi32, #tpu.memory_space<vmem>>
    %dma_start3A_29 = arith.constant 0 : i32
    %dma_start3A_30 = arith.constant 0 : i32
    %dma_start3A_31 = tpu.memref_slice %arg2[%dma_start3A_29, %dma_start3A_30] : memref<10000x128xf32, #tpu.memory_space<hbm>> -> memref<10000x128xf32, #tpu.memory_space<hbm>>
    tpu.enqueue_indirect_dma source(%dma_start3A_31 : memref<10000x128xf32, #tpu.memory_space<hbm>>) target(%arg10 : memref<125x128xf32, #tpu.memory_space<vmem>>) offsets(%dma_start3A_28 : memref<125xi32, #tpu.memory_space<vmem>>) semaphore(%arg12 : memref<!tpu.dma_semaphore, #tpu.memory_space<semaphore_mem>>)
    %dma_start3A_32 = arith.constant 1 : i32
    %dma_start3A_33 = arith.constant 0 : i32
    %dma_start3A_34 = tpu.memref_slice %arg8[%dma_start3A_32, %dma_start3A_33] : memref<40x125xi32, #tpu.memory_space<vmem>> -> memref<1x125xi32, #tpu.memory_space<vmem>>
    %dma_start3A_35 = tpu.memref_squeeze %dma_start3A_34 : memref<1x125xi32, #tpu.memory_space<vmem>> -> memref<125xi32, #tpu.memory_space<vmem>>
    %dma_start3A_36 = arith.constant 0 : i32
    %dma_start3A_37 = arith.constant 0 : i32
    %dma_start3A_38 = tpu.memref_slice %arg2[%dma_start3A_36, %dma_start3A_37] : memref<10000x128xf32, #tpu.memory_space<hbm>> -> memref<10000x128xf32, #tpu.memory_space<hbm>>
    tpu.enqueue_indirect_dma source(%dma_start3A_38 : memref<10000x128xf32, #tpu.memory_space<hbm>>) target(%arg11 : memref<125x128xf32, #tpu.memory_space<vmem>>) offsets(%dma_start3A_35 : memref<125xi32, #tpu.memory_space<vmem>>) semaphore(%arg13 : memref<!tpu.dma_semaphore, #tpu.memory_space<semaphore_mem>>)
    %scan3A_39 = arith.constant 0 : i32
    %scan3A_40 = arith.constant 0 : i32
    %scan3A_41 = arith.constant 20 : i32
    %scan3A_42 = arith.addi %scan3A_40, %scan3A_41 : i32
    %scan3A_43 = arith.constant 1 : i32
    scf.for %scan3A_55 = %scan3A_40 to %scan3A_42 step %scan3A_43  : i32 {
      %mul3A_56 = arith.constant 2 : i32
      %mul3A_57 = arith.muli %scan3A_55, %mul3A_56 : i32
      %add3A_58 = arith.constant 1 : i32
      %add3A_59 = arith.addi %mul3A_57, %add3A_58 : i32
      %dma_wait3A = arith.constant 0 : i32
      %dma_wait3A_60 = tpu.memref_slice %arg8[%mul3A_57, %dma_wait3A] : memref<40x125xi32, #tpu.memory_space<vmem>> -> memref<1x125xi32, #tpu.memory_space<vmem>>
      %dma_wait3A_61 = tpu.memref_squeeze %dma_wait3A_60 : memref<1x125xi32, #tpu.memory_space<vmem>> -> memref<125xi32, #tpu.memory_space<vmem>>
      %dma_wait3A_62 = arith.constant 0 : i32
      %dma_wait3A_63 = arith.constant 0 : i32
      %dma_wait3A_64 = tpu.memref_slice %arg2[%dma_wait3A_62, %dma_wait3A_63] : memref<10000x128xf32, #tpu.memory_space<hbm>> -> memref<10000x128xf32, #tpu.memory_space<hbm>>
      tpu.wait_indirect_dma semaphore(%arg12 : memref<!tpu.dma_semaphore, #tpu.memory_space<semaphore_mem>>) src(%dma_wait3A_64 : memref<10000x128xf32, #tpu.memory_space<hbm>>) dst(%arg10 : memref<125x128xf32, #tpu.memory_space<vmem>>)
      "tpu.region"() ({
        %run_scoped3A = tpu.sem_alloc : memref<!tpu.dma_semaphore, #tpu.memory_space<semaphore_mem>>
        %dma_start3A_85 = arith.constant 0 : i32
        %dma_start3A_86 = tpu.memref_slice %arg9[%mul3A_57, %dma_start3A_85] : memref<40x125xi32, #tpu.memory_space<vmem>> -> memref<1x125xi32, #tpu.memory_space<vmem>>
        %dma_start3A_87 = tpu.memref_squeeze %dma_start3A_86 : memref<1x125xi32, #tpu.memory_space<vmem>> -> memref<125xi32, #tpu.memory_space<vmem>>
        %dma_start3A_88 = arith.constant 0 : i32
        %dma_start3A_89 = arith.constant 0 : i32
        %dma_start3A_90 = tpu.memref_slice %arg7[%dma_start3A_88, %dma_start3A_89] : memref<10000x128xf32, #tpu.memory_space<vmem_shared>> -> memref<10000x128xf32, #tpu.memory_space<vmem_shared>>
        tpu.enqueue_indirect_dma source(%arg10 : memref<125x128xf32, #tpu.memory_space<vmem>>) target(%dma_start3A_90 : memref<10000x128xf32, #tpu.memory_space<vmem_shared>>) offsets(%dma_start3A_87 : memref<125xi32, #tpu.memory_space<vmem>>) semaphore(%run_scoped3A : memref<!tpu.dma_semaphore, #tpu.memory_space<semaphore_mem>>) {add = true}
        %dma_wait3A_91 = arith.constant 0 : i32
        %dma_wait3A_92 = tpu.memref_slice %arg9[%mul3A_57, %dma_wait3A_91] : memref<40x125xi32, #tpu.memory_space<vmem>> -> memref<1x125xi32, #tpu.memory_space<vmem>>
        %dma_wait3A_93 = tpu.memref_squeeze %dma_wait3A_92 : memref<1x125xi32, #tpu.memory_space<vmem>> -> memref<125xi32, #tpu.memory_space<vmem>>
        %dma_wait3A_94 = arith.constant 0 : i32
        %dma_wait3A_95 = arith.constant 0 : i32
        %dma_wait3A_96 = tpu.memref_slice %arg7[%dma_wait3A_94, %dma_wait3A_95] : memref<10000x128xf32, #tpu.memory_space<vmem_shared>> -> memref<10000x128xf32, #tpu.memory_space<vmem_shared>>
        tpu.wait_indirect_dma semaphore(%run_scoped3A : memref<!tpu.dma_semaphore, #tpu.memory_space<semaphore_mem>>) src(%arg10 : memref<125x128xf32, #tpu.memory_space<vmem>>) dst(%dma_wait3A_96 : memref<10000x128xf32, #tpu.memory_space<vmem_shared>>)
        tpu.yield
      }) : () -> ()
      %add3A_65 = arith.constant 2 : i32
      %add3A_66 = arith.addi %mul3A_57, %add3A_65 : i32
      %lt3A_67 = arith.constant 40 : i32
      %lt3A_68 = arith.cmpi slt, %add3A_66, %lt3A_67 : i32
      %convert_element_type3A_69 = arith.extui %lt3A_68 : i1 to i32
      %cond3A_70 = arith.constant 0 : i32
      %cond3A_71 = arith.cmpi ne, %convert_element_type3A_69, %cond3A_70 : i32
      scf.if %cond3A_71 {
        %add3A_85 = arith.constant 2 : i32
        %add3A_86 = arith.addi %mul3A_57, %add3A_85 : i32
        %dma_start3A_87 = arith.constant 0 : i32
        %dma_start3A_88 = tpu.memref_slice %arg8[%add3A_86, %dma_start3A_87] : memref<40x125xi32, #tpu.memory_space<vmem>> -> memref<1x125xi32, #tpu.memory_space<vmem>>
        %dma_start3A_89 = tpu.memref_squeeze %dma_start3A_88 : memref<1x125xi32, #tpu.memory_space<vmem>> -> memref<125xi32, #tpu.memory_space<vmem>>
        %dma_start3A_90 = arith.constant 0 : i32
        %dma_start3A_91 = arith.constant 0 : i32
        %dma_start3A_92 = tpu.memref_slice %arg2[%dma_start3A_90, %dma_start3A_91] : memref<10000x128xf32, #tpu.memory_space<hbm>> -> memref<10000x128xf32, #tpu.memory_space<hbm>>
        tpu.enqueue_indirect_dma source(%dma_start3A_92 : memref<10000x128xf32, #tpu.memory_space<hbm>>) target(%arg10 : memref<125x128xf32, #tpu.memory_space<vmem>>) offsets(%dma_start3A_89 : memref<125xi32, #tpu.memory_space<vmem>>) semaphore(%arg12 : memref<!tpu.dma_semaphore, #tpu.memory_space<semaphore_mem>>)
      } else {
      }
      %dma_wait3A_72 = arith.constant 0 : i32
      %dma_wait3A_73 = tpu.memref_slice %arg8[%add3A_59, %dma_wait3A_72] : memref<40x125xi32, #tpu.memory_space<vmem>> -> memref<1x125xi32, #tpu.memory_space<vmem>>
      %dma_wait3A_74 = tpu.memref_squeeze %dma_wait3A_73 : memref<1x125xi32, #tpu.memory_space<vmem>> -> memref<125xi32, #tpu.memory_space<vmem>>
      %dma_wait3A_75 = arith.constant 0 : i32
      %dma_wait3A_76 = arith.constant 0 : i32
      %dma_wait3A_77 = tpu.memref_slice %arg2[%dma_wait3A_75, %dma_wait3A_76] : memref<10000x128xf32, #tpu.memory_space<hbm>> -> memref<10000x128xf32, #tpu.memory_space<hbm>>
      tpu.wait_indirect_dma semaphore(%arg13 : memref<!tpu.dma_semaphore, #tpu.memory_space<semaphore_mem>>) src(%dma_wait3A_77 : memref<10000x128xf32, #tpu.memory_space<hbm>>) dst(%arg11 : memref<125x128xf32, #tpu.memory_space<vmem>>)
      "tpu.region"() ({
        %run_scoped3A = tpu.sem_alloc : memref<!tpu.dma_semaphore, #tpu.memory_space<semaphore_mem>>
        %dma_start3A_85 = arith.constant 0 : i32
        %dma_start3A_86 = tpu.memref_slice %arg9[%add3A_59, %dma_start3A_85] : memref<40x125xi32, #tpu.memory_space<vmem>> -> memref<1x125xi32, #tpu.memory_space<vmem>>
        %dma_start3A_87 = tpu.memref_squeeze %dma_start3A_86 : memref<1x125xi32, #tpu.memory_space<vmem>> -> memref<125xi32, #tpu.memory_space<vmem>>
        %dma_start3A_88 = arith.constant 0 : i32
        %dma_start3A_89 = arith.constant 0 : i32
        %dma_start3A_90 = tpu.memref_slice %arg7[%dma_start3A_88, %dma_start3A_89] : memref<10000x128xf32, #tpu.memory_space<vmem_shared>> -> memref<10000x128xf32, #tpu.memory_space<vmem_shared>>
        tpu.enqueue_indirect_dma source(%arg11 : memref<125x128xf32, #tpu.memory_space<vmem>>) target(%dma_start3A_90 : memref<10000x128xf32, #tpu.memory_space<vmem_shared>>) offsets(%dma_start3A_87 : memref<125xi32, #tpu.memory_space<vmem>>) semaphore(%run_scoped3A : memref<!tpu.dma_semaphore, #tpu.memory_space<semaphore_mem>>) {add = true}
        %dma_wait3A_91 = arith.constant 0 : i32
        %dma_wait3A_92 = tpu.memref_slice %arg9[%add3A_59, %dma_wait3A_91] : memref<40x125xi32, #tpu.memory_space<vmem>> -> memref<1x125xi32, #tpu.memory_space<vmem>>
        %dma_wait3A_93 = tpu.memref_squeeze %dma_wait3A_92 : memref<1x125xi32, #tpu.memory_space<vmem>> -> memref<125xi32, #tpu.memory_space<vmem>>
        %dma_wait3A_94 = arith.constant 0 : i32
        %dma_wait3A_95 = arith.constant 0 : i32
        %dma_wait3A_96 = tpu.memref_slice %arg7[%dma_wait3A_94, %dma_wait3A_95] : memref<10000x128xf32, #tpu.memory_space<vmem_shared>> -> memref<10000x128xf32, #tpu.memory_space<vmem_shared>>
        tpu.wait_indirect_dma semaphore(%run_scoped3A : memref<!tpu.dma_semaphore, #tpu.memory_space<semaphore_mem>>) src(%arg11 : memref<125x128xf32, #tpu.memory_space<vmem>>) dst(%dma_wait3A_96 : memref<10000x128xf32, #tpu.memory_space<vmem_shared>>)
        tpu.yield
      }) : () -> ()
      %add3A_78 = arith.constant 2 : i32
      %add3A_79 = arith.addi %add3A_59, %add3A_78 : i32
      %lt3A_80 = arith.constant 40 : i32
      %lt3A_81 = arith.cmpi slt, %add3A_79, %lt3A_80 : i32
      %convert_element_type3A_82 = arith.extui %lt3A_81 : i1 to i32
      %cond3A_83 = arith.constant 0 : i32
      %cond3A_84 = arith.cmpi ne, %convert_element_type3A_82, %cond3A_83 : i32
      scf.if %cond3A_84 {
        %add3A_85 = arith.constant 2 : i32
        %add3A_86 = arith.addi %add3A_59, %add3A_85 : i32
        %dma_start3A_87 = arith.constant 0 : i32
        %dma_start3A_88 = tpu.memref_slice %arg8[%add3A_86, %dma_start3A_87] : memref<40x125xi32, #tpu.memory_space<vmem>> -> memref<1x125xi32, #tpu.memory_space<vmem>>
        %dma_start3A_89 = tpu.memref_squeeze %dma_start3A_88 : memref<1x125xi32, #tpu.memory_space<vmem>> -> memref<125xi32, #tpu.memory_space<vmem>>
        %dma_start3A_90 = arith.constant 0 : i32
        %dma_start3A_91 = arith.constant 0 : i32
        %dma_start3A_92 = tpu.memref_slice %arg2[%dma_start3A_90, %dma_start3A_91] : memref<10000x128xf32, #tpu.memory_space<hbm>> -> memref<10000x128xf32, #tpu.memory_space<hbm>>
        tpu.enqueue_indirect_dma source(%dma_start3A_92 : memref<10000x128xf32, #tpu.memory_space<hbm>>) target(%arg11 : memref<125x128xf32, #tpu.memory_space<vmem>>) offsets(%dma_start3A_89 : memref<125xi32, #tpu.memory_space<vmem>>) semaphore(%arg13 : memref<!tpu.dma_semaphore, #tpu.memory_space<semaphore_mem>>)
      } else {
      }
    }
    %scan3A_44 = arith.constant 20 : i32
    %barrier3A_45 = arith.constant 0 : index
    tpu.barrier barrier_id(%barrier3A_45)
    %lt3A = arith.constant 15 : i32
    %lt3A_46 = arith.cmpi slt, %arg1, %lt3A : i32
    %convert_element_type3A_47 = arith.extui %lt3A_46 : i1 to i32
    %cond3A_48 = arith.constant 0 : i32
    %cond3A_49 = arith.cmpi ne, %convert_element_type3A_47, %cond3A_48 : i32
    scf.if %cond3A_49 {
      %mul3A_55 = arith.constant 624 : i32
      %mul3A_56 = arith.muli %arg1, %mul3A_55 : i32
      %multiple_of3A = tpu.assume_multiple %mul3A_56, 8 : i32
      "tpu.region"() ({
        %run_scoped3A = tpu.sem_alloc : memref<!tpu.dma_semaphore, #tpu.memory_space<semaphore_mem>>
        %dma_start3A_57 = arith.constant 0 : i32
        %dma_start3A_58 = tpu.memref_slice %arg6[%arg0, %multiple_of3A, %dma_start3A_57] : memref<2x10000x128xf32, #tpu.memory_space<hbm>> -> memref<1x624x128xf32, #tpu.memory_space<hbm>>
        %dma_start3A_59 = tpu.memref_squeeze %dma_start3A_58 : memref<1x624x128xf32, #tpu.memory_space<hbm>> -> memref<624x128xf32, #tpu.memory_space<hbm>>
        %dma_start3A_60 = arith.constant 0 : i32
        %dma_start3A_61 = tpu.memref_slice %arg7[%multiple_of3A, %dma_start3A_60] : memref<10000x128xf32, #tpu.memory_space<vmem_shared>> -> memref<624x128xf32, #tpu.memory_space<vmem_shared>>
        tpu.enqueue_dma source(%dma_start3A_61 : memref<624x128xf32, #tpu.memory_space<vmem_shared>>) target(%dma_start3A_59 : memref<624x128xf32, #tpu.memory_space<hbm>>) target_semaphore(%run_scoped3A : memref<!tpu.dma_semaphore, #tpu.memory_space<semaphore_mem>>)
        %dma_wait3A = arith.constant 0 : i32
        %dma_wait3A_62 = tpu.memref_slice %arg6[%arg0, %multiple_of3A, %dma_wait3A] : memref<2x10000x128xf32, #tpu.memory_space<hbm>> -> memref<1x624x128xf32, #tpu.memory_space<hbm>>
        %dma_wait3A_63 = tpu.memref_squeeze %dma_wait3A_62 : memref<1x624x128xf32, #tpu.memory_space<hbm>> -> memref<624x128xf32, #tpu.memory_space<hbm>>
        %dma_wait3A_64 = arith.constant 0 : i32
        %dma_wait3A_65 = tpu.memref_slice %arg7[%multiple_of3A, %dma_wait3A_64] : memref<10000x128xf32, #tpu.memory_space<vmem_shared>> -> memref<624x128xf32, #tpu.memory_space<vmem_shared>>
        tpu.wait_dma2 semaphore(%run_scoped3A : memref<!tpu.dma_semaphore, #tpu.memory_space<semaphore_mem>>) src(%dma_wait3A_65 : memref<624x128xf32, #tpu.memory_space<vmem_shared>>) dst(%dma_wait3A_63 : memref<624x128xf32, #tpu.memory_space<hbm>>)
        tpu.yield
      }) : () -> ()
    } else {
    }
    %eq3A_50 = arith.constant 15 : i32
    %eq3A_51 = arith.cmpi eq, %arg1, %eq3A_50 : i32
    %convert_element_type3A_52 = arith.extui %eq3A_51 : i1 to i32
    %cond3A_53 = arith.constant 0 : i32
    %cond3A_54 = arith.cmpi ne, %convert_element_type3A_52, %cond3A_53 : i32
    scf.if %cond3A_54 {
      "tpu.region"() ({
        %run_scoped3A = tpu.sem_alloc : memref<!tpu.dma_semaphore, #tpu.memory_space<semaphore_mem>>
        %dma_start3A_55 = arith.constant 9360 : i32
        %dma_start3A_56 = arith.constant 0 : i32
        %dma_start3A_57 = tpu.memref_slice %arg6[%arg0, %dma_start3A_55, %dma_start3A_56] : memref<2x10000x128xf32, #tpu.memory_space<hbm>> -> memref<1x640x128xf32, #tpu.memory_space<hbm>>
        %dma_start3A_58 = tpu.memref_squeeze %dma_start3A_57 : memref<1x640x128xf32, #tpu.memory_space<hbm>> -> memref<640x128xf32, #tpu.memory_space<hbm>>
        %dma_start3A_59 = arith.constant 9360 : i32
        %dma_start3A_60 = arith.constant 0 : i32
        %dma_start3A_61 = tpu.memref_slice %arg7[%dma_start3A_59, %dma_start3A_60] : memref<10000x128xf32, #tpu.memory_space<vmem_shared>> -> memref<640x128xf32, #tpu.memory_space<vmem_shared>>
        tpu.enqueue_dma source(%dma_start3A_61 : memref<640x128xf32, #tpu.memory_space<vmem_shared>>) target(%dma_start3A_58 : memref<640x128xf32, #tpu.memory_space<hbm>>) target_semaphore(%run_scoped3A : memref<!tpu.dma_semaphore, #tpu.memory_space<semaphore_mem>>)
        %dma_wait3A = arith.constant 9360 : i32
        %dma_wait3A_62 = arith.constant 0 : i32
        %dma_wait3A_63 = tpu.memref_slice %arg6[%arg0, %dma_wait3A, %dma_wait3A_62] : memref<2x10000x128xf32, #tpu.memory_space<hbm>> -> memref<1x640x128xf32, #tpu.memory_space<hbm>>
        %dma_wait3A_64 = tpu.memref_squeeze %dma_wait3A_63 : memref<1x640x128xf32, #tpu.memory_space<hbm>> -> memref<640x128xf32, #tpu.memory_space<hbm>>
        %dma_wait3A_65 = arith.constant 9360 : i32
        %dma_wait3A_66 = arith.constant 0 : i32
        %dma_wait3A_67 = tpu.memref_slice %arg7[%dma_wait3A_65, %dma_wait3A_66] : memref<10000x128xf32, #tpu.memory_space<vmem_shared>> -> memref<640x128xf32, #tpu.memory_space<vmem_shared>>
        tpu.wait_dma2 semaphore(%run_scoped3A : memref<!tpu.dma_semaphore, #tpu.memory_space<semaphore_mem>>) src(%dma_wait3A_67 : memref<640x128xf32, #tpu.memory_space<vmem_shared>>) dst(%dma_wait3A_64 : memref<640x128xf32, #tpu.memory_space<hbm>>)
        tpu.yield
      }) : () -> ()
    } else {
    }
    return
  }
}

#map = affine_map<(d0, d1) -> (0, 0, 0)>
#map1 = affine_map<(d0, d1) -> (0, 0)>
module attributes {stable_mosaic.version = 14 : i64} {
  func.func @_deg_body(%arg0: i32, %arg1: i32, %arg2: memref<32x80x125xi32, #tpu.memory_space<hbm>>, %arg3: memref<10000x128xf32, #tpu.memory_space<hbm>>, %arg4: memref<125x128xf32, #tpu.memory_space<hbm>>, %arg5: memref<2x10000x128xf32, #tpu.memory_space<hbm>>, %arg6: memref<10000x128xf32, #tpu.memory_space<vmem_shared>>, %arg7: memref<125x128xf32, #tpu.memory_space<vmem>>, %arg8: memref<80x125xi32, #tpu.memory_space<vmem>>) attributes {dimension_semantics = [#tpu.dimension_semantics<core_parallel>, #tpu.dimension_semantics<subcore_parallel>], iteration_bounds = array<i64: 2, 16>, scalar_prefetch = 0 : i64, scratch_operands = 3 : i64, tpu.core_type = #tpu.core_type<sc_vector_subcore>, window_params = [{transform_indices = #map}, {transform_indices = #map1}, {transform_indices = #map1}, {transform_indices = #map}]} {
    %mul3A = arith.constant 16 : i32
    %mul3A_0 = arith.muli %arg0, %mul3A : i32
    %add3A = arith.addi %mul3A_0, %arg1 : i32
    %lt3A = arith.constant 15 : i32
    %lt3A_1 = arith.cmpi slt, %arg1, %lt3A : i32
    %convert_element_type3A = arith.extui %lt3A_1 : i1 to i32
    %cond3A = arith.constant 0 : i32
    %cond3A_2 = arith.cmpi ne, %convert_element_type3A, %cond3A : i32
    scf.if %cond3A_2 {
      %mul3A_23 = arith.constant 624 : i32
      %mul3A_24 = arith.muli %arg1, %mul3A_23 : i32
      %multiple_of3A = tpu.assume_multiple %mul3A_24, 8 : i32
      "tpu.region"() ({
        %run_scoped3A = tpu.sem_alloc : memref<!tpu.dma_semaphore, #tpu.memory_space<semaphore_mem>>
        %dma_start3A = arith.constant 0 : i32
        %dma_start3A_25 = tpu.memref_slice %arg6[%multiple_of3A, %dma_start3A] : memref<10000x128xf32, #tpu.memory_space<vmem_shared>> -> memref<624x128xf32, #tpu.memory_space<vmem_shared>>
        %dma_start3A_26 = arith.constant 0 : i32
        %dma_start3A_27 = tpu.memref_slice %arg3[%multiple_of3A, %dma_start3A_26] : memref<10000x128xf32, #tpu.memory_space<hbm>> -> memref<624x128xf32, #tpu.memory_space<hbm>>
        tpu.enqueue_dma source(%dma_start3A_27 : memref<624x128xf32, #tpu.memory_space<hbm>>) target(%dma_start3A_25 : memref<624x128xf32, #tpu.memory_space<vmem_shared>>) target_semaphore(%run_scoped3A : memref<!tpu.dma_semaphore, #tpu.memory_space<semaphore_mem>>)
        %dma_wait3A = arith.constant 0 : i32
        %dma_wait3A_28 = tpu.memref_slice %arg6[%multiple_of3A, %dma_wait3A] : memref<10000x128xf32, #tpu.memory_space<vmem_shared>> -> memref<624x128xf32, #tpu.memory_space<vmem_shared>>
        %dma_wait3A_29 = arith.constant 0 : i32
        %dma_wait3A_30 = tpu.memref_slice %arg3[%multiple_of3A, %dma_wait3A_29] : memref<10000x128xf32, #tpu.memory_space<hbm>> -> memref<624x128xf32, #tpu.memory_space<hbm>>
        tpu.wait_dma2 semaphore(%run_scoped3A : memref<!tpu.dma_semaphore, #tpu.memory_space<semaphore_mem>>) src(%dma_wait3A_30 : memref<624x128xf32, #tpu.memory_space<hbm>>) dst(%dma_wait3A_28 : memref<624x128xf32, #tpu.memory_space<vmem_shared>>)
        tpu.yield
      }) : () -> ()
    } else {
    }
    %eq3A = arith.constant 15 : i32
    %eq3A_3 = arith.cmpi eq, %arg1, %eq3A : i32
    %convert_element_type3A_4 = arith.extui %eq3A_3 : i1 to i32
    %cond3A_5 = arith.constant 0 : i32
    %cond3A_6 = arith.cmpi ne, %convert_element_type3A_4, %cond3A_5 : i32
    scf.if %cond3A_6 {
      "tpu.region"() ({
        %run_scoped3A = tpu.sem_alloc : memref<!tpu.dma_semaphore, #tpu.memory_space<semaphore_mem>>
        %dma_start3A = arith.constant 9360 : i32
        %dma_start3A_23 = arith.constant 0 : i32
        %dma_start3A_24 = tpu.memref_slice %arg6[%dma_start3A, %dma_start3A_23] : memref<10000x128xf32, #tpu.memory_space<vmem_shared>> -> memref<640x128xf32, #tpu.memory_space<vmem_shared>>
        %dma_start3A_25 = arith.constant 9360 : i32
        %dma_start3A_26 = arith.constant 0 : i32
        %dma_start3A_27 = tpu.memref_slice %arg3[%dma_start3A_25, %dma_start3A_26] : memref<10000x128xf32, #tpu.memory_space<hbm>> -> memref<640x128xf32, #tpu.memory_space<hbm>>
        tpu.enqueue_dma source(%dma_start3A_27 : memref<640x128xf32, #tpu.memory_space<hbm>>) target(%dma_start3A_24 : memref<640x128xf32, #tpu.memory_space<vmem_shared>>) target_semaphore(%run_scoped3A : memref<!tpu.dma_semaphore, #tpu.memory_space<semaphore_mem>>)
        %dma_wait3A = arith.constant 9360 : i32
        %dma_wait3A_28 = arith.constant 0 : i32
        %dma_wait3A_29 = tpu.memref_slice %arg6[%dma_wait3A, %dma_wait3A_28] : memref<10000x128xf32, #tpu.memory_space<vmem_shared>> -> memref<640x128xf32, #tpu.memory_space<vmem_shared>>
        %dma_wait3A_30 = arith.constant 9360 : i32
        %dma_wait3A_31 = arith.constant 0 : i32
        %dma_wait3A_32 = tpu.memref_slice %arg3[%dma_wait3A_30, %dma_wait3A_31] : memref<10000x128xf32, #tpu.memory_space<hbm>> -> memref<640x128xf32, #tpu.memory_space<hbm>>
        tpu.wait_dma2 semaphore(%run_scoped3A : memref<!tpu.dma_semaphore, #tpu.memory_space<semaphore_mem>>) src(%dma_wait3A_32 : memref<640x128xf32, #tpu.memory_space<hbm>>) dst(%dma_wait3A_29 : memref<640x128xf32, #tpu.memory_space<vmem_shared>>)
        tpu.yield
      }) : () -> ()
    } else {
    }
    "tpu.region"() ({
      %run_scoped3A = tpu.sem_alloc : memref<!tpu.dma_semaphore, #tpu.memory_space<semaphore_mem>>
      tpu.enqueue_dma source(%arg4 : memref<125x128xf32, #tpu.memory_space<hbm>>) target(%arg7 : memref<125x128xf32, #tpu.memory_space<vmem>>) target_semaphore(%run_scoped3A : memref<!tpu.dma_semaphore, #tpu.memory_space<semaphore_mem>>)
      tpu.wait_dma2 semaphore(%run_scoped3A : memref<!tpu.dma_semaphore, #tpu.memory_space<semaphore_mem>>) src(%arg4 : memref<125x128xf32, #tpu.memory_space<hbm>>) dst(%arg7 : memref<125x128xf32, #tpu.memory_space<vmem>>)
      tpu.yield
    }) : () -> ()
    "tpu.region"() ({
      %run_scoped3A = tpu.sem_alloc : memref<!tpu.dma_semaphore, #tpu.memory_space<semaphore_mem>>
      %dma_start3A = arith.constant 0 : i32
      %dma_start3A_23 = arith.constant 0 : i32
      %dma_start3A_24 = tpu.memref_slice %arg2[%add3A, %dma_start3A, %dma_start3A_23] : memref<32x80x125xi32, #tpu.memory_space<hbm>> -> memref<1x80x125xi32, #tpu.memory_space<hbm>>
      %dma_start3A_25 = tpu.memref_squeeze %dma_start3A_24 : memref<1x80x125xi32, #tpu.memory_space<hbm>> -> memref<80x125xi32, #tpu.memory_space<hbm>>
      %dma_start3A_26 = arith.constant 0 : i32
      %dma_start3A_27 = arith.constant 0 : i32
      %dma_start3A_28 = tpu.memref_slice %arg2[%add3A, %dma_start3A_26, %dma_start3A_27] : memref<32x80x125xi32, #tpu.memory_space<hbm>> -> memref<1x80x125xi32, #tpu.memory_space<hbm>>
      %dma_start3A_29 = tpu.memref_squeeze %dma_start3A_28 : memref<1x80x125xi32, #tpu.memory_space<hbm>> -> memref<80x125xi32, #tpu.memory_space<hbm>>
      tpu.enqueue_dma source(%dma_start3A_29 : memref<80x125xi32, #tpu.memory_space<hbm>>) target(%arg8 : memref<80x125xi32, #tpu.memory_space<vmem>>) target_semaphore(%run_scoped3A : memref<!tpu.dma_semaphore, #tpu.memory_space<semaphore_mem>>)
      %dma_wait3A = arith.constant 0 : i32
      %dma_wait3A_30 = arith.constant 0 : i32
      %dma_wait3A_31 = tpu.memref_slice %arg2[%add3A, %dma_wait3A, %dma_wait3A_30] : memref<32x80x125xi32, #tpu.memory_space<hbm>> -> memref<1x80x125xi32, #tpu.memory_space<hbm>>
      %dma_wait3A_32 = tpu.memref_squeeze %dma_wait3A_31 : memref<1x80x125xi32, #tpu.memory_space<hbm>> -> memref<80x125xi32, #tpu.memory_space<hbm>>
      %dma_wait3A_33 = arith.constant 0 : i32
      %dma_wait3A_34 = arith.constant 0 : i32
      %dma_wait3A_35 = tpu.memref_slice %arg2[%add3A, %dma_wait3A_33, %dma_wait3A_34] : memref<32x80x125xi32, #tpu.memory_space<hbm>> -> memref<1x80x125xi32, #tpu.memory_space<hbm>>
      %dma_wait3A_36 = tpu.memref_squeeze %dma_wait3A_35 : memref<1x80x125xi32, #tpu.memory_space<hbm>> -> memref<80x125xi32, #tpu.memory_space<hbm>>
      tpu.wait_dma2 semaphore(%run_scoped3A : memref<!tpu.dma_semaphore, #tpu.memory_space<semaphore_mem>>) src(%dma_wait3A_36 : memref<80x125xi32, #tpu.memory_space<hbm>>) dst(%arg8 : memref<80x125xi32, #tpu.memory_space<vmem>>)
      tpu.yield
    }) : () -> ()
    %barrier3A = arith.constant 0 : index
    tpu.barrier barrier_id(%barrier3A)
    %scan3A = arith.constant 0 : i32
    %scan3A_7 = arith.constant 0 : i32
    %scan3A_8 = arith.constant 80 : i32
    %scan3A_9 = arith.addi %scan3A_7, %scan3A_8 : i32
    %scan3A_10 = arith.constant 1 : i32
    scf.for %scan3A_23 = %scan3A_7 to %scan3A_9 step %scan3A_10  : i32 {
      "tpu.region"() ({
        %run_scoped3A = tpu.sem_alloc : memref<!tpu.dma_semaphore, #tpu.memory_space<semaphore_mem>>
        %dma_start3A = arith.constant 0 : i32
        %dma_start3A_24 = tpu.memref_slice %arg8[%scan3A_23, %dma_start3A] : memref<80x125xi32, #tpu.memory_space<vmem>> -> memref<1x125xi32, #tpu.memory_space<vmem>>
        %dma_start3A_25 = tpu.memref_squeeze %dma_start3A_24 : memref<1x125xi32, #tpu.memory_space<vmem>> -> memref<125xi32, #tpu.memory_space<vmem>>
        %dma_start3A_26 = arith.constant 0 : i32
        %dma_start3A_27 = arith.constant 0 : i32
        %dma_start3A_28 = tpu.memref_slice %arg6[%dma_start3A_26, %dma_start3A_27] : memref<10000x128xf32, #tpu.memory_space<vmem_shared>> -> memref<10000x128xf32, #tpu.memory_space<vmem_shared>>
        tpu.enqueue_indirect_dma source(%arg7 : memref<125x128xf32, #tpu.memory_space<vmem>>) target(%dma_start3A_28 : memref<10000x128xf32, #tpu.memory_space<vmem_shared>>) offsets(%dma_start3A_25 : memref<125xi32, #tpu.memory_space<vmem>>) semaphore(%run_scoped3A : memref<!tpu.dma_semaphore, #tpu.memory_space<semaphore_mem>>) {add = true}
        %dma_wait3A = arith.constant 0 : i32
        %dma_wait3A_29 = tpu.memref_slice %arg8[%scan3A_23, %dma_wait3A] : memref<80x125xi32, #tpu.memory_space<vmem>> -> memref<1x125xi32, #tpu.memory_space<vmem>>
        %dma_wait3A_30 = tpu.memref_squeeze %dma_wait3A_29 : memref<1x125xi32, #tpu.memory_space<vmem>> -> memref<125xi32, #tpu.memory_space<vmem>>
        %dma_wait3A_31 = arith.constant 0 : i32
        %dma_wait3A_32 = arith.constant 0 : i32
        %dma_wait3A_33 = tpu.memref_slice %arg6[%dma_wait3A_31, %dma_wait3A_32] : memref<10000x128xf32, #tpu.memory_space<vmem_shared>> -> memref<10000x128xf32, #tpu.memory_space<vmem_shared>>
        tpu.wait_indirect_dma semaphore(%run_scoped3A : memref<!tpu.dma_semaphore, #tpu.memory_space<semaphore_mem>>) src(%arg7 : memref<125x128xf32, #tpu.memory_space<vmem>>) dst(%dma_wait3A_33 : memref<10000x128xf32, #tpu.memory_space<vmem_shared>>)
        tpu.yield
      }) : () -> ()
    }
    %scan3A_11 = arith.constant 80 : i32
    %barrier3A_12 = arith.constant 0 : index
    tpu.barrier barrier_id(%barrier3A_12)
    %lt3A_13 = arith.constant 15 : i32
    %lt3A_14 = arith.cmpi slt, %arg1, %lt3A_13 : i32
    %convert_element_type3A_15 = arith.extui %lt3A_14 : i1 to i32
    %cond3A_16 = arith.constant 0 : i32
    %cond3A_17 = arith.cmpi ne, %convert_element_type3A_15, %cond3A_16 : i32
    scf.if %cond3A_17 {
      %mul3A_23 = arith.constant 624 : i32
      %mul3A_24 = arith.muli %arg1, %mul3A_23 : i32
      %multiple_of3A = tpu.assume_multiple %mul3A_24, 8 : i32
      "tpu.region"() ({
        %run_scoped3A = tpu.sem_alloc : memref<!tpu.dma_semaphore, #tpu.memory_space<semaphore_mem>>
        %dma_start3A = arith.constant 0 : i32
        %dma_start3A_25 = tpu.memref_slice %arg5[%arg0, %multiple_of3A, %dma_start3A] : memref<2x10000x128xf32, #tpu.memory_space<hbm>> -> memref<1x624x128xf32, #tpu.memory_space<hbm>>
        %dma_start3A_26 = tpu.memref_squeeze %dma_start3A_25 : memref<1x624x128xf32, #tpu.memory_space<hbm>> -> memref<624x128xf32, #tpu.memory_space<hbm>>
        %dma_start3A_27 = arith.constant 0 : i32
        %dma_start3A_28 = tpu.memref_slice %arg6[%multiple_of3A, %dma_start3A_27] : memref<10000x128xf32, #tpu.memory_space<vmem_shared>> -> memref<624x128xf32, #tpu.memory_space<vmem_shared>>
        tpu.enqueue_dma source(%dma_start3A_28 : memref<624x128xf32, #tpu.memory_space<vmem_shared>>) target(%dma_start3A_26 : memref<624x128xf32, #tpu.memory_space<hbm>>) target_semaphore(%run_scoped3A : memref<!tpu.dma_semaphore, #tpu.memory_space<semaphore_mem>>)
        %dma_wait3A = arith.constant 0 : i32
        %dma_wait3A_29 = tpu.memref_slice %arg5[%arg0, %multiple_of3A, %dma_wait3A] : memref<2x10000x128xf32, #tpu.memory_space<hbm>> -> memref<1x624x128xf32, #tpu.memory_space<hbm>>
        %dma_wait3A_30 = tpu.memref_squeeze %dma_wait3A_29 : memref<1x624x128xf32, #tpu.memory_space<hbm>> -> memref<624x128xf32, #tpu.memory_space<hbm>>
        %dma_wait3A_31 = arith.constant 0 : i32
        %dma_wait3A_32 = tpu.memref_slice %arg6[%multiple_of3A, %dma_wait3A_31] : memref<10000x128xf32, #tpu.memory_space<vmem_shared>> -> memref<624x128xf32, #tpu.memory_space<vmem_shared>>
        tpu.wait_dma2 semaphore(%run_scoped3A : memref<!tpu.dma_semaphore, #tpu.memory_space<semaphore_mem>>) src(%dma_wait3A_32 : memref<624x128xf32, #tpu.memory_space<vmem_shared>>) dst(%dma_wait3A_30 : memref<624x128xf32, #tpu.memory_space<hbm>>)
        tpu.yield
      }) : () -> ()
    } else {
    }
    %eq3A_18 = arith.constant 15 : i32
    %eq3A_19 = arith.cmpi eq, %arg1, %eq3A_18 : i32
    %convert_element_type3A_20 = arith.extui %eq3A_19 : i1 to i32
    %cond3A_21 = arith.constant 0 : i32
    %cond3A_22 = arith.cmpi ne, %convert_element_type3A_20, %cond3A_21 : i32
    scf.if %cond3A_22 {
      "tpu.region"() ({
        %run_scoped3A = tpu.sem_alloc : memref<!tpu.dma_semaphore, #tpu.memory_space<semaphore_mem>>
        %dma_start3A = arith.constant 9360 : i32
        %dma_start3A_23 = arith.constant 0 : i32
        %dma_start3A_24 = tpu.memref_slice %arg5[%arg0, %dma_start3A, %dma_start3A_23] : memref<2x10000x128xf32, #tpu.memory_space<hbm>> -> memref<1x640x128xf32, #tpu.memory_space<hbm>>
        %dma_start3A_25 = tpu.memref_squeeze %dma_start3A_24 : memref<1x640x128xf32, #tpu.memory_space<hbm>> -> memref<640x128xf32, #tpu.memory_space<hbm>>
        %dma_start3A_26 = arith.constant 9360 : i32
        %dma_start3A_27 = arith.constant 0 : i32
        %dma_start3A_28 = tpu.memref_slice %arg6[%dma_start3A_26, %dma_start3A_27] : memref<10000x128xf32, #tpu.memory_space<vmem_shared>> -> memref<640x128xf32, #tpu.memory_space<vmem_shared>>
        tpu.enqueue_dma source(%dma_start3A_28 : memref<640x128xf32, #tpu.memory_space<vmem_shared>>) target(%dma_start3A_25 : memref<640x128xf32, #tpu.memory_space<hbm>>) target_semaphore(%run_scoped3A : memref<!tpu.dma_semaphore, #tpu.memory_space<semaphore_mem>>)
        %dma_wait3A = arith.constant 9360 : i32
        %dma_wait3A_29 = arith.constant 0 : i32
        %dma_wait3A_30 = tpu.memref_slice %arg5[%arg0, %dma_wait3A, %dma_wait3A_29] : memref<2x10000x128xf32, #tpu.memory_space<hbm>> -> memref<1x640x128xf32, #tpu.memory_space<hbm>>
        %dma_wait3A_31 = tpu.memref_squeeze %dma_wait3A_30 : memref<1x640x128xf32, #tpu.memory_space<hbm>> -> memref<640x128xf32, #tpu.memory_space<hbm>>
        %dma_wait3A_32 = arith.constant 9360 : i32
        %dma_wait3A_33 = arith.constant 0 : i32
        %dma_wait3A_34 = tpu.memref_slice %arg6[%dma_wait3A_32, %dma_wait3A_33] : memref<10000x128xf32, #tpu.memory_space<vmem_shared>> -> memref<640x128xf32, #tpu.memory_space<vmem_shared>>
        tpu.wait_dma2 semaphore(%run_scoped3A : memref<!tpu.dma_semaphore, #tpu.memory_space<semaphore_mem>>) src(%dma_wait3A_34 : memref<640x128xf32, #tpu.memory_space<vmem_shared>>) dst(%dma_wait3A_31 : memref<640x128xf32, #tpu.memory_space<hbm>>)
        tpu.yield
      }) : () -> ()
    } else {
    }
    return
  }
}

module attributes {stable_mosaic.version = 14 : i64} {
  func.func @_tc_scale_body(%arg0: i32, %arg1: memref<2x1000x128xf32, #tpu.memory_space<vmem>>, %arg2: memref<1000x128xf32, #tpu.memory_space<vmem>>, %arg3: memref<1000x128xf32, #tpu.memory_space<vmem>>, %arg4: memref<1000x1xf32, #tpu.memory_space<vmem>>) attributes {dimension_semantics = [#tpu.dimension_semantics<arbitrary>], iteration_bounds = array<i64: 10>, scalar_prefetch = 0 : i64, scratch_operands = 0 : i64, tpu.core_type = #tpu.core_type<tc>, window_params = [{transform_indices = @transform_0, window_bounds = array<i64: 2, 1000, 128>}, {transform_indices = @transform_1, window_bounds = array<i64: 1000, 128>}, {transform_indices = @transform_2, window_bounds = array<i64: 1000, 128>}, {transform_indices = @transform_3, window_bounds = array<i64: 1000, 1>}]} {
    %get3A = arith.constant 0 : index
    %get3A_0 = arith.constant 0 : index
    %get3A_1 = arith.constant 0 : index
    %get3A_2 = vector.load %arg1[%get3A, %get3A_0, %get3A_1] : memref<2x1000x128xf32, #tpu.memory_space<vmem>>, vector<2x1000x128xf32>
    %reduce_sum3A = arith.constant dense<0.000000e+00> : vector<1000xf32>
    %reduce_sum3A_3 = vector.multi_reduction <add>, %get3A_2, %reduce_sum3A [0, 2] : vector<2x1000x128xf32> to vector<1000xf32>
    %mul3A = arith.constant 7.812500e-03 : f32
    %mul3A_4 = vector.broadcast %mul3A : f32 to vector<1000xf32>
    %mul3A_5 = arith.mulf %reduce_sum3A_3, %mul3A_4 : vector<1000xf32>
    %add3A = arith.constant 1.000000e+00 : f32
    %add3A_6 = vector.broadcast %add3A : f32 to vector<1000xf32>
    %add3A_7 = arith.addf %add3A_6, %mul3A_5 : vector<1000xf32>
    %rsqrt3A = math.rsqrt %add3A_7 : vector<1000xf32>
    %broadcast_in_dim3A = vector.shape_cast %rsqrt3A : vector<1000xf32> to vector<1000x1xf32>
    %get3A_8 = arith.constant 0 : index
    %get3A_9 = arith.constant 0 : index
    %get3A_10 = vector.load %arg2[%get3A_8, %get3A_9] : memref<1000x128xf32, #tpu.memory_space<vmem>>, vector<1000x128xf32>
    %mul3A_11 = vector.broadcast %broadcast_in_dim3A : vector<1000x1xf32> to vector<1000x128xf32>
    %mul3A_12 = arith.mulf %get3A_10, %mul3A_11 : vector<1000x128xf32>
    %swap3A = arith.constant 0 : index
    %swap3A_13 = arith.constant 0 : index
    %swap3A_14 = vector.load %arg3[%swap3A, %swap3A_13] : memref<1000x128xf32, #tpu.memory_space<vmem>>, vector<1000x128xf32>
    tpu.vector_store %arg3[%swap3A, %swap3A_13], %mul3A_12 {strides = array<i32>} : memref<1000x128xf32, #tpu.memory_space<vmem>>, vector<1000x128xf32>,
    %swap3A_15 = arith.constant 0 : index
    %swap3A_16 = arith.constant 0 : index
    %swap3A_17 = vector.load %arg4[%swap3A_15, %swap3A_16] : memref<1000x1xf32, #tpu.memory_space<vmem>>, vector<1000x1xf32>
    tpu.vector_store %arg4[%swap3A_15, %swap3A_16], %broadcast_in_dim3A {strides = array<i32>} : memref<1000x1xf32, #tpu.memory_space<vmem>>, vector<1000x1xf32>,
    return
  }
  func.func @transform_0(%arg0: i32) -> (i32, i32, i32) {
    %c0_i32 = arith.constant 0 : i32
    %c0_i32_0 = arith.constant 0 : i32
    %c0_i32_1 = arith.constant 0 : i32
    return %c0_i32, %arg0, %c0_i32_0 : i32, i32, i32
  }
  func.func @transform_1(%arg0: i32) -> (i32, i32) {
    %c0_i32 = arith.constant 0 : i32
    %c0_i32_0 = arith.constant 0 : i32
    return %arg0, %c0_i32 : i32, i32
  }
  func.func @transform_2(%arg0: i32) -> (i32, i32) {
    %c0_i32 = arith.constant 0 : i32
    %c0_i32_0 = arith.constant 0 : i32
    return %arg0, %c0_i32 : i32, i32
  }
  func.func @transform_3(%arg0: i32) -> (i32, i32) {
    %c0_i32 = arith.constant 0 : i32
    %c0_i32_0 = arith.constant 0 : i32
    return %arg0, %c0_i32 : i32, i32
  }
}

module attributes {stable_mosaic.version = 14 : i64} {
  func.func @_tc_l1_body(%arg0: i32, %arg1: memref<1000x1xf32, #tpu.memory_space<vmem>>, %arg2: memref<2x1000x128xf32, #tpu.memory_space<vmem>>, %arg3: memref<128x256xf32, #tpu.memory_space<vmem>>, %arg4: memref<1000x256xf32, #tpu.memory_space<vmem>>, %arg5: memref<2x256xf32, #tpu.memory_space<vmem>>) attributes {dimension_semantics = [#tpu.dimension_semantics<arbitrary>], iteration_bounds = array<i64: 10>, scalar_prefetch = 0 : i64, scratch_operands = 0 : i64, tpu.core_type = #tpu.core_type<tc>, window_params = [{transform_indices = @transform_0, window_bounds = array<i64: 1000, 1>}, {transform_indices = @transform_1, window_bounds = array<i64: 2, 1000, 128>}, {pipeline_mode = #tpu.pipeline_mode<synchronous>, transform_indices = @transform_2, window_bounds = array<i64: 128, 256>}, {transform_indices = @transform_3, window_bounds = array<i64: 1000, 256>}, {pipeline_mode = #tpu.pipeline_mode<synchronous>, transform_indices = @transform_4, window_bounds = array<i64: 2, 256>}]} {
    %get3A = arith.constant 0 : index
    %get3A_0 = arith.constant 0 : index
    %get3A_1 = vector.load %arg1[%get3A, %get3A_0] : memref<1000x1xf32, #tpu.memory_space<vmem>>, vector<1000x1xf32>
    %get3A_2 = arith.constant 0 : index
    %get3A_3 = arith.constant 0 : index
    %get3A_4 = arith.constant 0 : index
    %get3A_5 = vector.load %arg2[%get3A_2, %get3A_3, %get3A_4] : memref<2x1000x128xf32, #tpu.memory_space<vmem>>, vector<2x1000x128xf32>
    %slice3A = vector.extract_strided_slice %get3A_5 {offsets = [0, 0, 0], sizes = [1, 1000, 128], strides = [1, 1, 1]} : vector<2x1000x128xf32> to vector<1x1000x128xf32>
    %squeeze3A = vector.shape_cast %slice3A : vector<1x1000x128xf32> to vector<1000x128xf32>
    %slice3A_6 = vector.extract_strided_slice %get3A_5 {offsets = [1, 0, 0], sizes = [1, 1000, 128], strides = [1, 1, 1]} : vector<2x1000x128xf32> to vector<1x1000x128xf32>
    %squeeze3A_7 = vector.shape_cast %slice3A_6 : vector<1x1000x128xf32> to vector<1000x128xf32>
    %add3A = arith.addf %squeeze3A, %squeeze3A_7 : vector<1000x128xf32>
    %mul3A = vector.broadcast %get3A_1 : vector<1000x1xf32> to vector<1000x128xf32>
    %mul3A_8 = arith.mulf %add3A, %mul3A : vector<1000x128xf32>
    %get3A_9 = arith.constant 0 : index
    %get3A_10 = arith.constant 0 : index
    %get3A_11 = vector.load %arg3[%get3A_9, %get3A_10] : memref<128x256xf32, #tpu.memory_space<vmem>>, vector<128x256xf32>
    %dot_general3A = arith.constant dense<0.000000e+00> : vector<1000x256xf32>
    %dot_general3A_12 = tpu.matmul %mul3A_8, %get3A_11, %dot_general3A {dimension_numbers = #tpu.dot_dimension_numbers<[1], [0], [0], [1], [0, 0, 1, 1], [], []>, transpose_lhs_hint = false} : vector<1000x128xf32>, vector<128x256xf32>, vector<1000x256xf32> -> vector<1000x256xf32>
    %swap3A = arith.constant 0 : index
    %swap3A_13 = arith.constant 0 : index
    %swap3A_14 = vector.load %arg4[%swap3A, %swap3A_13] : memref<1000x256xf32, #tpu.memory_space<vmem>>, vector<1000x256xf32>
    tpu.vector_store %arg4[%swap3A, %swap3A_13], %dot_general3A_12 {strides = array<i32>} : memref<1000x256xf32, #tpu.memory_space<vmem>>, vector<1000x256xf32>,
    %reduce_sum3A = arith.constant dense<0.000000e+00> : vector<256xf32>
    %reduce_sum3A_15 = vector.multi_reduction <add>, %dot_general3A_12, %reduce_sum3A [0] : vector<1000x256xf32> to vector<256xf32>
    %broadcast_in_dim3A = vector.shape_cast %reduce_sum3A_15 : vector<256xf32> to vector<1x256xf32>
    %mul3A_16 = arith.mulf %dot_general3A_12, %dot_general3A_12 : vector<1000x256xf32>
    %reduce_sum3A_17 = arith.constant dense<0.000000e+00> : vector<256xf32>
    %reduce_sum3A_18 = vector.multi_reduction <add>, %mul3A_16, %reduce_sum3A_17 [0] : vector<1000x256xf32> to vector<256xf32>
    %broadcast_in_dim3A_19 = vector.shape_cast %reduce_sum3A_18 : vector<256xf32> to vector<1x256xf32>
    %concatenate3A = tpu.concatenate %broadcast_in_dim3A, %broadcast_in_dim3A_19 in 0 : vector<1x256xf32>, vector<1x256xf32> -> vector<2x256xf32>
    %eq3A = arith.constant 0 : i32
    %eq3A_20 = arith.cmpi eq, %arg0, %eq3A : i32
    %convert_element_type3A = arith.extui %eq3A_20 : i1 to i32
    %cond3A = arith.constant 0 : i32
    %cond3A_21 = arith.cmpi ne, %convert_element_type3A, %cond3A : i32
    scf.if %cond3A_21 {
      %swap3A_26 = arith.constant 0 : index
      %swap3A_27 = arith.constant 0 : index
      %swap3A_28 = vector.load %arg5[%swap3A_26, %swap3A_27] : memref<2x256xf32, #tpu.memory_space<vmem>>, vector<2x256xf32>
      tpu.vector_store %arg5[%swap3A_26, %swap3A_27], %concatenate3A {strides = array<i32>} : memref<2x256xf32, #tpu.memory_space<vmem>>, vector<2x256xf32>,
    } else {
    }
    %ne3A = arith.constant 0 : i32
    %ne3A_22 = arith.cmpi ne, %arg0, %ne3A : i32
    %convert_element_type3A_23 = arith.extui %ne3A_22 : i1 to i32
    %cond3A_24 = arith.constant 0 : i32
    %cond3A_25 = arith.cmpi ne, %convert_element_type3A_23, %cond3A_24 : i32
    scf.if %cond3A_25 {
      %get3A_26 = arith.constant 0 : index
      %get3A_27 = arith.constant 0 : index
      %get3A_28 = vector.load %arg5[%get3A_26, %get3A_27] : memref<2x256xf32, #tpu.memory_space<vmem>>, vector<2x256xf32>
      %add3A_29 = arith.addf %get3A_28, %concatenate3A : vector<2x256xf32>
      %swap3A_30 = arith.constant 0 : index
      %swap3A_31 = arith.constant 0 : index
      %swap3A_32 = vector.load %arg5[%swap3A_30, %swap3A_31] : memref<2x256xf32, #tpu.memory_space<vmem>>, vector<2x256xf32>
      tpu.vector_store %arg5[%swap3A_30, %swap3A_31], %add3A_29 {strides = array<i32>} : memref<2x256xf32, #tpu.memory_space<vmem>>, vector<2x256xf32>,
    } else {
    }
    return
  }
  func.func @transform_0(%arg0: i32) -> (i32, i32) {
    %c0_i32 = arith.constant 0 : i32
    %c0_i32_0 = arith.constant 0 : i32
    return %arg0, %c0_i32 : i32, i32
  }
  func.func @transform_1(%arg0: i32) -> (i32, i32, i32) {
    %c0_i32 = arith.constant 0 : i32
    %c0_i32_0 = arith.constant 0 : i32
    %c0_i32_1 = arith.constant 0 : i32
    return %c0_i32, %arg0, %c0_i32_0 : i32, i32, i32
  }
  func.func @transform_2(%arg0: i32) -> (i32, i32) {
    %c0_i32 = arith.constant 0 : i32
    %c0_i32_0 = arith.constant 0 : i32
    %c0_i32_1 = arith.constant 0 : i32
    return %c0_i32, %c0_i32_0 : i32, i32
  }
  func.func @transform_3(%arg0: i32) -> (i32, i32) {
    %c0_i32 = arith.constant 0 : i32
    %c0_i32_0 = arith.constant 0 : i32
    return %arg0, %c0_i32 : i32, i32
  }
  func.func @transform_4(%arg0: i32) -> (i32, i32) {
    %c0_i32 = arith.constant 0 : i32
    %c0_i32_0 = arith.constant 0 : i32
    %c0_i32_1 = arith.constant 0 : i32
    return %c0_i32, %c0_i32_0 : i32, i32
  }
}

module attributes {stable_mosaic.version = 14 : i64} {
  func.func @_tc_l2_body(%arg0: i32, %arg1: memref<1000x1xf32, #tpu.memory_space<vmem>>, %arg2: memref<1000x256xf32, #tpu.memory_space<vmem>>, %arg3: memref<2x256xf32, #tpu.memory_space<vmem>>, %arg4: memref<1x256xf32, #tpu.memory_space<vmem>>, %arg5: memref<1x256xf32, #tpu.memory_space<vmem>>, %arg6: memref<256x128xf32, #tpu.memory_space<vmem>>, %arg7: memref<1000x128xf32, #tpu.memory_space<vmem>>) attributes {dimension_semantics = [#tpu.dimension_semantics<arbitrary>], iteration_bounds = array<i64: 10>, scalar_prefetch = 0 : i64, scratch_operands = 0 : i64, tpu.core_type = #tpu.core_type<tc>, window_params = [{transform_indices = @transform_0, window_bounds = array<i64: 1000, 1>}, {transform_indices = @transform_1, window_bounds = array<i64: 1000, 256>}, {pipeline_mode = #tpu.pipeline_mode<synchronous>, transform_indices = @transform_2, window_bounds = array<i64: 2, 256>}, {pipeline_mode = #tpu.pipeline_mode<synchronous>, transform_indices = @transform_3, window_bounds = array<i64: 1, 256>}, {pipeline_mode = #tpu.pipeline_mode<synchronous>, transform_indices = @transform_4, window_bounds = array<i64: 1, 256>}, {pipeline_mode = #tpu.pipeline_mode<synchronous>, transform_indices = @transform_5, window_bounds = array<i64: 256, 128>}, {transform_indices = @transform_6, window_bounds = array<i64: 1000, 128>}]} {
    %get3A = arith.constant 0 : index
    %get3A_0 = arith.constant 0 : index
    %get3A_1 = vector.load %arg1[%get3A, %get3A_0] : memref<1000x1xf32, #tpu.memory_space<vmem>>, vector<1000x1xf32>
    %get3A_2 = arith.constant 0 : index
    %get3A_3 = arith.constant 0 : index
    %get3A_4 = vector.load %arg3[%get3A_2, %get3A_3] : memref<2x256xf32, #tpu.memory_space<vmem>>, vector<2x256xf32>
    %slice3A = vector.extract_strided_slice %get3A_4 {offsets = [0, 0], sizes = [1, 256], strides = [1, 1]} : vector<2x256xf32> to vector<1x256xf32>
    %mul3A = arith.constant 9.99999974E-5 : f32
    %mul3A_5 = vector.broadcast %mul3A : f32 to vector<1x256xf32>
    %mul3A_6 = arith.mulf %slice3A, %mul3A_5 : vector<1x256xf32>
    %slice3A_7 = vector.extract_strided_slice %get3A_4 {offsets = [1, 0], sizes = [1, 256], strides = [1, 1]} : vector<2x256xf32> to vector<1x256xf32>
    %mul3A_8 = arith.constant 9.99999974E-5 : f32
    %mul3A_9 = vector.broadcast %mul3A_8 : f32 to vector<1x256xf32>
    %mul3A_10 = arith.mulf %slice3A_7, %mul3A_9 : vector<1x256xf32>
    %mul3A_11 = arith.mulf %mul3A_6, %mul3A_6 : vector<1x256xf32>
    %sub3A = arith.subf %mul3A_10, %mul3A_11 : vector<1x256xf32>
    %get3A_12 = arith.constant 0 : index
    %get3A_13 = arith.constant 0 : index
    %get3A_14 = vector.load %arg4[%get3A_12, %get3A_13] : memref<1x256xf32, #tpu.memory_space<vmem>>, vector<1x256xf32>
    %add3A = arith.constant 9.99999974E-6 : f32
    %add3A_15 = vector.broadcast %add3A : f32 to vector<1x256xf32>
    %add3A_16 = arith.addf %sub3A, %add3A_15 : vector<1x256xf32>
    %rsqrt3A = math.rsqrt %add3A_16 : vector<1x256xf32>
    %mul3A_17 = arith.mulf %get3A_14, %rsqrt3A : vector<1x256xf32>
    %get3A_18 = arith.constant 0 : index
    %get3A_19 = arith.constant 0 : index
    %get3A_20 = vector.load %arg2[%get3A_18, %get3A_19] : memref<1000x256xf32, #tpu.memory_space<vmem>>, vector<1000x256xf32>
    %sub3A_21 = vector.broadcast %mul3A_6 : vector<1x256xf32> to vector<1000x256xf32>
    %sub3A_22 = arith.subf %get3A_20, %sub3A_21 : vector<1000x256xf32>
    %mul3A_23 = vector.broadcast %mul3A_17 : vector<1x256xf32> to vector<1000x256xf32>
    %mul3A_24 = arith.mulf %sub3A_22, %mul3A_23 : vector<1000x256xf32>
    %get3A_25 = arith.constant 0 : index
    %get3A_26 = arith.constant 0 : index
    %get3A_27 = vector.load %arg5[%get3A_25, %get3A_26] : memref<1x256xf32, #tpu.memory_space<vmem>>, vector<1x256xf32>
    %add3A_28 = vector.broadcast %get3A_27 : vector<1x256xf32> to vector<1000x256xf32>
    %add3A_29 = arith.addf %mul3A_24, %add3A_28 : vector<1000x256xf32>
    %max3A = arith.constant 0.000000e+00 : f32
    %max3A_30 = vector.broadcast %max3A : f32 to vector<1000x256xf32>
    %max3A_31 = arith.maximumf %add3A_29, %max3A_30 : vector<1000x256xf32>
    %get3A_32 = arith.constant 0 : index
    %get3A_33 = arith.constant 0 : index
    %get3A_34 = vector.load %arg6[%get3A_32, %get3A_33] : memref<256x128xf32, #tpu.memory_space<vmem>>, vector<256x128xf32>
    %dot_general3A = arith.constant dense<0.000000e+00> : vector<1000x128xf32>
    %dot_general3A_35 = tpu.matmul %max3A_31, %get3A_34, %dot_general3A {dimension_numbers = #tpu.dot_dimension_numbers<[1], [0], [0], [1], [0, 0, 1, 1], [], []>, transpose_lhs_hint = false} : vector<1000x256xf32>, vector<256x128xf32>, vector<1000x128xf32> -> vector<1000x128xf32>
    %mul3A_36 = vector.broadcast %get3A_1 : vector<1000x1xf32> to vector<1000x128xf32>
    %mul3A_37 = arith.mulf %dot_general3A_35, %mul3A_36 : vector<1000x128xf32>
    %swap3A = arith.constant 0 : index
    %swap3A_38 = arith.constant 0 : index
    %swap3A_39 = vector.load %arg7[%swap3A, %swap3A_38] : memref<1000x128xf32, #tpu.memory_space<vmem>>, vector<1000x128xf32>
    tpu.vector_store %arg7[%swap3A, %swap3A_38], %mul3A_37 {strides = array<i32>} : memref<1000x128xf32, #tpu.memory_space<vmem>>, vector<1000x128xf32>,
    return
  }
  func.func @transform_0(%arg0: i32) -> (i32, i32) {
    %c0_i32 = arith.constant 0 : i32
    %c0_i32_0 = arith.constant 0 : i32
    return %arg0, %c0_i32 : i32, i32
  }
  func.func @transform_1(%arg0: i32) -> (i32, i32) {
    %c0_i32 = arith.constant 0 : i32
    %c0_i32_0 = arith.constant 0 : i32
    return %arg0, %c0_i32 : i32, i32
  }
  func.func @transform_2(%arg0: i32) -> (i32, i32) {
    %c0_i32 = arith.constant 0 : i32
    %c0_i32_0 = arith.constant 0 : i32
    %c0_i32_1 = arith.constant 0 : i32
    return %c0_i32, %c0_i32_0 : i32, i32
  }
  func.func @transform_3(%arg0: i32) -> (i32, i32) {
    %c0_i32 = arith.constant 0 : i32
    %c0_i32_0 = arith.constant 0 : i32
    %c0_i32_1 = arith.constant 0 : i32
    return %c0_i32, %c0_i32_0 : i32, i32
  }
  func.func @transform_4(%arg0: i32) -> (i32, i32) {
    %c0_i32 = arith.constant 0 : i32
    %c0_i32_0 = arith.constant 0 : i32
    %c0_i32_1 = arith.constant 0 : i32
    return %c0_i32, %c0_i32_0 : i32, i32
  }
  func.func @transform_5(%arg0: i32) -> (i32, i32) {
    %c0_i32 = arith.constant 0 : i32
    %c0_i32_0 = arith.constant 0 : i32
    %c0_i32_1 = arith.constant 0 : i32
    return %c0_i32, %c0_i32_0 : i32, i32
  }
  func.func @transform_6(%arg0: i32) -> (i32, i32) {
    %c0_i32 = arith.constant 0 : i32
    %c0_i32_0 = arith.constant 0 : i32
    return %arg0, %c0_i32 : i32, i32
  }
}

module attributes {stable_mosaic.version = 14 : i64} {
  func.func @_tc_out_body(%arg0: i32, %arg1: memref<1000x1xf32, #tpu.memory_space<vmem>>, %arg2: memref<2x1000x128xf32, #tpu.memory_space<vmem>>, %arg3: memref<1x128xf32, #tpu.memory_space<vmem>>, %arg4: memref<1000x128xf32, #tpu.memory_space<vmem>>) attributes {dimension_semantics = [#tpu.dimension_semantics<arbitrary>], iteration_bounds = array<i64: 10>, scalar_prefetch = 0 : i64, scratch_operands = 0 : i64, tpu.core_type = #tpu.core_type<tc>, window_params = [{transform_indices = @transform_0, window_bounds = array<i64: 1000, 1>}, {transform_indices = @transform_1, window_bounds = array<i64: 2, 1000, 128>}, {pipeline_mode = #tpu.pipeline_mode<synchronous>, transform_indices = @transform_2, window_bounds = array<i64: 1, 128>}, {transform_indices = @transform_3, window_bounds = array<i64: 1000, 128>}]} {
    %get3A = arith.constant 0 : index
    %get3A_0 = arith.constant 0 : index
    %get3A_1 = vector.load %arg1[%get3A, %get3A_0] : memref<1000x1xf32, #tpu.memory_space<vmem>>, vector<1000x1xf32>
    %get3A_2 = arith.constant 0 : index
    %get3A_3 = arith.constant 0 : index
    %get3A_4 = arith.constant 0 : index
    %get3A_5 = vector.load %arg2[%get3A_2, %get3A_3, %get3A_4] : memref<2x1000x128xf32, #tpu.memory_space<vmem>>, vector<2x1000x128xf32>
    %slice3A = vector.extract_strided_slice %get3A_5 {offsets = [0, 0, 0], sizes = [1, 1000, 128], strides = [1, 1, 1]} : vector<2x1000x128xf32> to vector<1x1000x128xf32>
    %squeeze3A = vector.shape_cast %slice3A : vector<1x1000x128xf32> to vector<1000x128xf32>
    %slice3A_6 = vector.extract_strided_slice %get3A_5 {offsets = [1, 0, 0], sizes = [1, 1000, 128], strides = [1, 1, 1]} : vector<2x1000x128xf32> to vector<1x1000x128xf32>
    %squeeze3A_7 = vector.shape_cast %slice3A_6 : vector<1x1000x128xf32> to vector<1000x128xf32>
    %add3A = arith.addf %squeeze3A, %squeeze3A_7 : vector<1000x128xf32>
    %mul3A = vector.broadcast %get3A_1 : vector<1000x1xf32> to vector<1000x128xf32>
    %mul3A_8 = arith.mulf %add3A, %mul3A : vector<1000x128xf32>
    %get3A_9 = arith.constant 0 : index
    %get3A_10 = arith.constant 0 : index
    %get3A_11 = vector.load %arg3[%get3A_9, %get3A_10] : memref<1x128xf32, #tpu.memory_space<vmem>>, vector<1x128xf32>
    %add3A_12 = vector.broadcast %get3A_11 : vector<1x128xf32> to vector<1000x128xf32>
    %add3A_13 = arith.addf %mul3A_8, %add3A_12 : vector<1000x128xf32>
    %swap3A = arith.constant 0 : index
    %swap3A_14 = arith.constant 0 : index
    %swap3A_15 = vector.load %arg4[%swap3A, %swap3A_14] : memref<1000x128xf32, #tpu.memory_space<vmem>>, vector<1000x128xf32>
    tpu.vector_store %arg4[%swap3A, %swap3A_14], %add3A_13 {strides = array<i32>} : memref<1000x128xf32, #tpu.memory_space<vmem>>, vector<1000x128xf32>,
    return
  }
  func.func @transform_0(%arg0: i32) -> (i32, i32) {
    %c0_i32 = arith.constant 0 : i32
    %c0_i32_0 = arith.constant 0 : i32
    return %arg0, %c0_i32 : i32, i32
  }
  func.func @transform_1(%arg0: i32) -> (i32, i32, i32) {
    %c0_i32 = arith.constant 0 : i32
    %c0_i32_0 = arith.constant 0 : i32
    %c0_i32_1 = arith.constant 0 : i32
    return %c0_i32, %arg0, %c0_i32_0 : i32, i32, i32
  }
  func.func @transform_2(%arg0: i32) -> (i32, i32) {
    %c0_i32 = arith.constant 0 : i32
    %c0_i32_0 = arith.constant 0 : i32
    %c0_i32_1 = arith.constant 0 : i32
    return %c0_i32, %c0_i32_0 : i32, i32
  }
  func.func @transform_3(%arg0: i32) -> (i32, i32) {
    %c0_i32 = arith.constant 0 : i32
    %c0_i32_0 = arith.constant 0 : i32
    return %arg0, %c0_i32 : i32, i32
  }
}

</mosaic_0001>

<sc_bundles>
// kernel: kernel.12.cloned.1.call-start
scs
__scs_entry_jumppad:
0x0: {  	(pc) =	sbr.rel $0x88, $3  }
0x1: {  	(tag) =	ssettag $0x0;
	lr =	simm.s32 $0x1  }
0x2: {  	[smem:$0x3F9A] =	sst lr;
	_ =	strace $0xD0000000  }
0x3: {  	_ = 	snop  }
0x4: {  	_ = 	snop  }
0x5: {  	_ = 	snop  }
0x6: {  	_ = 	snop  }
0x7: {  	_ = 	snop  }
__scs_overlays_trampoline_lowered:
0x8: {  	[smem:$0x3FA9] =	sst s0  }
0x9: {  	[smem:$0x3FAA] =	sst s1  }
0xa: {  	[smem:$0x3FAB] =	sst s2  }
0xb: {  	[smem:$0x3FAC] =	sst s3  }
0xc: {  	[smem:$0x3FAD] =	sst s4  }
0xd: {  	[smem:$0x3FAE] =	sst s5  }
0xe: {  	[smem:$0x3FAF] =	sst s6  }
0xf: {  	[smem:$0x3FB0] =	sst s7  }
0x10: {  	[smem:$0x3FB1] =	sst s8  }
0x11: {  	[smem:$0x3FB2] =	sst s9;
	s0 =	simm.s32 @!p0 $0x0  }
0x12: {  	s1 =	sld [smem:$0x3F98];
	s0 =	simm.s32 @p0 $0x1  }
0x13: {  	[smem:$0x3FB3] =	sst s0;
	s0 =	simm.s32 @!p1 $0x0  }
0x14: {  	s2 =	sld [smem:$0x3F97];
	s0 =	simm.s32 @p1 $0x1  }
0x15: {  	[smem:$0x3FB4] =	sst s0;
	s0 =	simm.s32 @!p2 $0x0  }
0x16: {  	s3 =	sld [smem:$0x3FDB];
	s0 =	simm.s32 @p2 $0x1  }
0x17: {  	s4 =	simm.s32 $0x1BF5;
	[smem:$0x3FB6] =	sst s0  }
0x18: {  	s0 =	sld [smem:$0x3F99];
	_ =	swait.ge [sflag:s4], $0x0  }
0x19: {  	s7 =	sld [smem:$0x3F9A]  }
0x1a: {  	s8 =	sadd.s32 $0xFFFFE003, lr  }
0x1b: {  	s9 =	sadd.s32 $0xFFFFFEF7, lr;
	s5 =	simm.s32 $0xFFFFFFFF;
	p2 =	slt.u32 s8, $0xFFFFF086  }
0x1c: {  	p1 =	slt.u32 s9, $0xF7A;
	s5 =	simm.s32 @!p2 $0x0  }
0x1d: {  	s5 =	simm.s32 @p1 $0x1;
	p0 =	seq.s32 s7, s2  }
0x1e: {  	s7 =	smul.u32 @!p0 $0xF7A, s2;
	p2 =	seq.s32 @!p0 s5, $0x0  }
0x1f: {  	s9 =	smul.u32 $0xF7A, s1;
	s8 =	simm.s32 @!p0 $0x1BF5;
	p2 =	por !p2, p0  }
0x20: {  	[sflag:s8] =	ssyncset.s32 @!p0 $0xFFFFF086;
	s6 =	sadd.s32 @!p0 s3, s7;
	s7 =	simm.s32 @!p0 $0x108  }
0x21: {  	s3 =	sadd.s32 s3, s9;
	s6 =	sadd.s32 @!p0 $0x88, s6;
	s7 =	simm.s32 @p2 $0x1082  }
0x22: {  	[simem:s7], [sflag:s8] =	dma.local @!p0 [hbm:s6], $0xF7A  }
0x23: {  	s9 =	sor.u32 $0xD0000000, s2;
	s6 =	simm.s32 $0x108;
	_ =	swait.ge @!p0 [sflag:s8], $0x0  }
0x24: {  	s3 =	sadd.s32 $0x88, s3;
	s6 =	simm.s32 @!p1 $0x1082;
	[sflag:s4] =	ssyncset.s32 $0xFFFFF086  }
0x25: {  	[simem:s6], [sflag:s4] =	dma.local [hbm:s3], $0xF7A  }
0x26: {  	[smem:$0x3F9A] =	sst s1;
	(tag) =	ssettag s2;
	_ =	strace s9  }
0x27: {  	s1 =	sld [smem:$0x3FAA]  }
0x28: {  	s2 =	sld [smem:$0x3FAB]  }
0x29: {  	s4 =	sld [smem:$0x3FAD]  }
0x2a: {  	p0 =	seq.s32 s5, $0x0;
	s5 =	sld [smem:$0x3FAE]  }
0x2b: {  	s6 =	sld [smem:$0x3FAF]  }
0x2c: {  	s7 =	sld [smem:$0x3FB0]  }
0x2d: {  	s3 =	simm.s32 $0x108;
	s8 =	sld [smem:$0x3FB1]  }
0x2e: {  	s3 =	simm.s32 @!p0 $0x1082;
	s9 =	sld [smem:$0x3FB2]  }
0x2f: {  	lr =	sadd.s32 s0, s3;
	s0 =	sld [smem:$0x3FA9]  }
0x30: {  	s3 =	sld [smem:$0x3FAC]  }
0x31: {  	[smem:$0x3FB5] =	sst s10  }
0x32: {  	s10 =	sld [smem:$0x3FB3];
	_ =	sdelay $0x3  }
0x33: {  	p0 =	seq.s32 s10, $0x1;
	s10 =	sld [smem:$0x3FB5];
	_ =	sdelay $0x3  }
0x34: {  	[smem:$0x3FB5] =	sst s10  }
0x35: {  	s10 =	sld [smem:$0x3FB4];
	_ =	sdelay $0x3  }
0x36: {  	p1 =	seq.s32 s10, $0x1;
	s10 =	sld [smem:$0x3FB5];
	_ =	sdelay $0x3  }
0x37: {  	[smem:$0x3FB5] =	sst s10  }
0x38: {  	s10 =	sld [smem:$0x3FB6]  }
0x39: {  	_ = 	snop;
	(pc) =	sbr.ind lr, $3  }
0x3a: {  	_ = 	snop  }
0x3b: {  	_ = 	snop  }
0x3c: {  	p2 =	seq.s32 s10, $0x1;
	s10 =	sld [smem:$0x3FB5]  }
0x3d: {  	_ =	shalt  }
0x3e: {  	_ =	shalt  }
0x3f: {  	_ =	shalt  }
0x40: {  	_ =	shalt  }
0x41: {  	_ =	shalt  }
0x42: {  	_ =	shalt  }
0x43: {  	_ =	shalt  }
0x44: {  	_ =	shalt  }
0x45: {  	_ =	shalt  }
0x46: {  	_ =	shalt  }
0x47: {  	_ =	shalt  }
0x48: {  	_ =	shalt  }
0x49: {  	_ =	shalt  }
0x4a: {  	_ =	shalt  }
0x4b: {  	_ =	shalt  }
0x4c: {  	_ =	shalt  }
0x4d: {  	_ =	shalt  }
0x4e: {  	_ =	shalt  }
0x4f: {  	_ =	shalt  }
0x50: {  	_ =	shalt  }
0x51: {  	_ =	shalt  }
0x52: {  	_ =	shalt  }
0x53: {  	_ =	shalt  }
0x54: {  	_ =	shalt  }
0x55: {  	_ =	shalt  }
0x56: {  	_ =	shalt  }
0x57: {  	_ =	shalt  }
0x58: {  	_ =	shalt  }
0x59: {  	_ =	shalt  }
0x5a: {  	_ =	shalt  }
0x5b: {  	_ =	shalt  }
0x5c: {  	_ =	shalt  }
0x5d: {  	_ =	shalt  }
0x5e: {  	_ =	shalt  }
0x5f: {  	_ =	shalt  }
0x60: {  	_ =	shalt  }
0x61: {  	_ =	shalt  }
0x62: {  	_ =	shalt  }
0x63: {  	_ =	shalt  }
0x64: {  	_ =	shalt  }
0x65: {  	_ =	shalt  }
0x66: {  	_ =	shalt  }
0x67: {  	_ =	shalt  }
0x68: {  	_ =	shalt  }
0x69: {  	_ =	shalt  }
0x6a: {  	_ =	shalt  }
0x6b: {  	_ =	shalt  }
0x6c: {  	_ =	shalt  }
0x6d: {  	_ =	shalt  }
0x6e: {  	_ =	shalt  }
0x6f: {  	_ =	shalt  }
0x70: {  	_ =	shalt  }
0x71: {  	_ =	shalt  }
0x72: {  	_ =	shalt  }
0x73: {  	_ =	shalt  }
0x74: {  	_ =	shalt  }
0x75: {  	_ =	shalt  }
0x76: {  	_ =	shalt  }
0x77: {  	_ =	shalt  }
0x78: {  	_ =	shalt  }
0x79: {  	_ =	shalt  }
0x7a: {  	_ =	shalt  }
0x7b: {  	_ =	shalt  }
0x7c: {  	_ =	shalt  }
0x7d: {  	_ =	shalt  }
0x7e: {  	_ =	shalt  }
0x7f: {  	_ =	shalt  }
0x80: {  	_ =	shalt  }
0x81: {  	_ =	shalt  }
0x82: {  	_ =	shalt  }
0x83: {  	_ =	shalt  }
0x84: {  	_ =	shalt  }
0x85: {  	_ =	shalt  }
0x86: {  	_ =	shalt  }
0x87: {  	_ =	shalt  }
.Lfunc_end0:
.L_simem_size_0:
called_computation.1_lowered:
.L_overlay_start_0:
0x88: {  	s2 =	sld [smem:$0x3FD9]  }
0x89: {  	s3 =	sld [smem:$0x3FFE];
	_ =	sdelay $0x1  }
0x8a: {  	s1 =	srdreg.scid  }
0x8b: {  	s0 =	sand.u32 $0x1, s1  }
0x8c: {  	s17 =	sshll.u32 s0, $0xA;
	s2 =	sadd.s32 s3, s2  }
0x8d: {  	s2 =	sadd.s32 s2, s17  }
0x8e: {  	[smem:$0x3FC1] =	sst s2  }
0x8f: {  	_ = 	snop  }
0x90: {  	s2 =	sld [smem:$0x3FD0];
	(tm) =	ssettm $0x1  }
0x91: {  	s18 =	sld [smem:$0x3FFB];
	_ =	sdelay $0x3  }
0x92: {  	_ =	strace s18  }
0x93: {  	s3 =	sld [smem:$0x3FFC];
	_ =	sdelay $0x3  }
0x94: {  	_ =	strace s3  }
0x95: {  	s3 =	sld [smem:$0x3FFD];
	_ =	sdelay $0x3  }
0x96: {  	_ =	strace s3  }
0x97: {  	_ =	strace $0x8FFFFFFF  }
0x98: {  	s19 =	sld [smem:$0x3FDB];
	_ =	sdelay $0x1  }
0x99: {  	s4 =	simm.s32 $_scs_section_size  }
0x9a: {  	s5 =	simm.s32 $_size__tile_overlayer_lowered;
	s6 =	simm.s32 $_tile_overlayer_lowered  }
0x9b: {  	s22 =	simm.s32 $0x1BFF;
	s21 =	sshll.u32 s6, $0x1;
	s3 =	sadd.s32 s4, s19  }
0x9c: {  	s7 =	simm.s32 $0x0;
	s20 =	sshll.u32 s5, $0x1;
	s5 =	sadd.s32 s21, s3  }
0x9d: {  	[timem:s7], [sflag:s22] =	dma.local [hbm:s5], s20  }
0x9e: {  	_ =	swait.ge [sflag:s22], s20  }
0x9f: {  	s4 =	ssub.s32 $0x0, s20;
	[sflag:s22] =	ssyncset.done $0x0  }
0xa0: {  	[sflag:s22] =	ssyncadd.s32 s4;
	_ =	sdelay $0x1  }
0xa1: {  	s23 =	simm.s32 $0x1B8B  }
0xa2: {  	_ =	swait.ge [sflag:s23], $0x1  }
0xa3: {  	[sflag:s23] =	ssyncset.done $0x0  }
0xa4: {  	s25 =	simm.s32 $0x1B8E;
	s24 =	sld [smem:$0x3FFE];
	[sflag:s23] =	ssyncadd.s32 $0xFFFFFFFF  }
0xa5: {  	s26 =	simm.s32 $execute0_lowered;
	[smem:$0x3FD2] =	sst s25  }
0xa6: {  	s5 =	sshll.u32 s26, $0x1;
	_ =	strace $0x80000049;
	[dreg:$0x1] =	wrdreg $0xFFFFFFFF  }
0xa7: {  	s28 =	simm.s32 $_size_execute0_lowered;
	s3 =	sadd.s32 s3, s5;
	[dreg:$0x0] =	wrdreg $0x0  }
0xa8: {  	s5 =	sshll.u32 s28, $0x1;
	[dreg:$0x2] =	wrdreg s3  }
0xa9: {  	[dreg:$0x3] =	wrdreg s5  }
0xaa: {  	[dreg:$0x4] =	wrdreg $0xC0  }
0xab: {  	_ =	task [dreg:s7], $0x5FFFF  }
0xac: {  	[dreg:$0x1] =	wrdreg $0xFFFFFFFF  }
0xad: {  	[dreg:$0x0] =	wrdreg $0x60  }
0xae: {  	[dreg:$0x2] =	wrdreg s24  }
0xaf: {  	[dreg:$0x3] =	wrdreg s2  }
0xb0: {  	[dreg:$0x4] =	wrdreg $0x0  }
0xb1: {  	[dreg:$0x5] =	wrdreg $0x9  }
0xb2: {  	_ =	task.clear_ibuf [dreg:s7], $0x6FFFF;
	_ =	strace $0x90000049  }
0xb3: {  	s29 =	simm.s32 $0x9;
	_ =	strace $0x8000004B  }
0xb4: {  	_ =	swait.ge [sflag:s29], $0x1  }
0xb5: {  	[sflag:s29] =	ssyncadd.s32 $0xFFFFFFFF  }
0xb6: {  	_ =	strace $0x9000004B  }
0xb7: {  	_ =	sfence  }
0xb8: {  	s30 =	sld [smem:$0x0];
	_ =	sdelay $0x2  }
0xb9: {  	s31 =	sshll.u32 s1, $0xD;
	s1 =	sshrl.u32 s1, $0x2  }
0xba: {  	s3 =	sand.u32 $0x4000, s31;
	s1 =	sadd.s32 s1, s30  }
0xbb: {  	s0 =	sor.u32 s3, s0;
	s1 =	sshll.u32 s1, $0x11  }
0xbc: {  	s0 =	sor.u32 s1, s0  }
0xbd: {  	s0 =	sadd.s32 $0x8F2B, s0  }
0xbe: {  	[sflag:s0] =	ssyncadd.remote.s32 $0x1  }
0xbf: {  	_ =	sfence.sel $0xFFFF  }
0xc0: {  	[dreg:$0x0] =	wrdreg $0xFFFFFFFF;
	(pc) =	sbr.abs _section_cstart, $3  }
0xc1: {  	[dreg:$0x1] =	wrdreg $0xFFFFFFFF  }
0xc2: {  	_ =	task.clear_ibuf [dreg:s7], $0x2FFFF;
	_ =	strace $0x9FFFFFFF  }
0xc3: {  	(tm) =	ssettm $0x7FFFFFFF  }
tec
execute0_lowered:
.L_overlay_start_1:
0x0: {  	(tag) =	ssettag $0x1  }
0x1: {  	s0 =	rddreg [dreg:$0x0]  }
0x2: {  	s2 =	rddreg [dreg:$0x1]  }
0x3: {  	s1 =	rddreg [dreg:$0x2];
	s3 =	simm.s32 $0x0;
	s5 =	srdreg.scid  }
0x4: {  	s20 =	simm.s32 $0x13880;
	s28 =	simm.s32 $0x1;
	s29 =	simm.s32 $0x2  }
0x5: {  	s30 =	simm.s32 $0x15F80;
	s31 =	simm.s32 $0x16000;
	[smem:$0x7FF] =	sst s3  }
0x6: {  	s4 =	sadd.s32 $0xC000, s0;
	s6 =	sadd.s32 $0x5AA00, s0;
	s3 =	stileid.u32  }
0x7: {  	s14 =	sadd.s32 $0x2000, s0;
	s15 =	sand.u32 $0x1, s5;
	s7 =	smul.u32 $0x4E000, s3  }
0x8: {  	s16 =	sadd.s32 $0x64A00, s0;
	_ =	strace $0x8000004A;
	s10 =	smul.u32 $0x2700, s3  }
0x9: {  	s5 =	ssub.s32 $0x2, s15;
	s9 =	sshll.u32 s15, $0x4;
	s25 =	smul.u32 $0x138800, s15  }
0xa: {  	s19 =	smul.u32 $0x13800, s3;
	p3 =	sne.s32 s15, $0x0;
	s8 =	sshrl.u32 s5, $0x1  }
0xb: {  	s21 =	sor.u32 s3, s9;
	p1 =	seq.s32 @p3 s3, $0xF;
	p4 =	seq.s32 @!p3 s3, $0xF  }
0xc: {  	s17 =	ssub.s32 s5, s8;
	s22 =	sshrl.u32 s7, $0x2;
	s23 =	sadd.s32 s2, s10  }
0xd: {  	s11 =	smul.u32 $0x2800, s21;
	s7 =	sadd.s32 $0x124800, s1;
	s2 =	sadd.s32 $0x24900, s2  }
0xe: {  	s9 =	sadd.s32 s4, s10;
	s10 =	sadd.s32 $0x30900, s0;
	s26 =	sadd.s32 s19, s25  }
0xf: {  	p0 =	por p1, !p3;
	p1 =	por !p1, !p3;
	p2 =	por !p4, p3  }
0x10: {  	p3 =	por p4, p3;
	s21 =	simm.s32 $0x3;
	[dreg:$0x4] =	wrdreg s23  }
0x11: {  	p4 =	seq.s32 s3, $0xF;
	s5 =	sadd.s32 s22, s1;
	[dreg:$0x5] =	wrdreg s2  }
0x12: {  	s2 =	sshrl.u32 s25, $0x3;
	s0 =	sshrl.u32 s26, $0x3;
	s17 =	smax.u32 s17, $0x1  }
0x13: {  	s22 =	simm.s32 $0x14C80;
	s23 =	simm.s32 $0x7D;
	s25 =	simm.s32 $0x13900  }
0x14: {  	s26 =	simm.s32 $0x1A080;
	s24 =	sshrl.u32 s11, $0x3;
	s2 =	sadd.s32 s16, s2  }
0x15: {  	s15 =	sadd.s32 s16, s0;
	s0 =	sshll.u32 @!p0 s3, $0x6;
	s11 =	sadd.s32 s6, s24  }
0x16: {  	s18 =	sadd.s32 $0x280, s24;
	s12 =	sadd.s32 s14, s24;
	s16 =	sadd.s32 $0x24900, s2  }
0x17: {  	s19 =	sor.u32 @!p0 $0x1C03, s0;
	s24 =	simm.s32 $0x16080;
	s0 =	simm.s32 $0x0  }
0x18: {  	s13 =	sadd.s32 s6, s18;
	s14 =	sadd.s32 s14, s18;
	s18 =	sshrl.u32 @!p1 s7, $0x3  }
.LBB2_1:
0x19: {  	s2 =	simm.s32 @!p1 $0x1FC3;
	s6 =	rddreg [dreg:$0x5]  }
0x1a: {  	[spmem:s18], [sflag:s2] =	dma.local @!p1 [hbm:s6], $0x2800  }
0x1b: {  	s2 =	simm.s32 @!p1 $0x3  }
0x1c: {  	_ =	swait.ge @!p1 [sflag:s2], $0x2800  }
0x1d: {  	[sflag:s2] =	ssyncset.done @!p1 $0x0  }
0x1e: {  	s6 =	rddreg [dreg:$0x4];
	[sflag:s2] =	ssyncadd.s32 @!p1 $0xFFFFD800;
	s2 =	sshrl.u32 @!p0 s5, $0x3  }
0x1f: {  	[spmem:s2], [sflag:s19] =	dma.local @!p0 [hbm:s6], $0x2700  }
0x20: {  	s2 =	simm.s32 @!p0 $0x3  }
0x21: {  	_ =	swait.ge @!p0 [sflag:s2], $0x2700  }
0x22: {  	[sflag:s2] =	ssyncset.done @!p0 $0x0  }
0x23: {  	s6 =	simm.s32 @!p2 $0x1FC3;
	[sflag:s2] =	ssyncadd.s32 @!p0 $0xFFFFD900;
	s2 =	sshrl.u32 @!p2 s7, $0x3  }
0x24: {  	[spmem:s2], [sflag:s6] =	dma.local @!p2 [hbm:s10], $0x2800  }
0x25: {  	s2 =	simm.s32 @!p2 $0x3  }
0x26: {  	_ =	swait.ge @!p2 [sflag:s2], $0x2800  }
0x27: {  	s6 =	sshll.u32 @!p3 s3, $0x6;
	[sflag:s2] =	ssyncset.done @!p2 $0x0  }
0x28: {  	[sflag:s2] =	ssyncadd.s32 @!p2 $0xFFFFD800;
	s2 =	sor.u32 @!p3 $0x1C03, s6;
	s6 =	sshrl.u32 @!p3 s5, $0x3  }
0x29: {  	[spmem:s6], [sflag:s2] =	dma.local @!p3 [hbm:s9], $0x2700  }
0x2a: {  	s2 =	simm.s32 @!p3 $0x3  }
0x2b: {  	_ =	swait.ge @!p3 [sflag:s2], $0x2700  }
0x2c: {  	[sflag:s2] =	ssyncset.done @!p3 $0x0  }
0x2d: {  	[sflag:s2] =	ssyncadd.s32 @!p3 $0xFFFFD900  }
0x2e: {  	s6 =	simm.s32 $0x0;
	[bflag:$0x0] =	sbarrier.arrive $0xFFFF  }
0x2f: {  	[tilespmem:s20], [sflag:$0x3] =	stream.linear.gather [hbm4b:s11+s6], $0x1400, $0x38;
	[tilespmem:$0x1E080] =	vst v63  }
0x30: {  	_ =	swait.ge [sflag:s21], $0x1400  }
0x31: {  	[sflag:s21] =	ssyncset.done $0x0  }
0x32: {  	[sflag:s21] =	ssyncadd.s32 $0xFFFFEC00  }
0x33: {  	[tilespmem:s22], [sflag:$0x3] =	stream.linear.gather [hbm4b:s12+s6], $0x1400, $0x38;
	[tilespmem:$0x1E080] =	vst v63  }
0x34: {  	_ =	swait.ge [sflag:s21], $0x1400  }
0x35: {  	[sflag:s21] =	ssyncset.done $0x0  }
0x36: {  	[sflag:s21] =	ssyncadd.s32 $0xFFFFEC00  }
0x37: {  	[tilespmem:s24], [sflag:$0x1] =	stream.indirect.gather [hbm4b:s4+s23], $0x80, s20, s23, $0xb8;
	[tilespmem:$0x1E080] =	vst v63  }
0x38: {  	_ = 	snop  }
0x39: {  	[tilespmem:s26], [sflag:$0x2] =	stream.indirect.gather [hbm4b:s4+s23], $0x80, s25, s23, $0xb8;
	[tilespmem:$0x1E080] =	vst v63  }
0x3a: {  	_ =	swait.ge [sflag:s28], $0x3E80  }
0x3b: {  	[sflag:s28] =	ssyncset.done $0x0  }
0x3c: {  	s8 =	simm.s32 $0x14C80;
	[sflag:s28] =	ssyncadd.s32 $0xFFFFC180  }
0x3d: {  	[spmem:s1] =	stream.indirect.scatter.add.f32 [tilespmem:s24], [sflag:$0x3], $0x80, s8, s23, $0xb8;
	[tilespmem:$0x1E080] =	vst v63  }
0x3e: {  	_ =	swait.ge [sflag:s21], $0x3E80  }
0x3f: {  	[sflag:s21] =	ssyncset.done $0x0  }
0x40: {  	s6 =	simm.s32 $0x13980;
	[sflag:s21] =	ssyncadd.s32 $0xFFFFC180  }
0x41: {  	[tilespmem:s24], [sflag:$0x1] =	stream.indirect.gather [hbm4b:s4+s23], $0x80, s6, s23, $0xb8;
	[tilespmem:$0x1E080] =	vst v63  }
0x42: {  	_ =	swait.ge [sflag:s29], $0x3E80  }
0x43: {  	[sflag:s29] =	ssyncset.done $0x0  }
0x44: {  	s8 =	simm.s32 $0x14D00;
	[sflag:s29] =	ssyncadd.s32 $0xFFFFC180  }
0x45: {  	[spmem:s1] =	stream.indirect.scatter.add.f32 [tilespmem:s26], [sflag:$0x3], $0x80, s8, s23, $0xb8;
	[tilespmem:$0x1E080] =	vst v63  }
0x46: {  	_ =	swait.ge [sflag:s21], $0x3E80  }
0x47: {  	[sflag:s21] =	ssyncset.done $0x0  }
0x48: {  	s2 =	simm.s32 $0x400;
	s6 =	simm.s32 $0x13A00;
	[sflag:s21] =	ssyncadd.s32 $0xFFFFC180  }
.LBB2_2:
0x49: {  	[tilespmem:s26], [sflag:$0x2] =	stream.indirect.gather [hbm4b:s4+s23], $0x80, s6, s23, $0xb8;
	[tilespmem:$0x1E080] =	vst v63  }
0x4a: {  	s6 =	smov.u32 s2  }
0x4b: {  	p5 =	sne.s32 s2, $0x4800;
	s2 =	sadd.s32 $0x400, s2;
	_ =	swait.ge [sflag:s28], $0x3E80  }
0x4c: {  	s6 =	sshra.s32 s6, $0x2;
	[sflag:s28] =	ssyncset.done $0x0  }
0x4d: {  	s8 =	sadd.s32 $0x14C80, s6;
	[sflag:s28] =	ssyncadd.s32 $0xFFFFC180  }
0x4e: {  	[spmem:s1] =	stream.indirect.scatter.add.f32 [tilespmem:s24], [sflag:$0x3], $0x80, s8, s23, $0xb8;
	[tilespmem:$0x1E080] =	vst v63  }
0x4f: {  	_ =	swait.ge [sflag:s21], $0x3E80  }
0x50: {  	[sflag:s21] =	ssyncset.done $0x0  }
0x51: {  	s8 =	sadd.s32 $0x13980, s6;
	[sflag:s21] =	ssyncadd.s32 $0xFFFFC180  }
0x52: {  	[tilespmem:s24], [sflag:$0x1] =	stream.indirect.gather [hbm4b:s4+s23], $0x80, s8, s23, $0xb8;
	[tilespmem:$0x1E080] =	vst v63  }
0x53: {  	_ =	swait.ge [sflag:s29], $0x3E80  }
0x54: {  	[sflag:s29] =	ssyncset.done $0x0  }
.Ltmp0:
0x55: {  	s8 =	sadd.s32 $0x14D00, s6;
	[sflag:s29] =	ssyncadd.s32 $0xFFFFC180;
	(pc) =	sbr.rel @p5 .LBB2_2-.Ltmp0, $4  }
0x56: {  	[spmem:s1] =	stream.indirect.scatter.add.f32 [tilespmem:s26], [sflag:$0x3], $0x80, s8, s23, $0xb8;
	[tilespmem:$0x1E080] =	vst v63  }
0x57: {  	_ =	swait.ge [sflag:s21], $0x3E80  }
0x58: {  	[sflag:s21] =	ssyncset.done $0x0  }
0x59: {  	s6 =	sadd.s32 $0x13A00, s6;
	[sflag:s21] =	ssyncadd.s32 $0xFFFFC180  }
0x5a: {  	[tilespmem:s26], [sflag:$0x2] =	stream.indirect.gather [hbm4b:s4+s23], $0x80, s6, s23, $0xb8;
	[tilespmem:$0x1E080] =	vst v63  }
0x5b: {  	_ =	swait.ge [sflag:s28], $0x3E80  }
0x5c: {  	[sflag:s28] =	ssyncset.done $0x0  }
0x5d: {  	[sflag:s28] =	ssyncadd.s32 $0xFFFFC180  }
0x5e: {  	[spmem:s1] =	stream.indirect.scatter.add.f32 [tilespmem:s24], [sflag:$0x3], $0x80, s30, s23, $0xb8;
	[tilespmem:$0x1E080] =	vst v63  }
0x5f: {  	_ =	swait.ge [sflag:s21], $0x3E80  }
0x60: {  	[sflag:s21] =	ssyncset.done $0x0  }
0x61: {  	[sflag:s21] =	ssyncadd.s32 $0xFFFFC180  }
0x62: {  	_ =	swait.ge [sflag:s29], $0x3E80  }
0x63: {  	[sflag:s29] =	ssyncset.done $0x0  }
0x64: {  	[sflag:s29] =	ssyncadd.s32 $0xFFFFC180  }
0x65: {  	[spmem:s1] =	stream.indirect.scatter.add.f32 [tilespmem:s26], [sflag:$0x3], $0x80, s31, s23, $0xb8;
	[tilespmem:$0x1E080] =	vst v63  }
0x66: {  	_ =	swait.ge [sflag:s21], $0x3E80  }
0x67: {  	[sflag:s21] =	ssyncset.done $0x0  }
0x68: {  	s2 =	simm.s32 $0x0;
	[sflag:s21] =	ssyncadd.s32 $0xFFFFC180  }
0x69: {  	[tilespmem:s20], [sflag:$0x3] =	stream.linear.gather [hbm4b:s13+s2], $0x1400, $0x38;
	[tilespmem:$0x1E080] =	vst v63  }
0x6a: {  	_ =	swait.ge [sflag:s21], $0x1400  }
0x6b: {  	[sflag:s21] =	ssyncset.done $0x0  }
0x6c: {  	[sflag:s21] =	ssyncadd.s32 $0xFFFFEC00  }
0x6d: {  	[tilespmem:s22], [sflag:$0x3] =	stream.linear.gather [hbm4b:s14+s2], $0x1400, $0x38;
	[tilespmem:$0x1E080] =	vst v63  }
0x6e: {  	_ =	swait.ge [sflag:s21], $0x1400  }
0x6f: {  	[sflag:s21] =	ssyncset.done $0x0  }
0x70: {  	[sflag:s21] =	ssyncadd.s32 $0xFFFFEC00  }
0x71: {  	[tilespmem:s24], [sflag:$0x1] =	stream.indirect.gather [hbm4b:s4+s23], $0x80, s20, s23, $0xb8;
	[tilespmem:$0x1E080] =	vst v63  }
0x72: {  	_ = 	snop  }
0x73: {  	[tilespmem:s26], [sflag:$0x2] =	stream.indirect.gather [hbm4b:s4+s23], $0x80, s25, s23, $0xb8;
	[tilespmem:$0x1E080] =	vst v63  }
0x74: {  	_ =	swait.ge [sflag:s28], $0x3E80  }
0x75: {  	[sflag:s28] =	ssyncset.done $0x0  }
0x76: {  	s8 =	simm.s32 $0x14C80;
	[sflag:s28] =	ssyncadd.s32 $0xFFFFC180  }
0x77: {  	[spmem:s1] =	stream.indirect.scatter.add.f32 [tilespmem:s24], [sflag:$0x3], $0x80, s8, s23, $0xb8;
	[tilespmem:$0x1E080] =	vst v63  }
0x78: {  	_ =	swait.ge [sflag:s21], $0x3E80  }
0x79: {  	[sflag:s21] =	ssyncset.done $0x0  }
0x7a: {  	s6 =	simm.s32 $0x13980;
	[sflag:s21] =	ssyncadd.s32 $0xFFFFC180  }
0x7b: {  	[tilespmem:s24], [sflag:$0x1] =	stream.indirect.gather [hbm4b:s4+s23], $0x80, s6, s23, $0xb8;
	[tilespmem:$0x1E080] =	vst v63  }
0x7c: {  	_ =	swait.ge [sflag:s29], $0x3E80  }
0x7d: {  	[sflag:s29] =	ssyncset.done $0x0  }
0x7e: {  	s8 =	simm.s32 $0x14D00;
	[sflag:s29] =	ssyncadd.s32 $0xFFFFC180  }
0x7f: {  	[spmem:s1] =	stream.indirect.scatter.add.f32 [tilespmem:s26], [sflag:$0x3], $0x80, s8, s23, $0xb8;
	[tilespmem:$0x1E080] =	vst v63  }
0x80: {  	_ =	swait.ge [sflag:s21], $0x3E80  }
0x81: {  	[sflag:s21] =	ssyncset.done $0x0  }
0x82: {  	s2 =	simm.s32 $0x400;
	s6 =	simm.s32 $0x13A00;
	[sflag:s21] =	ssyncadd.s32 $0xFFFFC180  }
.LBB2_4:
0x83: {  	[tilespmem:s26], [sflag:$0x2] =	stream.indirect.gather [hbm4b:s4+s23], $0x80, s6, s23, $0xb8;
	[tilespmem:$0x1E080] =	vst v63  }
0x84: {  	s6 =	smov.u32 s2  }
0x85: {  	p5 =	sne.s32 s2, $0x4800;
	s2 =	sadd.s32 $0x400, s2;
	_ =	swait.ge [sflag:s28], $0x3E80  }
0x86: {  	s6 =	sshra.s32 s6, $0x2;
	[sflag:s28] =	ssyncset.done $0x0  }
0x87: {  	s8 =	sadd.s32 $0x14C80, s6;
	[sflag:s28] =	ssyncadd.s32 $0xFFFFC180  }
0x88: {  	[spmem:s1] =	stream.indirect.scatter.add.f32 [tilespmem:s24], [sflag:$0x3], $0x80, s8, s23, $0xb8;
	[tilespmem:$0x1E080] =	vst v63  }
0x89: {  	_ =	swait.ge [sflag:s21], $0x3E80  }
0x8a: {  	[sflag:s21] =	ssyncset.done $0x0  }
0x8b: {  	s8 =	sadd.s32 $0x13980, s6;
	[sflag:s21] =	ssyncadd.s32 $0xFFFFC180  }
0x8c: {  	[tilespmem:s24], [sflag:$0x1] =	stream.indirect.gather [hbm4b:s4+s23], $0x80, s8, s23, $0xb8;
	[tilespmem:$0x1E080] =	vst v63  }
0x8d: {  	_ =	swait.ge [sflag:s29], $0x3E80  }
0x8e: {  	[sflag:s29] =	ssyncset.done $0x0  }
.Ltmp1:
0x8f: {  	s8 =	sadd.s32 $0x14D00, s6;
	[sflag:s29] =	ssyncadd.s32 $0xFFFFC180;
	(pc) =	sbr.rel @p5 .LBB2_4-.Ltmp1, $4  }
0x90: {  	[spmem:s1] =	stream.indirect.scatter.add.f32 [tilespmem:s26], [sflag:$0x3], $0x80, s8, s23, $0xb8;
	[tilespmem:$0x1E080] =	vst v63  }
0x91: {  	_ =	swait.ge [sflag:s21], $0x3E80  }
0x92: {  	[sflag:s21] =	ssyncset.done $0x0  }
0x93: {  	s6 =	sadd.s32 $0x13A00, s6;
	[sflag:s21] =	ssyncadd.s32 $0xFFFFC180  }
0x94: {  	[tilespmem:s26], [sflag:$0x2] =	stream.indirect.gather [hbm4b:s4+s23], $0x80, s6, s23, $0xb8;
	[tilespmem:$0x1E080] =	vst v63  }
0x95: {  	_ =	swait.ge [sflag:s28], $0x3E80  }
0x96: {  	[sflag:s28] =	ssyncset.done $0x0  }
0x97: {  	[sflag:s28] =	ssyncadd.s32 $0xFFFFC180  }
0x98: {  	[spmem:s1] =	stream.indirect.scatter.add.f32 [tilespmem:s24], [sflag:$0x3], $0x80, s30, s23, $0xb8;
	[tilespmem:$0x1E080] =	vst v63  }
0x99: {  	_ =	swait.ge [sflag:s21], $0x3E80  }
0x9a: {  	[sflag:s21] =	ssyncset.done $0x0  }
0x9b: {  	[sflag:s21] =	ssyncadd.s32 $0xFFFFC180  }
0x9c: {  	_ =	swait.ge [sflag:s29], $0x3E80  }
0x9d: {  	[sflag:s29] =	ssyncset.done $0x0  }
0x9e: {  	[sflag:s29] =	ssyncadd.s32 $0xFFFFC180  }
0x9f: {  	[spmem:s1] =	stream.indirect.scatter.add.f32 [tilespmem:s26], [sflag:$0x3], $0x80, s31, s23, $0xb8;
	[tilespmem:$0x1E080] =	vst v63  }
0xa0: {  	_ =	swait.ge [sflag:s21], $0x3E80  }
0xa1: {  	[sflag:s21] =	ssyncset.done $0x0  }
0xa2: {  	[sflag:s21] =	ssyncadd.s32 $0xFFFFC180  }
0xa3: {  	s2 =	sshrl.u32 @p4 s7, $0x3;
	s6 =	simm.s32 @p4 $0x1FC3;
	[bflag:$0x0] =	sbarrier.arrive $0xFFFF  }
0xa4: {  	[hbm:s16], [sflag:s6] =	dma.local @p4 [spmem:s2], $0x2800  }
0xa5: {  	s2 =	simm.s32 @p4 $0x3  }
0xa6: {  	s0 =	sadd.s32 $0x1, s0;
	_ =	swait.ge @p4 [sflag:s2], $0x2800  }
0xa7: {  	p5 =	sne.s32 s0, s17;
	s6 =	sshll.u32 @!p4 s3, $0x6;
	[sflag:s2] =	ssyncset.done @p4 $0x0  }
0xa8: {  	[sflag:s2] =	ssyncadd.s32 @p4 $0xFFFFD800;
	s2 =	sor.u32 @!p4 $0x1C03, s6;
	s6 =	sshrl.u32 @!p4 s5, $0x3  }
0xa9: {  	[hbm:s15], [sflag:s2] =	dma.local @!p4 [spmem:s6], $0x2700  }
.Ltmp2:
0xaa: {  	_ = 	snop;
	(pc) =	sbr.rel @p5 .LBB2_1-.Ltmp2, $4  }
0xab: {  	s2 =	simm.s32 @!p4 $0x3  }
0xac: {  	_ =	swait.ge @!p4 [sflag:s2], $0x2700  }
0xad: {  	[sflag:s2] =	ssyncset.done @!p4 $0x0  }
0xae: {  	[sflag:s2] =	ssyncadd.s32 @!p4 $0xFFFFD900  }
0xaf: {  	_ =	sfence.sel $0x180000  }
0xb0: {  	[bflag:$0x0] =	sbarrier.arrive $0xFFFF  }
0xb1: {  	_ =	strace $0x9000004A  }
0xb2: {  	[bflag:$0x2] =	sbarrier.arrive $0xFFFF  }
0xb3: {  	p0 =	sne.s32 s3, $0x0;
	s0 =	rddreg [dreg:$0x3]  }
0xb4: {  	s0 =	sadd.s32 @!p0 $0x100000, s0  }
0xb5: {  	[sflag:s0] =	ssyncadd.tile.s32 @!p0 $0x1;
	_ =	shalt  }
.Lfunc_end2:
_tile_overlayer_lowered:
.L_overlay_start_2:
0xb6: {  	(tag) =	ssettag $0x2  }
0xb7: {  	s0 =	rddreg [dreg:$0x0];
	s2 =	stileid.u32  }
0xb8: {  	s1 =	rddreg [dreg:$0x1];
	p0 =	sne.s32 s2, $0x0  }
0xb9: {  	s3 =	rddreg [dreg:$0x2];
	[bflag:$0x3] =	sbarrier.arrive $0xFFFF;
	s2 =	simm.s32 @!p0 $0x1C03  }
0xba: {  	[timem:s3], [sflag:s2] =	dma.local @!p0 [hbm:s0], s1  }
0xbb: {  	s0 =	simm.s32 @!p0 $0x3  }
0xbc: {  	_ =	swait.ge @!p0 [sflag:s0], s1  }
0xbd: {  	s1 =	ssub.s32 @!p0 $0x0, s1;
	[sflag:s0] =	ssyncset.done @!p0 $0x0  }
0xbe: {  	[sflag:s0] =	ssyncadd.s32 @!p0 s1  }
0xbf: {  	[bflag:$0x3] =	sbarrier.arrive $0xFFFF  }
0xc0: {  	_ =	shalt  }

// kernel: kernel.15.cloned.1.call-start
scs
__scs_entry_jumppad:
0x0: {  	(pc) =	sbr.rel $0x88, $3  }
0x1: {  	(tag) =	ssettag $0x0;
	lr =	simm.s32 $0x1  }
0x2: {  	[smem:$0x3F9A] =	sst lr;
	_ =	strace $0xD0000000  }
0x3: {  	_ = 	snop  }
0x4: {  	_ = 	snop  }
0x5: {  	_ = 	snop  }
0x6: {  	_ = 	snop  }
0x7: {  	_ = 	snop  }
__scs_overlays_trampoline_lowered:
0x8: {  	[smem:$0x3FA9] =	sst s0  }
0x9: {  	[smem:$0x3FAA] =	sst s1  }
0xa: {  	[smem:$0x3FAB] =	sst s2  }
0xb: {  	[smem:$0x3FAC] =	sst s3  }
0xc: {  	[smem:$0x3FAD] =	sst s4  }
0xd: {  	[smem:$0x3FAE] =	sst s5  }
0xe: {  	[smem:$0x3FAF] =	sst s6  }
0xf: {  	[smem:$0x3FB0] =	sst s7  }
0x10: {  	[smem:$0x3FB1] =	sst s8  }
0x11: {  	[smem:$0x3FB2] =	sst s9;
	s0 =	simm.s32 @!p0 $0x0  }
0x12: {  	s1 =	sld [smem:$0x3F98];
	s0 =	simm.s32 @p0 $0x1  }
0x13: {  	[smem:$0x3FB3] =	sst s0;
	s0 =	simm.s32 @!p1 $0x0  }
0x14: {  	s2 =	sld [smem:$0x3F97];
	s0 =	simm.s32 @p1 $0x1  }
0x15: {  	[smem:$0x3FB4] =	sst s0;
	s0 =	simm.s32 @!p2 $0x0  }
0x16: {  	s3 =	sld [smem:$0x3FDB];
	s0 =	simm.s32 @p2 $0x1  }
0x17: {  	s4 =	simm.s32 $0x1BF5;
	[smem:$0x3FB6] =	sst s0  }
0x18: {  	s0 =	sld [smem:$0x3F99];
	_ =	swait.ge [sflag:s4], $0x0  }
0x19: {  	s7 =	sld [smem:$0x3F9A]  }
0x1a: {  	s8 =	sadd.s32 $0xFFFFE003, lr  }
0x1b: {  	s9 =	sadd.s32 $0xFFFFFEF7, lr;
	s5 =	simm.s32 $0xFFFFFFFF;
	p2 =	slt.u32 s8, $0xFFFFF086  }
0x1c: {  	p1 =	slt.u32 s9, $0xF7A;
	s5 =	simm.s32 @!p2 $0x0  }
0x1d: {  	s5 =	simm.s32 @p1 $0x1;
	p0 =	seq.s32 s7, s2  }
0x1e: {  	s7 =	smul.u32 @!p0 $0xF7A, s2;
	p2 =	seq.s32 @!p0 s5, $0x0  }
0x1f: {  	s9 =	smul.u32 $0xF7A, s1;
	s8 =	simm.s32 @!p0 $0x1BF5;
	p2 =	por !p2, p0  }
0x20: {  	[sflag:s8] =	ssyncset.s32 @!p0 $0xFFFFF086;
	s6 =	sadd.s32 @!p0 s3, s7;
	s7 =	simm.s32 @!p0 $0x108  }
0x21: {  	s3 =	sadd.s32 s3, s9;
	s6 =	sadd.s32 @!p0 $0x88, s6;
	s7 =	simm.s32 @p2 $0x1082  }
0x22: {  	[simem:s7], [sflag:s8] =	dma.local @!p0 [hbm:s6], $0xF7A  }
0x23: {  	s9 =	sor.u32 $0xD0000000, s2;
	s6 =	simm.s32 $0x108;
	_ =	swait.ge @!p0 [sflag:s8], $0x0  }
0x24: {  	s3 =	sadd.s32 $0x88, s3;
	s6 =	simm.s32 @!p1 $0x1082;
	[sflag:s4] =	ssyncset.s32 $0xFFFFF086  }
0x25: {  	[simem:s6], [sflag:s4] =	dma.local [hbm:s3], $0xF7A  }
0x26: {  	[smem:$0x3F9A] =	sst s1;
	(tag) =	ssettag s2;
	_ =	strace s9  }
0x27: {  	s1 =	sld [smem:$0x3FAA]  }
0x28: {  	s2 =	sld [smem:$0x3FAB]  }
0x29: {  	s4 =	sld [smem:$0x3FAD]  }
0x2a: {  	p0 =	seq.s32 s5, $0x0;
	s5 =	sld [smem:$0x3FAE]  }
0x2b: {  	s6 =	sld [smem:$0x3FAF]  }
0x2c: {  	s7 =	sld [smem:$0x3FB0]  }
0x2d: {  	s3 =	simm.s32 $0x108;
	s8 =	sld [smem:$0x3FB1]  }
0x2e: {  	s3 =	simm.s32 @!p0 $0x1082;
	s9 =	sld [smem:$0x3FB2]  }
0x2f: {  	lr =	sadd.s32 s0, s3;
	s0 =	sld [smem:$0x3FA9]  }
0x30: {  	s3 =	sld [smem:$0x3FAC]  }
0x31: {  	[smem:$0x3FB5] =	sst s10  }
0x32: {  	s10 =	sld [smem:$0x3FB3];
	_ =	sdelay $0x3  }
0x33: {  	p0 =	seq.s32 s10, $0x1;
	s10 =	sld [smem:$0x3FB5];
	_ =	sdelay $0x3  }
0x34: {  	[smem:$0x3FB5] =	sst s10  }
0x35: {  	s10 =	sld [smem:$0x3FB4];
	_ =	sdelay $0x3  }
0x36: {  	p1 =	seq.s32 s10, $0x1;
	s10 =	sld [smem:$0x3FB5];
	_ =	sdelay $0x3  }
0x37: {  	[smem:$0x3FB5] =	sst s10  }
0x38: {  	s10 =	sld [smem:$0x3FB6]  }
0x39: {  	_ = 	snop;
	(pc) =	sbr.ind lr, $3  }
0x3a: {  	_ = 	snop  }
0x3b: {  	_ = 	snop  }
0x3c: {  	p2 =	seq.s32 s10, $0x1;
	s10 =	sld [smem:$0x3FB5]  }
0x3d: {  	_ =	shalt  }
0x3e: {  	_ =	shalt  }
0x3f: {  	_ =	shalt  }
0x40: {  	_ =	shalt  }
0x41: {  	_ =	shalt  }
0x42: {  	_ =	shalt  }
0x43: {  	_ =	shalt  }
0x44: {  	_ =	shalt  }
0x45: {  	_ =	shalt  }
0x46: {  	_ =	shalt  }
0x47: {  	_ =	shalt  }
0x48: {  	_ =	shalt  }
0x49: {  	_ =	shalt  }
0x4a: {  	_ =	shalt  }
0x4b: {  	_ =	shalt  }
0x4c: {  	_ =	shalt  }
0x4d: {  	_ =	shalt  }
0x4e: {  	_ =	shalt  }
0x4f: {  	_ =	shalt  }
0x50: {  	_ =	shalt  }
0x51: {  	_ =	shalt  }
0x52: {  	_ =	shalt  }
0x53: {  	_ =	shalt  }
0x54: {  	_ =	shalt  }
0x55: {  	_ =	shalt  }
0x56: {  	_ =	shalt  }
0x57: {  	_ =	shalt  }
0x58: {  	_ =	shalt  }
0x59: {  	_ =	shalt  }
0x5a: {  	_ =	shalt  }
0x5b: {  	_ =	shalt  }
0x5c: {  	_ =	shalt  }
0x5d: {  	_ =	shalt  }
0x5e: {  	_ =	shalt  }
0x5f: {  	_ =	shalt  }
0x60: {  	_ =	shalt  }
0x61: {  	_ =	shalt  }
0x62: {  	_ =	shalt  }
0x63: {  	_ =	shalt  }
0x64: {  	_ =	shalt  }
0x65: {  	_ =	shalt  }
0x66: {  	_ =	shalt  }
0x67: {  	_ =	shalt  }
0x68: {  	_ =	shalt  }
0x69: {  	_ =	shalt  }
0x6a: {  	_ =	shalt  }
0x6b: {  	_ =	shalt  }
0x6c: {  	_ =	shalt  }
0x6d: {  	_ =	shalt  }
0x6e: {  	_ =	shalt  }
0x6f: {  	_ =	shalt  }
0x70: {  	_ =	shalt  }
0x71: {  	_ =	shalt  }
0x72: {  	_ =	shalt  }
0x73: {  	_ =	shalt  }
0x74: {  	_ =	shalt  }
0x75: {  	_ =	shalt  }
0x76: {  	_ =	shalt  }
0x77: {  	_ =	shalt  }
0x78: {  	_ =	shalt  }
0x79: {  	_ =	shalt  }
0x7a: {  	_ =	shalt  }
0x7b: {  	_ =	shalt  }
0x7c: {  	_ =	shalt  }
0x7d: {  	_ =	shalt  }
0x7e: {  	_ =	shalt  }
0x7f: {  	_ =	shalt  }
0x80: {  	_ =	shalt  }
0x81: {  	_ =	shalt  }
0x82: {  	_ =	shalt  }
0x83: {  	_ =	shalt  }
0x84: {  	_ =	shalt  }
0x85: {  	_ =	shalt  }
0x86: {  	_ =	shalt  }
0x87: {  	_ =	shalt  }
.Lfunc_end0:
.L_simem_size_0:
called_computation.2_lowered:
.L_overlay_start_0:
0x88: {  	s2 =	sld [smem:$0x3FD9]  }
0x89: {  	s3 =	sld [smem:$0x3FFE];
	_ =	sdelay $0x1  }
0x8a: {  	s1 =	srdreg.scid  }
0x8b: {  	s0 =	sand.u32 $0x1, s1  }
0x8c: {  	s17 =	sshll.u32 s0, $0xA;
	s2 =	sadd.s32 s3, s2  }
0x8d: {  	s2 =	sadd.s32 s2, s17  }
0x8e: {  	[smem:$0x3FC1] =	sst s2  }
0x8f: {  	_ = 	snop  }
0x90: {  	s2 =	sld [smem:$0x3FD0];
	(tm) =	ssettm $0x1  }
0x91: {  	s18 =	sld [smem:$0x3FFB];
	_ =	sdelay $0x3  }
0x92: {  	_ =	strace s18  }
0x93: {  	s3 =	sld [smem:$0x3FFC];
	_ =	sdelay $0x3  }
0x94: {  	_ =	strace s3  }
0x95: {  	s3 =	sld [smem:$0x3FFD];
	_ =	sdelay $0x3  }
0x96: {  	_ =	strace s3  }
0x97: {  	_ =	strace $0x8FFFFFFF  }
0x98: {  	s19 =	sld [smem:$0x3FDB];
	_ =	sdelay $0x1  }
0x99: {  	s4 =	simm.s32 $_scs_section_size  }
0x9a: {  	s5 =	simm.s32 $_size__tile_overlayer_lowered;
	s6 =	simm.s32 $_tile_overlayer_lowered  }
0x9b: {  	s22 =	simm.s32 $0x1BFF;
	s21 =	sshll.u32 s6, $0x1;
	s3 =	sadd.s32 s4, s19  }
0x9c: {  	s7 =	simm.s32 $0x0;
	s20 =	sshll.u32 s5, $0x1;
	s5 =	sadd.s32 s21, s3  }
0x9d: {  	[timem:s7], [sflag:s22] =	dma.local [hbm:s5], s20  }
0x9e: {  	_ =	swait.ge [sflag:s22], s20  }
0x9f: {  	s4 =	ssub.s32 $0x0, s20;
	[sflag:s22] =	ssyncset.done $0x0  }
0xa0: {  	[sflag:s22] =	ssyncadd.s32 s4;
	_ =	sdelay $0x1  }
0xa1: {  	s23 =	simm.s32 $0x1B8B  }
0xa2: {  	_ =	swait.ge [sflag:s23], $0x1  }
0xa3: {  	[sflag:s23] =	ssyncset.done $0x0  }
0xa4: {  	s25 =	simm.s32 $0x1B8E;
	s24 =	sld [smem:$0x3FFE];
	[sflag:s23] =	ssyncadd.s32 $0xFFFFFFFF  }
0xa5: {  	s26 =	simm.s32 $execute0_lowered;
	[smem:$0x3FD2] =	sst s25  }
0xa6: {  	s5 =	sshll.u32 s26, $0x1;
	_ =	strace $0x8000004C;
	[dreg:$0x1] =	wrdreg $0xFFFFFFFF  }
0xa7: {  	s28 =	simm.s32 $_size_execute0_lowered;
	s3 =	sadd.s32 s3, s5;
	[dreg:$0x0] =	wrdreg $0x0  }
0xa8: {  	s5 =	sshll.u32 s28, $0x1;
	[dreg:$0x2] =	wrdreg s3  }
0xa9: {  	[dreg:$0x3] =	wrdreg s5  }
0xaa: {  	[dreg:$0x4] =	wrdreg $0xC0  }
0xab: {  	_ =	task [dreg:s7], $0x5FFFF  }
0xac: {  	[dreg:$0x1] =	wrdreg $0xFFFFFFFF  }
0xad: {  	[dreg:$0x0] =	wrdreg $0x60  }
0xae: {  	[dreg:$0x2] =	wrdreg s24  }
0xaf: {  	[dreg:$0x3] =	wrdreg s2  }
0xb0: {  	[dreg:$0x4] =	wrdreg $0x0  }
0xb1: {  	[dreg:$0x5] =	wrdreg $0x9  }
0xb2: {  	_ =	task.clear_ibuf [dreg:s7], $0x6FFFF;
	_ =	strace $0x9000004C  }
0xb3: {  	s29 =	simm.s32 $0x9;
	_ =	strace $0x8000004E  }
0xb4: {  	_ =	swait.ge [sflag:s29], $0x1  }
0xb5: {  	[sflag:s29] =	ssyncadd.s32 $0xFFFFFFFF  }
0xb6: {  	_ =	strace $0x9000004E  }
0xb7: {  	_ =	sfence  }
0xb8: {  	s30 =	sld [smem:$0x0];
	_ =	sdelay $0x2  }
0xb9: {  	s31 =	sshll.u32 s1, $0xD;
	s1 =	sshrl.u32 s1, $0x2  }
0xba: {  	s3 =	sand.u32 $0x4000, s31;
	s1 =	sadd.s32 s1, s30  }
0xbb: {  	s0 =	sor.u32 s3, s0;
	s1 =	sshll.u32 s1, $0x11  }
0xbc: {  	s0 =	sor.u32 s1, s0  }
0xbd: {  	s0 =	sadd.s32 $0x8F2B, s0  }
0xbe: {  	[sflag:s0] =	ssyncadd.remote.s32 $0x1  }
0xbf: {  	_ =	sfence.sel $0xFFFF  }
0xc0: {  	[dreg:$0x0] =	wrdreg $0xFFFFFFFF;
	(pc) =	sbr.abs _section_cstart, $3  }
0xc1: {  	[dreg:$0x1] =	wrdreg $0xFFFFFFFF  }
0xc2: {  	_ =	task.clear_ibuf [dreg:s7], $0x2FFFF;
	_ =	strace $0x9FFFFFFF  }
0xc3: {  	(tm) =	ssettm $0x7FFFFFFF  }
tec
execute0_lowered:
.L_overlay_start_1:
0x0: {  	(tag) =	ssettag $0x1  }
0x1: {  	s0 =	rddreg [dreg:$0x0]  }
0x2: {  	s2 =	rddreg [dreg:$0x1]  }
0x3: {  	s1 =	rddreg [dreg:$0x2];
	s3 =	simm.s32 $0x0;
	s5 =	srdreg.scid  }
0x4: {  	s20 =	simm.s32 $0x13880;
	s28 =	simm.s32 $0x1;
	s29 =	simm.s32 $0x2  }
0x5: {  	s30 =	simm.s32 $0x15F80;
	s31 =	simm.s32 $0x16000;
	[smem:$0x7FF] =	sst s3  }
0x6: {  	s4 =	sadd.s32 $0xC000, s0;
	s6 =	sadd.s32 $0x5AA00, s0;
	s3 =	stileid.u32  }
0x7: {  	s14 =	sadd.s32 $0x2000, s0;
	s15 =	sand.u32 $0x1, s5;
	s7 =	smul.u32 $0x4E000, s3  }
0x8: {  	s16 =	sadd.s32 $0x64A00, s0;
	_ =	strace $0x8000004D;
	s10 =	smul.u32 $0x2700, s3  }
0x9: {  	s5 =	ssub.s32 $0x2, s15;
	s9 =	sshll.u32 s15, $0x4;
	s25 =	smul.u32 $0x138800, s15  }
0xa: {  	s19 =	smul.u32 $0x13800, s3;
	p3 =	sne.s32 s15, $0x0;
	s8 =	sshrl.u32 s5, $0x1  }
0xb: {  	s21 =	sor.u32 s3, s9;
	p1 =	seq.s32 @p3 s3, $0xF;
	p4 =	seq.s32 @!p3 s3, $0xF  }
0xc: {  	s17 =	ssub.s32 s5, s8;
	s22 =	sshrl.u32 s7, $0x2;
	s23 =	sadd.s32 s2, s10  }
0xd: {  	s11 =	smul.u32 $0x2800, s21;
	s7 =	sadd.s32 $0x124800, s1;
	s2 =	sadd.s32 $0x24900, s2  }
0xe: {  	s9 =	sadd.s32 s4, s10;
	s10 =	sadd.s32 $0x30900, s0;
	s26 =	sadd.s32 s19, s25  }
0xf: {  	p0 =	por p1, !p3;
	p1 =	por !p1, !p3;
	p2 =	por !p4, p3  }
0x10: {  	p3 =	por p4, p3;
	s21 =	simm.s32 $0x3;
	[dreg:$0x4] =	wrdreg s23  }
0x11: {  	p4 =	seq.s32 s3, $0xF;
	s5 =	sadd.s32 s22, s1;
	[dreg:$0x5] =	wrdreg s2  }
0x12: {  	s2 =	sshrl.u32 s25, $0x3;
	s0 =	sshrl.u32 s26, $0x3;
	s17 =	smax.u32 s17, $0x1  }
0x13: {  	s22 =	simm.s32 $0x14C80;
	s23 =	simm.s32 $0x7D;
	s25 =	simm.s32 $0x13900  }
0x14: {  	s26 =	simm.s32 $0x1A080;
	s24 =	sshrl.u32 s11, $0x3;
	s2 =	sadd.s32 s16, s2  }
0x15: {  	s15 =	sadd.s32 s16, s0;
	s0 =	sshll.u32 @!p0 s3, $0x6;
	s11 =	sadd.s32 s6, s24  }
0x16: {  	s18 =	sadd.s32 $0x280, s24;
	s12 =	sadd.s32 s14, s24;
	s16 =	sadd.s32 $0x24900, s2  }
0x17: {  	s19 =	sor.u32 @!p0 $0x1C03, s0;
	s24 =	simm.s32 $0x16080;
	s0 =	simm.s32 $0x0  }
0x18: {  	s13 =	sadd.s32 s6, s18;
	s14 =	sadd.s32 s14, s18;
	s18 =	sshrl.u32 @!p1 s7, $0x3  }
.LBB2_1:
0x19: {  	s2 =	simm.s32 @!p1 $0x1FC3;
	s6 =	rddreg [dreg:$0x5]  }
0x1a: {  	[spmem:s18], [sflag:s2] =	dma.local @!p1 [hbm:s6], $0x2800  }
0x1b: {  	s2 =	simm.s32 @!p1 $0x3  }
0x1c: {  	_ =	swait.ge @!p1 [sflag:s2], $0x2800  }
0x1d: {  	[sflag:s2] =	ssyncset.done @!p1 $0x0  }
0x1e: {  	s6 =	rddreg [dreg:$0x4];
	[sflag:s2] =	ssyncadd.s32 @!p1 $0xFFFFD800;
	s2 =	sshrl.u32 @!p0 s5, $0x3  }
0x1f: {  	[spmem:s2], [sflag:s19] =	dma.local @!p0 [hbm:s6], $0x2700  }
0x20: {  	s2 =	simm.s32 @!p0 $0x3  }
0x21: {  	_ =	swait.ge @!p0 [sflag:s2], $0x2700  }
0x22: {  	[sflag:s2] =	ssyncset.done @!p0 $0x0  }
0x23: {  	s6 =	simm.s32 @!p2 $0x1FC3;
	[sflag:s2] =	ssyncadd.s32 @!p0 $0xFFFFD900;
	s2 =	sshrl.u32 @!p2 s7, $0x3  }
0x24: {  	[spmem:s2], [sflag:s6] =	dma.local @!p2 [hbm:s10], $0x2800  }
0x25: {  	s2 =	simm.s32 @!p2 $0x3  }
0x26: {  	_ =	swait.ge @!p2 [sflag:s2], $0x2800  }
0x27: {  	s6 =	sshll.u32 @!p3 s3, $0x6;
	[sflag:s2] =	ssyncset.done @!p2 $0x0  }
0x28: {  	[sflag:s2] =	ssyncadd.s32 @!p2 $0xFFFFD800;
	s2 =	sor.u32 @!p3 $0x1C03, s6;
	s6 =	sshrl.u32 @!p3 s5, $0x3  }
0x29: {  	[spmem:s6], [sflag:s2] =	dma.local @!p3 [hbm:s9], $0x2700  }
0x2a: {  	s2 =	simm.s32 @!p3 $0x3  }
0x2b: {  	_ =	swait.ge @!p3 [sflag:s2], $0x2700  }
0x2c: {  	[sflag:s2] =	ssyncset.done @!p3 $0x0  }
0x2d: {  	[sflag:s2] =	ssyncadd.s32 @!p3 $0xFFFFD900  }
0x2e: {  	s6 =	simm.s32 $0x0;
	[bflag:$0x0] =	sbarrier.arrive $0xFFFF  }
0x2f: {  	[tilespmem:s20], [sflag:$0x3] =	stream.linear.gather [hbm4b:s11+s6], $0x1400, $0x38;
	[tilespmem:$0x1E080] =	vst v63  }
0x30: {  	_ =	swait.ge [sflag:s21], $0x1400  }
0x31: {  	[sflag:s21] =	ssyncset.done $0x0  }
0x32: {  	[sflag:s21] =	ssyncadd.s32 $0xFFFFEC00  }
0x33: {  	[tilespmem:s22], [sflag:$0x3] =	stream.linear.gather [hbm4b:s12+s6], $0x1400, $0x38;
	[tilespmem:$0x1E080] =	vst v63  }
0x34: {  	_ =	swait.ge [sflag:s21], $0x1400  }
0x35: {  	[sflag:s21] =	ssyncset.done $0x0  }
0x36: {  	[sflag:s21] =	ssyncadd.s32 $0xFFFFEC00  }
0x37: {  	[tilespmem:s24], [sflag:$0x1] =	stream.indirect.gather [hbm4b:s4+s23], $0x80, s20, s23, $0xb8;
	[tilespmem:$0x1E080] =	vst v63  }
0x38: {  	_ = 	snop  }
0x39: {  	[tilespmem:s26], [sflag:$0x2] =	stream.indirect.gather [hbm4b:s4+s23], $0x80, s25, s23, $0xb8;
	[tilespmem:$0x1E080] =	vst v63  }
0x3a: {  	_ =	swait.ge [sflag:s28], $0x3E80  }
0x3b: {  	[sflag:s28] =	ssyncset.done $0x0  }
0x3c: {  	s8 =	simm.s32 $0x14C80;
	[sflag:s28] =	ssyncadd.s32 $0xFFFFC180  }
0x3d: {  	[spmem:s1] =	stream.indirect.scatter.add.f32 [tilespmem:s24], [sflag:$0x3], $0x80, s8, s23, $0xb8;
	[tilespmem:$0x1E080] =	vst v63  }
0x3e: {  	_ =	swait.ge [sflag:s21], $0x3E80  }
0x3f: {  	[sflag:s21] =	ssyncset.done $0x0  }
0x40: {  	s6 =	simm.s32 $0x13980;
	[sflag:s21] =	ssyncadd.s32 $0xFFFFC180  }
0x41: {  	[tilespmem:s24], [sflag:$0x1] =	stream.indirect.gather [hbm4b:s4+s23], $0x80, s6, s23, $0xb8;
	[tilespmem:$0x1E080] =	vst v63  }
0x42: {  	_ =	swait.ge [sflag:s29], $0x3E80  }
0x43: {  	[sflag:s29] =	ssyncset.done $0x0  }
0x44: {  	s8 =	simm.s32 $0x14D00;
	[sflag:s29] =	ssyncadd.s32 $0xFFFFC180  }
0x45: {  	[spmem:s1] =	stream.indirect.scatter.add.f32 [tilespmem:s26], [sflag:$0x3], $0x80, s8, s23, $0xb8;
	[tilespmem:$0x1E080] =	vst v63  }
0x46: {  	_ =	swait.ge [sflag:s21], $0x3E80  }
0x47: {  	[sflag:s21] =	ssyncset.done $0x0  }
0x48: {  	s2 =	simm.s32 $0x400;
	s6 =	simm.s32 $0x13A00;
	[sflag:s21] =	ssyncadd.s32 $0xFFFFC180  }
.LBB2_2:
0x49: {  	[tilespmem:s26], [sflag:$0x2] =	stream.indirect.gather [hbm4b:s4+s23], $0x80, s6, s23, $0xb8;
	[tilespmem:$0x1E080] =	vst v63  }
0x4a: {  	s6 =	smov.u32 s2  }
0x4b: {  	p5 =	sne.s32 s2, $0x4800;
	s2 =	sadd.s32 $0x400, s2;
	_ =	swait.ge [sflag:s28], $0x3E80  }
0x4c: {  	s6 =	sshra.s32 s6, $0x2;
	[sflag:s28] =	ssyncset.done $0x0  }
0x4d: {  	s8 =	sadd.s32 $0x14C80, s6;
	[sflag:s28] =	ssyncadd.s32 $0xFFFFC180  }
0x4e: {  	[spmem:s1] =	stream.indirect.scatter.add.f32 [tilespmem:s24], [sflag:$0x3], $0x80, s8, s23, $0xb8;
	[tilespmem:$0x1E080] =	vst v63  }
0x4f: {  	_ =	swait.ge [sflag:s21], $0x3E80  }
0x50: {  	[sflag:s21] =	ssyncset.done $0x0  }
0x51: {  	s8 =	sadd.s32 $0x13980, s6;
	[sflag:s21] =	ssyncadd.s32 $0xFFFFC180  }
0x52: {  	[tilespmem:s24], [sflag:$0x1] =	stream.indirect.gather [hbm4b:s4+s23], $0x80, s8, s23, $0xb8;
	[tilespmem:$0x1E080] =	vst v63  }
0x53: {  	_ =	swait.ge [sflag:s29], $0x3E80  }
0x54: {  	[sflag:s29] =	ssyncset.done $0x0  }
.Ltmp0:
0x55: {  	s8 =	sadd.s32 $0x14D00, s6;
	[sflag:s29] =	ssyncadd.s32 $0xFFFFC180;
	(pc) =	sbr.rel @p5 .LBB2_2-.Ltmp0, $4  }
0x56: {  	[spmem:s1] =	stream.indirect.scatter.add.f32 [tilespmem:s26], [sflag:$0x3], $0x80, s8, s23, $0xb8;
	[tilespmem:$0x1E080] =	vst v63  }
0x57: {  	_ =	swait.ge [sflag:s21], $0x3E80  }
0x58: {  	[sflag:s21] =	ssyncset.done $0x0  }
0x59: {  	s6 =	sadd.s32 $0x13A00, s6;
	[sflag:s21] =	ssyncadd.s32 $0xFFFFC180  }
0x5a: {  	[tilespmem:s26], [sflag:$0x2] =	stream.indirect.gather [hbm4b:s4+s23], $0x80, s6, s23, $0xb8;
	[tilespmem:$0x1E080] =	vst v63  }
0x5b: {  	_ =	swait.ge [sflag:s28], $0x3E80  }
0x5c: {  	[sflag:s28] =	ssyncset.done $0x0  }
0x5d: {  	[sflag:s28] =	ssyncadd.s32 $0xFFFFC180  }
0x5e: {  	[spmem:s1] =	stream.indirect.scatter.add.f32 [tilespmem:s24], [sflag:$0x3], $0x80, s30, s23, $0xb8;
	[tilespmem:$0x1E080] =	vst v63  }
0x5f: {  	_ =	swait.ge [sflag:s21], $0x3E80  }
0x60: {  	[sflag:s21] =	ssyncset.done $0x0  }
0x61: {  	[sflag:s21] =	ssyncadd.s32 $0xFFFFC180  }
0x62: {  	_ =	swait.ge [sflag:s29], $0x3E80  }
0x63: {  	[sflag:s29] =	ssyncset.done $0x0  }
0x64: {  	[sflag:s29] =	ssyncadd.s32 $0xFFFFC180  }
0x65: {  	[spmem:s1] =	stream.indirect.scatter.add.f32 [tilespmem:s26], [sflag:$0x3], $0x80, s31, s23, $0xb8;
	[tilespmem:$0x1E080] =	vst v63  }
0x66: {  	_ =	swait.ge [sflag:s21], $0x3E80  }
0x67: {  	[sflag:s21] =	ssyncset.done $0x0  }
0x68: {  	s2 =	simm.s32 $0x0;
	[sflag:s21] =	ssyncadd.s32 $0xFFFFC180  }
0x69: {  	[tilespmem:s20], [sflag:$0x3] =	stream.linear.gather [hbm4b:s13+s2], $0x1400, $0x38;
	[tilespmem:$0x1E080] =	vst v63  }
0x6a: {  	_ =	swait.ge [sflag:s21], $0x1400  }
0x6b: {  	[sflag:s21] =	ssyncset.done $0x0  }
0x6c: {  	[sflag:s21] =	ssyncadd.s32 $0xFFFFEC00  }
0x6d: {  	[tilespmem:s22], [sflag:$0x3] =	stream.linear.gather [hbm4b:s14+s2], $0x1400, $0x38;
	[tilespmem:$0x1E080] =	vst v63  }
0x6e: {  	_ =	swait.ge [sflag:s21], $0x1400  }
0x6f: {  	[sflag:s21] =	ssyncset.done $0x0  }
0x70: {  	[sflag:s21] =	ssyncadd.s32 $0xFFFFEC00  }
0x71: {  	[tilespmem:s24], [sflag:$0x1] =	stream.indirect.gather [hbm4b:s4+s23], $0x80, s20, s23, $0xb8;
	[tilespmem:$0x1E080] =	vst v63  }
0x72: {  	_ = 	snop  }
0x73: {  	[tilespmem:s26], [sflag:$0x2] =	stream.indirect.gather [hbm4b:s4+s23], $0x80, s25, s23, $0xb8;
	[tilespmem:$0x1E080] =	vst v63  }
0x74: {  	_ =	swait.ge [sflag:s28], $0x3E80  }
0x75: {  	[sflag:s28] =	ssyncset.done $0x0  }
0x76: {  	s8 =	simm.s32 $0x14C80;
	[sflag:s28] =	ssyncadd.s32 $0xFFFFC180  }
0x77: {  	[spmem:s1] =	stream.indirect.scatter.add.f32 [tilespmem:s24], [sflag:$0x3], $0x80, s8, s23, $0xb8;
	[tilespmem:$0x1E080] =	vst v63  }
0x78: {  	_ =	swait.ge [sflag:s21], $0x3E80  }
0x79: {  	[sflag:s21] =	ssyncset.done $0x0  }
0x7a: {  	s6 =	simm.s32 $0x13980;
	[sflag:s21] =	ssyncadd.s32 $0xFFFFC180  }
0x7b: {  	[tilespmem:s24], [sflag:$0x1] =	stream.indirect.gather [hbm4b:s4+s23], $0x80, s6, s23, $0xb8;
	[tilespmem:$0x1E080] =	vst v63  }
0x7c: {  	_ =	swait.ge [sflag:s29], $0x3E80  }
0x7d: {  	[sflag:s29] =	ssyncset.done $0x0  }
0x7e: {  	s8 =	simm.s32 $0x14D00;
	[sflag:s29] =	ssyncadd.s32 $0xFFFFC180  }
0x7f: {  	[spmem:s1] =	stream.indirect.scatter.add.f32 [tilespmem:s26], [sflag:$0x3], $0x80, s8, s23, $0xb8;
	[tilespmem:$0x1E080] =	vst v63  }
0x80: {  	_ =	swait.ge [sflag:s21], $0x3E80  }
0x81: {  	[sflag:s21] =	ssyncset.done $0x0  }
0x82: {  	s2 =	simm.s32 $0x400;
	s6 =	simm.s32 $0x13A00;
	[sflag:s21] =	ssyncadd.s32 $0xFFFFC180  }
.LBB2_4:
0x83: {  	[tilespmem:s26], [sflag:$0x2] =	stream.indirect.gather [hbm4b:s4+s23], $0x80, s6, s23, $0xb8;
	[tilespmem:$0x1E080] =	vst v63  }
0x84: {  	s6 =	smov.u32 s2  }
0x85: {  	p5 =	sne.s32 s2, $0x4800;
	s2 =	sadd.s32 $0x400, s2;
	_ =	swait.ge [sflag:s28], $0x3E80  }
0x86: {  	s6 =	sshra.s32 s6, $0x2;
	[sflag:s28] =	ssyncset.done $0x0  }
0x87: {  	s8 =	sadd.s32 $0x14C80, s6;
	[sflag:s28] =	ssyncadd.s32 $0xFFFFC180  }
0x88: {  	[spmem:s1] =	stream.indirect.scatter.add.f32 [tilespmem:s24], [sflag:$0x3], $0x80, s8, s23, $0xb8;
	[tilespmem:$0x1E080] =	vst v63  }
0x89: {  	_ =	swait.ge [sflag:s21], $0x3E80  }
0x8a: {  	[sflag:s21] =	ssyncset.done $0x0  }
0x8b: {  	s8 =	sadd.s32 $0x13980, s6;
	[sflag:s21] =	ssyncadd.s32 $0xFFFFC180  }
0x8c: {  	[tilespmem:s24], [sflag:$0x1] =	stream.indirect.gather [hbm4b:s4+s23], $0x80, s8, s23, $0xb8;
	[tilespmem:$0x1E080] =	vst v63  }
0x8d: {  	_ =	swait.ge [sflag:s29], $0x3E80  }
0x8e: {  	[sflag:s29] =	ssyncset.done $0x0  }
.Ltmp1:
0x8f: {  	s8 =	sadd.s32 $0x14D00, s6;
	[sflag:s29] =	ssyncadd.s32 $0xFFFFC180;
	(pc) =	sbr.rel @p5 .LBB2_4-.Ltmp1, $4  }
0x90: {  	[spmem:s1] =	stream.indirect.scatter.add.f32 [tilespmem:s26], [sflag:$0x3], $0x80, s8, s23, $0xb8;
	[tilespmem:$0x1E080] =	vst v63  }
0x91: {  	_ =	swait.ge [sflag:s21], $0x3E80  }
0x92: {  	[sflag:s21] =	ssyncset.done $0x0  }
0x93: {  	s6 =	sadd.s32 $0x13A00, s6;
	[sflag:s21] =	ssyncadd.s32 $0xFFFFC180  }
0x94: {  	[tilespmem:s26], [sflag:$0x2] =	stream.indirect.gather [hbm4b:s4+s23], $0x80, s6, s23, $0xb8;
	[tilespmem:$0x1E080] =	vst v63  }
0x95: {  	_ =	swait.ge [sflag:s28], $0x3E80  }
0x96: {  	[sflag:s28] =	ssyncset.done $0x0  }
0x97: {  	[sflag:s28] =	ssyncadd.s32 $0xFFFFC180  }
0x98: {  	[spmem:s1] =	stream.indirect.scatter.add.f32 [tilespmem:s24], [sflag:$0x3], $0x80, s30, s23, $0xb8;
	[tilespmem:$0x1E080] =	vst v63  }
0x99: {  	_ =	swait.ge [sflag:s21], $0x3E80  }
0x9a: {  	[sflag:s21] =	ssyncset.done $0x0  }
0x9b: {  	[sflag:s21] =	ssyncadd.s32 $0xFFFFC180  }
0x9c: {  	_ =	swait.ge [sflag:s29], $0x3E80  }
0x9d: {  	[sflag:s29] =	ssyncset.done $0x0  }
0x9e: {  	[sflag:s29] =	ssyncadd.s32 $0xFFFFC180  }
0x9f: {  	[spmem:s1] =	stream.indirect.scatter.add.f32 [tilespmem:s26], [sflag:$0x3], $0x80, s31, s23, $0xb8;
	[tilespmem:$0x1E080] =	vst v63  }
0xa0: {  	_ =	swait.ge [sflag:s21], $0x3E80  }
0xa1: {  	[sflag:s21] =	ssyncset.done $0x0  }
0xa2: {  	[sflag:s21] =	ssyncadd.s32 $0xFFFFC180  }
0xa3: {  	s2 =	sshrl.u32 @p4 s7, $0x3;
	s6 =	simm.s32 @p4 $0x1FC3;
	[bflag:$0x0] =	sbarrier.arrive $0xFFFF  }
0xa4: {  	[hbm:s16], [sflag:s6] =	dma.local @p4 [spmem:s2], $0x2800  }
0xa5: {  	s2 =	simm.s32 @p4 $0x3  }
0xa6: {  	s0 =	sadd.s32 $0x1, s0;
	_ =	swait.ge @p4 [sflag:s2], $0x2800  }
0xa7: {  	p5 =	sne.s32 s0, s17;
	s6 =	sshll.u32 @!p4 s3, $0x6;
	[sflag:s2] =	ssyncset.done @p4 $0x0  }
0xa8: {  	[sflag:s2] =	ssyncadd.s32 @p4 $0xFFFFD800;
	s2 =	sor.u32 @!p4 $0x1C03, s6;
	s6 =	sshrl.u32 @!p4 s5, $0x3  }
0xa9: {  	[hbm:s15], [sflag:s2] =	dma.local @!p4 [spmem:s6], $0x2700  }
.Ltmp2:
0xaa: {  	_ = 	snop;
	(pc) =	sbr.rel @p5 .LBB2_1-.Ltmp2, $4  }
0xab: {  	s2 =	simm.s32 @!p4 $0x3  }
0xac: {  	_ =	swait.ge @!p4 [sflag:s2], $0x2700  }
0xad: {  	[sflag:s2] =	ssyncset.done @!p4 $0x0  }
0xae: {  	[sflag:s2] =	ssyncadd.s32 @!p4 $0xFFFFD900  }
0xaf: {  	_ =	sfence.sel $0x180000  }
0xb0: {  	[bflag:$0x0] =	sbarrier.arrive $0xFFFF  }
0xb1: {  	_ =	strace $0x9000004D  }
0xb2: {  	[bflag:$0x2] =	sbarrier.arrive $0xFFFF  }
0xb3: {  	p0 =	sne.s32 s3, $0x0;
	s0 =	rddreg [dreg:$0x3]  }
0xb4: {  	s0 =	sadd.s32 @!p0 $0x100000, s0  }
0xb5: {  	[sflag:s0] =	ssyncadd.tile.s32 @!p0 $0x1;
	_ =	shalt  }
.Lfunc_end2:
_tile_overlayer_lowered:
.L_overlay_start_2:
0xb6: {  	(tag) =	ssettag $0x2  }
0xb7: {  	s0 =	rddreg [dreg:$0x0];
	s2 =	stileid.u32  }
0xb8: {  	s1 =	rddreg [dreg:$0x1];
	p0 =	sne.s32 s2, $0x0  }
0xb9: {  	s3 =	rddreg [dreg:$0x2];
	[bflag:$0x3] =	sbarrier.arrive $0xFFFF;
	s2 =	simm.s32 @!p0 $0x1C03  }
0xba: {  	[timem:s3], [sflag:s2] =	dma.local @!p0 [hbm:s0], s1  }
0xbb: {  	s0 =	simm.s32 @!p0 $0x3  }
0xbc: {  	_ =	swait.ge @!p0 [sflag:s0], s1  }
0xbd: {  	s1 =	ssub.s32 @!p0 $0x0, s1;
	[sflag:s0] =	ssyncset.done @!p0 $0x0  }
0xbe: {  	[sflag:s0] =	ssyncadd.s32 @!p0 s1  }
0xbf: {  	[bflag:$0x3] =	sbarrier.arrive $0xFFFF  }
0xc0: {  	_ =	shalt  }

// kernel: kernel.9.cloned.1.call-start
scs
__scs_entry_jumppad:
0x0: {  	(pc) =	sbr.rel $0x88, $3  }
0x1: {  	(tag) =	ssettag $0x0;
	lr =	simm.s32 $0x1  }
0x2: {  	[smem:$0x3F9A] =	sst lr;
	_ =	strace $0xD0000000  }
0x3: {  	_ = 	snop  }
0x4: {  	_ = 	snop  }
0x5: {  	_ = 	snop  }
0x6: {  	_ = 	snop  }
0x7: {  	_ = 	snop  }
__scs_overlays_trampoline_lowered:
0x8: {  	[smem:$0x3FA9] =	sst s0  }
0x9: {  	[smem:$0x3FAA] =	sst s1  }
0xa: {  	[smem:$0x3FAB] =	sst s2  }
0xb: {  	[smem:$0x3FAC] =	sst s3  }
0xc: {  	[smem:$0x3FAD] =	sst s4  }
0xd: {  	[smem:$0x3FAE] =	sst s5  }
0xe: {  	[smem:$0x3FAF] =	sst s6  }
0xf: {  	[smem:$0x3FB0] =	sst s7  }
0x10: {  	[smem:$0x3FB1] =	sst s8  }
0x11: {  	[smem:$0x3FB2] =	sst s9;
	s0 =	simm.s32 @!p0 $0x0  }
0x12: {  	s1 =	sld [smem:$0x3F98];
	s0 =	simm.s32 @p0 $0x1  }
0x13: {  	[smem:$0x3FB3] =	sst s0;
	s0 =	simm.s32 @!p1 $0x0  }
0x14: {  	s2 =	sld [smem:$0x3F97];
	s0 =	simm.s32 @p1 $0x1  }
0x15: {  	[smem:$0x3FB4] =	sst s0;
	s0 =	simm.s32 @!p2 $0x0  }
0x16: {  	s3 =	sld [smem:$0x3FDB];
	s0 =	simm.s32 @p2 $0x1  }
0x17: {  	s4 =	simm.s32 $0x1BF5;
	[smem:$0x3FB6] =	sst s0  }
0x18: {  	s0 =	sld [smem:$0x3F99];
	_ =	swait.ge [sflag:s4], $0x0  }
0x19: {  	s7 =	sld [smem:$0x3F9A]  }
0x1a: {  	s8 =	sadd.s32 $0xFFFFE003, lr  }
0x1b: {  	s9 =	sadd.s32 $0xFFFFFEF7, lr;
	s5 =	simm.s32 $0xFFFFFFFF;
	p2 =	slt.u32 s8, $0xFFFFF086  }
0x1c: {  	p1 =	slt.u32 s9, $0xF7A;
	s5 =	simm.s32 @!p2 $0x0  }
0x1d: {  	s5 =	simm.s32 @p1 $0x1;
	p0 =	seq.s32 s7, s2  }
0x1e: {  	s7 =	smul.u32 @!p0 $0xF7A, s2;
	p2 =	seq.s32 @!p0 s5, $0x0  }
0x1f: {  	s9 =	smul.u32 $0xF7A, s1;
	s8 =	simm.s32 @!p0 $0x1BF5;
	p2 =	por !p2, p0  }
0x20: {  	[sflag:s8] =	ssyncset.s32 @!p0 $0xFFFFF086;
	s6 =	sadd.s32 @!p0 s3, s7;
	s7 =	simm.s32 @!p0 $0x108  }
0x21: {  	s3 =	sadd.s32 s3, s9;
	s6 =	sadd.s32 @!p0 $0x88, s6;
	s7 =	simm.s32 @p2 $0x1082  }
0x22: {  	[simem:s7], [sflag:s8] =	dma.local @!p0 [hbm:s6], $0xF7A  }
0x23: {  	s9 =	sor.u32 $0xD0000000, s2;
	s6 =	simm.s32 $0x108;
	_ =	swait.ge @!p0 [sflag:s8], $0x0  }
0x24: {  	s3 =	sadd.s32 $0x88, s3;
	s6 =	simm.s32 @!p1 $0x1082;
	[sflag:s4] =	ssyncset.s32 $0xFFFFF086  }
0x25: {  	[simem:s6], [sflag:s4] =	dma.local [hbm:s3], $0xF7A  }
0x26: {  	[smem:$0x3F9A] =	sst s1;
	(tag) =	ssettag s2;
	_ =	strace s9  }
0x27: {  	s1 =	sld [smem:$0x3FAA]  }
0x28: {  	s2 =	sld [smem:$0x3FAB]  }
0x29: {  	s4 =	sld [smem:$0x3FAD]  }
0x2a: {  	p0 =	seq.s32 s5, $0x0;
	s5 =	sld [smem:$0x3FAE]  }
0x2b: {  	s6 =	sld [smem:$0x3FAF]  }
0x2c: {  	s7 =	sld [smem:$0x3FB0]  }
0x2d: {  	s3 =	simm.s32 $0x108;
	s8 =	sld [smem:$0x3FB1]  }
0x2e: {  	s3 =	simm.s32 @!p0 $0x1082;
	s9 =	sld [smem:$0x3FB2]  }
0x2f: {  	lr =	sadd.s32 s0, s3;
	s0 =	sld [smem:$0x3FA9]  }
0x30: {  	s3 =	sld [smem:$0x3FAC]  }
0x31: {  	[smem:$0x3FB5] =	sst s10  }
0x32: {  	s10 =	sld [smem:$0x3FB3];
	_ =	sdelay $0x3  }
0x33: {  	p0 =	seq.s32 s10, $0x1;
	s10 =	sld [smem:$0x3FB5];
	_ =	sdelay $0x3  }
0x34: {  	[smem:$0x3FB5] =	sst s10  }
0x35: {  	s10 =	sld [smem:$0x3FB4];
	_ =	sdelay $0x3  }
0x36: {  	p1 =	seq.s32 s10, $0x1;
	s10 =	sld [smem:$0x3FB5];
	_ =	sdelay $0x3  }
0x37: {  	[smem:$0x3FB5] =	sst s10  }
0x38: {  	s10 =	sld [smem:$0x3FB6]  }
0x39: {  	_ = 	snop;
	(pc) =	sbr.ind lr, $3  }
0x3a: {  	_ = 	snop  }
0x3b: {  	_ = 	snop  }
0x3c: {  	p2 =	seq.s32 s10, $0x1;
	s10 =	sld [smem:$0x3FB5]  }
0x3d: {  	_ =	shalt  }
0x3e: {  	_ =	shalt  }
0x3f: {  	_ =	shalt  }
0x40: {  	_ =	shalt  }
0x41: {  	_ =	shalt  }
0x42: {  	_ =	shalt  }
0x43: {  	_ =	shalt  }
0x44: {  	_ =	shalt  }
0x45: {  	_ =	shalt  }
0x46: {  	_ =	shalt  }
0x47: {  	_ =	shalt  }
0x48: {  	_ =	shalt  }
0x49: {  	_ =	shalt  }
0x4a: {  	_ =	shalt  }
0x4b: {  	_ =	shalt  }
0x4c: {  	_ =	shalt  }
0x4d: {  	_ =	shalt  }
0x4e: {  	_ =	shalt  }
0x4f: {  	_ =	shalt  }
0x50: {  	_ =	shalt  }
0x51: {  	_ =	shalt  }
0x52: {  	_ =	shalt  }
0x53: {  	_ =	shalt  }
0x54: {  	_ =	shalt  }
0x55: {  	_ =	shalt  }
0x56: {  	_ =	shalt  }
0x57: {  	_ =	shalt  }
0x58: {  	_ =	shalt  }
0x59: {  	_ =	shalt  }
0x5a: {  	_ =	shalt  }
0x5b: {  	_ =	shalt  }
0x5c: {  	_ =	shalt  }
0x5d: {  	_ =	shalt  }
0x5e: {  	_ =	shalt  }
0x5f: {  	_ =	shalt  }
0x60: {  	_ =	shalt  }
0x61: {  	_ =	shalt  }
0x62: {  	_ =	shalt  }
0x63: {  	_ =	shalt  }
0x64: {  	_ =	shalt  }
0x65: {  	_ =	shalt  }
0x66: {  	_ =	shalt  }
0x67: {  	_ =	shalt  }
0x68: {  	_ =	shalt  }
0x69: {  	_ =	shalt  }
0x6a: {  	_ =	shalt  }
0x6b: {  	_ =	shalt  }
0x6c: {  	_ =	shalt  }
0x6d: {  	_ =	shalt  }
0x6e: {  	_ =	shalt  }
0x6f: {  	_ =	shalt  }
0x70: {  	_ =	shalt  }
0x71: {  	_ =	shalt  }
0x72: {  	_ =	shalt  }
0x73: {  	_ =	shalt  }
0x74: {  	_ =	shalt  }
0x75: {  	_ =	shalt  }
0x76: {  	_ =	shalt  }
0x77: {  	_ =	shalt  }
0x78: {  	_ =	shalt  }
0x79: {  	_ =	shalt  }
0x7a: {  	_ =	shalt  }
0x7b: {  	_ =	shalt  }
0x7c: {  	_ =	shalt  }
0x7d: {  	_ =	shalt  }
0x7e: {  	_ =	shalt  }
0x7f: {  	_ =	shalt  }
0x80: {  	_ =	shalt  }
0x81: {  	_ =	shalt  }
0x82: {  	_ =	shalt  }
0x83: {  	_ =	shalt  }
0x84: {  	_ =	shalt  }
0x85: {  	_ =	shalt  }
0x86: {  	_ =	shalt  }
0x87: {  	_ =	shalt  }
.Lfunc_end0:
.L_simem_size_0:
called_computation_lowered:
.L_overlay_start_0:
0x88: {  	s2 =	sld [smem:$0x3FD9]  }
0x89: {  	s3 =	sld [smem:$0x3FFE];
	_ =	sdelay $0x1  }
0x8a: {  	s1 =	srdreg.scid  }
0x8b: {  	s0 =	sand.u32 $0x1, s1  }
0x8c: {  	s17 =	sshll.u32 s0, $0xA;
	s2 =	sadd.s32 s3, s2  }
0x8d: {  	s2 =	sadd.s32 s2, s17  }
0x8e: {  	[smem:$0x3FC1] =	sst s2  }
0x8f: {  	_ = 	snop  }
0x90: {  	s2 =	sld [smem:$0x3FD0];
	(tm) =	ssettm $0x1  }
0x91: {  	s18 =	sld [smem:$0x3FFB];
	_ =	sdelay $0x3  }
0x92: {  	_ =	strace s18  }
0x93: {  	s3 =	sld [smem:$0x3FFC];
	_ =	sdelay $0x3  }
0x94: {  	_ =	strace s3  }
0x95: {  	s3 =	sld [smem:$0x3FFD];
	_ =	sdelay $0x3  }
0x96: {  	_ =	strace s3  }
0x97: {  	_ =	strace $0x8FFFFFFF  }
0x98: {  	s19 =	sld [smem:$0x3FDB];
	_ =	sdelay $0x1  }
0x99: {  	s4 =	simm.s32 $_scs_section_size  }
0x9a: {  	s5 =	simm.s32 $_size__tile_overlayer_lowered;
	s6 =	simm.s32 $_tile_overlayer_lowered  }
0x9b: {  	s22 =	simm.s32 $0x1BFF;
	s21 =	sshll.u32 s6, $0x1;
	s3 =	sadd.s32 s4, s19  }
0x9c: {  	s7 =	simm.s32 $0x0;
	s20 =	sshll.u32 s5, $0x1;
	s5 =	sadd.s32 s21, s3  }
0x9d: {  	[timem:s7], [sflag:s22] =	dma.local [hbm:s5], s20  }
0x9e: {  	_ =	swait.ge [sflag:s22], s20  }
0x9f: {  	s4 =	ssub.s32 $0x0, s20;
	[sflag:s22] =	ssyncset.done $0x0  }
0xa0: {  	[sflag:s22] =	ssyncadd.s32 s4;
	_ =	sdelay $0x1  }
0xa1: {  	s23 =	simm.s32 $0x1B8B  }
0xa2: {  	_ =	swait.ge [sflag:s23], $0x1  }
0xa3: {  	[sflag:s23] =	ssyncset.done $0x0  }
0xa4: {  	s25 =	simm.s32 $0x1B8E;
	s24 =	sld [smem:$0x3FFE];
	[sflag:s23] =	ssyncadd.s32 $0xFFFFFFFF  }
0xa5: {  	s26 =	simm.s32 $execute0_lowered;
	[smem:$0x3FD2] =	sst s25  }
0xa6: {  	s5 =	sshll.u32 s26, $0x1;
	_ =	strace $0x80000046;
	[dreg:$0x1] =	wrdreg $0xFFFFFFFF  }
0xa7: {  	s28 =	simm.s32 $_size_execute0_lowered;
	s3 =	sadd.s32 s3, s5;
	[dreg:$0x0] =	wrdreg $0x0  }
0xa8: {  	s5 =	sshll.u32 s28, $0x1;
	[dreg:$0x2] =	wrdreg s3  }
0xa9: {  	[dreg:$0x3] =	wrdreg s5  }
0xaa: {  	[dreg:$0x4] =	wrdreg $0xC0  }
0xab: {  	_ =	task [dreg:s7], $0x5FFFF  }
0xac: {  	[dreg:$0x1] =	wrdreg $0xFFFFFFFF  }
0xad: {  	[dreg:$0x0] =	wrdreg $0x60  }
0xae: {  	[dreg:$0x2] =	wrdreg s24  }
0xaf: {  	[dreg:$0x3] =	wrdreg s2  }
0xb0: {  	[dreg:$0x4] =	wrdreg $0x0  }
0xb1: {  	[dreg:$0x5] =	wrdreg $0x9  }
0xb2: {  	_ =	task.clear_ibuf [dreg:s7], $0x6FFFF;
	_ =	strace $0x90000046  }
0xb3: {  	s29 =	simm.s32 $0x9;
	_ =	strace $0x80000048  }
0xb4: {  	_ =	swait.ge [sflag:s29], $0x1  }
0xb5: {  	[sflag:s29] =	ssyncadd.s32 $0xFFFFFFFF  }
0xb6: {  	_ =	strace $0x90000048  }
0xb7: {  	_ =	sfence  }
0xb8: {  	s30 =	sld [smem:$0x0];
	_ =	sdelay $0x2  }
0xb9: {  	s31 =	sshll.u32 s1, $0xD;
	s1 =	sshrl.u32 s1, $0x2  }
0xba: {  	s3 =	sand.u32 $0x4000, s31;
	s1 =	sadd.s32 s1, s30  }
0xbb: {  	s0 =	sor.u32 s3, s0;
	s1 =	sshll.u32 s1, $0x11  }
0xbc: {  	s0 =	sor.u32 s1, s0  }
0xbd: {  	s0 =	sadd.s32 $0x8F2B, s0  }
0xbe: {  	[sflag:s0] =	ssyncadd.remote.s32 $0x1  }
0xbf: {  	_ =	sfence.sel $0xFFFF  }
0xc0: {  	[dreg:$0x0] =	wrdreg $0xFFFFFFFF;
	(pc) =	sbr.abs _section_cstart, $3  }
0xc1: {  	[dreg:$0x1] =	wrdreg $0xFFFFFFFF  }
0xc2: {  	_ =	task.clear_ibuf [dreg:s7], $0x2FFFF;
	_ =	strace $0x9FFFFFFF  }
0xc3: {  	(tm) =	ssettm $0x7FFFFFFF  }
tec
execute0_lowered:
.L_overlay_start_1:
0x0: {  	(tag) =	ssettag $0x1  }
0x1: {  	s5 =	rddreg [dreg:$0x0]  }
0x2: {  	s6 =	rddreg [dreg:$0x1]  }
0x3: {  	s0 =	srdreg.scid;
	s2 =	rddreg [dreg:$0x2]  }
0x4: {  	s1 =	stileid.u32;
	s3 =	simm.s32 $0x0;
	s15 =	simm.s32 $0x1  }
0x5: {  	s16 =	simm.s32 $0x17880;
	s17 =	simm.s32 $0x7D;
	s18 =	simm.s32 $0x0  }
0x6: {  	s7 =	sand.u32 $0x1, s0;
	s0 =	rddreg [dreg:$0x3];
	s9 =	smul.u32 $0x4E000, s1  }
0x7: {  	[smem:$0x7FF] =	sst s3;
	s10 =	sadd.s32 $0xC800, s5;
	s11 =	smul.u32 $0x2700, s1  }
0x8: {  	s29 =	smul.u32 $0x13800, s1;
	p0 =	seq.s32 s1, $0xF;
	s4 =	sshll.u32 s7, $0x4  }
0x9: {  	_ =	strace $0x80000047;
	s28 =	ssub.s32 $0x2, s7;
	s13 =	smul.u32 $0x138800, s7  }
0xa: {  	s4 =	sor.u32 s1, s4;
	s12 =	sshrl.u32 s28, $0x1;
	s9 =	sshrl.u32 s9, $0x2  }
0xb: {  	s4 =	smul.u32 $0x500, s4;
	s12 =	ssub.s32 s28, s12;
	s14 =	sadd.s32 s9, s2  }
0xc: {  	s30 =	sadd.s32 s29, s13;
	s31 =	sshrl.u32 s13, $0x3;
	s13 =	sshll.u32 @!p0 s1, $0x6  }
0xd: {  	s9 =	sadd.s32 s10, s31;
	s8 =	sadd.s32 s4, s5;
	s4 =	sadd.s32 $0xC000, s5  }
0xe: {  	s5 =	sadd.s32 s6, s11;
	s11 =	sadd.s32 $0x124800, s2;
	s6 =	sadd.s32 $0x24900, s6  }
0xf: {  	s9 =	sadd.s32 $0x24900, s9;
	s7 =	sadd.s32 $0x2000, s8;
	s8 =	sshrl.u32 s30, $0x3  }
0x10: {  	s11 =	sshrl.u32 @p0 s11, $0x3;
	s8 =	sadd.s32 s10, s8;
	s10 =	smax.u32 s12, $0x1  }
0x11: {  	s12 =	sor.u32 @!p0 $0x1C01, s13;
	s13 =	sshrl.u32 @!p0 s14, $0x3;
	s14 =	simm.s32 $0x13880  }
.LBB2_1:
0x12: {  	s19 =	simm.s32 @p0 $0x1FC1  }
0x13: {  	[spmem:s11], [sflag:s19] =	dma.local @p0 [hbm:s6], $0x2800  }
0x14: {  	s19 =	simm.s32 @p0 $0x1  }
0x15: {  	_ =	swait.ge @p0 [sflag:s19], $0x2800  }
0x16: {  	[sflag:s19] =	ssyncset.done @p0 $0x0  }
0x17: {  	[sflag:s19] =	ssyncadd.s32 @p0 $0xFFFFD800;
	s19 =	simm.s32 @!p0 $0x1  }
0x18: {  	[spmem:s13], [sflag:s12] =	dma.local @!p0 [hbm:s5], $0x2700  }
0x19: {  	_ =	swait.ge @!p0 [sflag:s19], $0x2700  }
0x1a: {  	[sflag:s19] =	ssyncset.done @!p0 $0x0  }
0x1b: {  	[sflag:s19] =	ssyncadd.s32 @!p0 $0xFFFFD900  }
0x1c: {  	[tilespmem:s14], [sflag:$0x1] =	stream.linear.gather [hbm4b:s4+s3], $0x3E80, $0x38;
	[tilespmem:$0x1A080] =	vst v63  }
0x1d: {  	_ =	swait.ge [sflag:s15], $0x3E80  }
0x1e: {  	[sflag:s15] =	ssyncset.done $0x0  }
0x1f: {  	[sflag:s15] =	ssyncadd.s32 $0xFFFFC180  }
0x20: {  	[tilespmem:s16], [sflag:$0x1] =	stream.linear.gather [hbm4b:s7+s3], $0x2800, $0x38;
	[tilespmem:$0x1A080] =	vst v63  }
0x21: {  	_ =	swait.ge [sflag:s15], $0x2800  }
0x22: {  	[sflag:s15] =	ssyncset.done $0x0  }
0x23: {  	[sflag:s15] =	ssyncadd.s32 $0xFFFFD800  }
0x24: {  	s31 =	simm.s32 $0x17880;
	[bflag:$0x0] =	sbarrier.arrive $0xFFFF  }
0x25: {  	[spmem:s2] =	stream.indirect.scatter.add.f32 [tilespmem:s14], [sflag:$0x1], $0x80, s31, s17, $0xb8;
	[tilespmem:$0x1A080] =	vst v63  }
0x26: {  	s19 =	simm.s32 $0x200;
	_ =	swait.ge [sflag:s15], $0x3E80  }
.LBB2_2:
0x27: {  	s20 =	sshra.s32 s19, $0x2;
	[sflag:s15] =	ssyncset.done $0x0;
	p1 =	sne.s32 s19, $0x9E00  }
.Ltmp0:
0x28: {  	s20 =	sadd.s32 $0x17880, s20;
	[sflag:s15] =	ssyncadd.s32 $0xFFFFC180;
	(pc) =	sbr.rel @p1 .LBB2_2-.Ltmp0, $3  }
0x29: {  	[spmem:s2] =	stream.indirect.scatter.add.f32 [tilespmem:s14], [sflag:$0x1], $0x80, s20, s17, $0xb8;
	[tilespmem:$0x1A080] =	vst v63  }
0x2a: {  	s19 =	sadd.s32 $0x200, s19;
	_ =	sdelay $0x1  }
0x2b: {  	_ =	swait.ge [sflag:s15], $0x3E80  }
0x2c: {  	[sflag:s15] =	ssyncset.done $0x0  }
0x2d: {  	[sflag:s15] =	ssyncadd.s32 $0xFFFFC180  }
0x2e: {  	s19 =	simm.s32 @p0 $0x1FC1;
	[bflag:$0x0] =	sbarrier.arrive $0xFFFF  }
0x2f: {  	[hbm:s9], [sflag:s19] =	dma.local @p0 [spmem:s11], $0x2800  }
0x30: {  	s19 =	simm.s32 @p0 $0x1  }
0x31: {  	s18 =	sadd.s32 $0x1, s18;
	_ =	swait.ge @p0 [sflag:s19], $0x2800  }
0x32: {  	p1 =	sne.s32 s18, s10;
	[sflag:s19] =	ssyncset.done @p0 $0x0  }
.Ltmp1:
0x33: {  	[sflag:s19] =	ssyncadd.s32 @p0 $0xFFFFD800;
	s19 =	simm.s32 @!p0 $0x1;
	(pc) =	sbr.rel @p1 .LBB2_1-.Ltmp1, $4  }
0x34: {  	[hbm:s8], [sflag:s12] =	dma.local @!p0 [spmem:s13], $0x2700  }
0x35: {  	_ =	swait.ge @!p0 [sflag:s19], $0x2700  }
0x36: {  	[sflag:s19] =	ssyncset.done @!p0 $0x0  }
0x37: {  	[sflag:s19] =	ssyncadd.s32 @!p0 $0xFFFFD900  }
0x38: {  	_ =	sfence.sel $0x180000  }
0x39: {  	[bflag:$0x0] =	sbarrier.arrive $0xFFFF  }
0x3a: {  	p0 =	sne.s32 s1, $0x0;
	_ =	strace $0x90000047  }
0x3b: {  	s0 =	sadd.s32 @!p0 $0x100000, s0;
	[bflag:$0x2] =	sbarrier.arrive $0xFFFF  }
0x3c: {  	[sflag:s0] =	ssyncadd.tile.s32 @!p0 $0x1;
	_ =	shalt  }
.Lfunc_end2:
_tile_overlayer_lowered:
.L_overlay_start_2:
0x3d: {  	(tag) =	ssettag $0x2  }
0x3e: {  	s0 =	rddreg [dreg:$0x0];
	s2 =	stileid.u32  }
0x3f: {  	s1 =	rddreg [dreg:$0x1];
	p0 =	sne.s32 s2, $0x0  }
0x40: {  	s3 =	rddreg [dreg:$0x2];
	[bflag:$0x3] =	sbarrier.arrive $0xFFFF;
	s2 =	simm.s32 @!p0 $0x1C01  }
0x41: {  	[timem:s3], [sflag:s2] =	dma.local @!p0 [hbm:s0], s1  }
0x42: {  	s0 =	simm.s32 @!p0 $0x1  }
0x43: {  	_ =	swait.ge @!p0 [sflag:s0], s1  }
0x44: {  	s1 =	ssub.s32 @!p0 $0x0, s1;
	[sflag:s0] =	ssyncset.done @!p0 $0x0  }
0x45: {  	[sflag:s0] =	ssyncadd.s32 @!p0 s1  }
0x46: {  	[bflag:$0x3] =	sbarrier.arrive $0xFFFF  }
0x47: {  	_ =	shalt  }

</sc_bundles>
